<compile_context>
chip_gen: v7x
topology: tpu7x:2x2x1
jax: 0.10.2.dev20260603
libtpu: 0.0.44.dev20260713+nightly
codegen_flags: <defaults>
</compile_context>

<pallas_src>
import functools

import jax
import jax.numpy as jnp
from jax import lax
from jax.experimental import pallas as pl
from jax.experimental.pallas import tpu as pltpu
from jax.experimental.pallas import tpu_sc as plsc

N = 10000
E = 320000
D = 128
H1 = 50
DE = 16
H2 = 80
TW = 64

CH = 128
NCHUNK_REAL = E // CH
NC, NS = 2, 16
NTILE = NC * NS
CPT = 80
NBUF = 4
assert (NTILE - 1) * CPT < NCHUNK_REAL <= NTILE * CPT
RPT = 632
N_ACC = RPT * NS

ROWS_BLK = 2000
NBLK = N // ROWS_BLK

_SELU_ALPHA = 1.6732632423543772
_SELU_SCALE = 1.0507009873554805


def _selu(x):
    return _SELU_SCALE * jnp.where(x > 0, x, _SELU_ALPHA * (jnp.exp(x) - 1.0))



def _mesh():
    return plsc.VectorSubcoreMesh(
        core_axis_name="c", subcore_axis_name="s",
        num_cores=NC, num_subcores=NS)


TAIL = NCHUNK_REAL - (NTILE - 1) * CPT


def _stage_idx(idx3, buf, base, full):

    @pl.when(full)
    def _():
        pltpu.sync_copy(idx3.at[pl.ds(base, CPT)], buf)

    @pl.when(jnp.logical_not(full))
    def _():
        pltpu.sync_copy(idx3.at[pl.ds(base, TAIL)], buf.at[pl.ds(0, TAIL)])


@functools.lru_cache(maxsize=None)
def _make_edge_agg():
    scratch = [
        pltpu.VMEM_SHARED((N_ACC, TW), jnp.bfloat16),
        pltpu.VMEM((CPT, 2, CH), jnp.int32),
        pltpu.VMEM((NBUF, CH, TW), jnp.bfloat16),
        pltpu.SemaphoreType.DMA((NBUF,)),
        pltpu.SemaphoreType.DMA((NBUF,)),
    ]

    def body(table, idx3, z64, out_agg, acc, idxl, rows, gsem, ssem):
        c = lax.axis_index("c")
        s = lax.axis_index("s")
        base = (c * NS + s) * CPT

        pltpu.sync_copy(z64.at[pl.ds(s * RPT, RPT)], acc.at[pl.ds(s * RPT, RPT)])

        n_real = jnp.minimum(NCHUNK_REAL - base, CPT)
        _stage_idx(idx3, idxl, base, base + CPT <= NCHUNK_REAL)

        plsc.subcore_barrier()

        def fire_g(j, slot):
            pltpu.async_copy(table.at[idxl.at[j, 0]], rows.at[slot],
                             gsem.at[slot])

        def wait_g(j, slot):
            pltpu.make_async_copy(table.at[idxl.at[j, 0]], rows.at[slot],
                                  gsem.at[slot]).wait()

        def fire_s(j, slot):
            pltpu.async_copy(rows.at[slot], acc.at[idxl.at[j, 1]],
                             ssem.at[slot], add=True)

        def wait_s(j, slot):
            pltpu.make_async_copy(rows.at[slot], acc.at[idxl.at[j, 1]],
                                  ssem.at[slot]).wait()

        for p in range(NBUF - 1):
            @pl.when(p < n_real)
            def _(p=p):
                fire_g(p, p)

        def step(j, carry):
            slot = lax.rem(j, NBUF)
            fslot = lax.rem(j + NBUF - 1, NBUF)

            @pl.when(j + NBUF - 1 < n_real)
            def _():
                @pl.when(j >= 1)
                def _():
                    wait_s(j - 1, fslot)

                fire_g(j + NBUF - 1, fslot)

            wait_g(j, slot)
            fire_s(j, slot)
            return carry

        lax.fori_loop(0, n_real, step, 0)

        def drain(k, carry):
            j = n_real - NBUF + k

            @pl.when(j >= 0)
            def _():
                wait_s(j, lax.rem(j, NBUF))
            return carry

        lax.fori_loop(0, NBUF, drain, 0)

        plsc.subcore_barrier()

        pltpu.sync_copy(acc.at[pl.ds(s * RPT, RPT)],
                        out_agg.at[c, pl.ds(s * RPT, RPT)])

    return pl.kernel(body,
                     out_type=jax.ShapeDtypeStruct((NC, N_ACC, TW),
                                                   jnp.bfloat16),
                     mesh=_mesh(), scratch_types=scratch,
                     compiler_params=pltpu.CompilerParams(
                         use_tc_tiling_on_sc=False))


@functools.lru_cache(maxsize=None)
def _make_attr_agg():
    scratch = [
        pltpu.VMEM_SHARED((N_ACC, DE), jnp.float32),
        pltpu.VMEM((CPT, 2, CH), jnp.int32),
        pltpu.VMEM((2, CH, DE), jnp.float32),
        pltpu.SemaphoreType.DMA((2,)),
        pltpu.SemaphoreType.DMA((2,)),
    ]

    def body(idx3, attr, z16, out_sattr, acc2, idxl, attrb, asem, ssem):
        c = lax.axis_index("c")
        s = lax.axis_index("s")
        base = (c * NS + s) * CPT

        pltpu.sync_copy(z16.at[pl.ds(s * RPT, RPT)],
                        acc2.at[pl.ds(s * RPT, RPT)])

        n_real = jnp.minimum(NCHUNK_REAL - base, CPT)
        _stage_idx(idx3, idxl, base, base + CPT <= NCHUNK_REAL)

        plsc.subcore_barrier()

        def fire_a(j, slot):
            pltpu.async_copy(attr.at[pl.ds((base + j) * CH, CH)],
                             attrb.at[slot], asem.at[slot])

        def wait_a(j, slot):
            pltpu.make_async_copy(attr.at[pl.ds((base + j) * CH, CH)],
                                  attrb.at[slot], asem.at[slot]).wait()

        def fire_s(j, slot):
            pltpu.async_copy(attrb.at[slot], acc2.at[idxl.at[j, 1]],
                             ssem.at[slot], add=True)

        def wait_s(j, slot):
            pltpu.make_async_copy(attrb.at[slot], acc2.at[idxl.at[j, 1]],
                                  ssem.at[slot]).wait()

        fire_a(0, 0)

        def step(j, carry):
            slot = lax.rem(j, 2)
            nslot = lax.rem(j + 1, 2)

            @pl.when(j + 1 < n_real)
            def _():
                @pl.when(j >= 1)
                def _():
                    wait_s(j - 1, nslot)

                fire_a(j + 1, nslot)

            wait_a(j, slot)
            fire_s(j, slot)
            return carry

        lax.fori_loop(0, n_real, step, 0)

        wait_s(n_real - 2, lax.rem(n_real - 2, 2))
        wait_s(n_real - 1, lax.rem(n_real - 1, 2))

        plsc.subcore_barrier()

        pltpu.sync_copy(acc2.at[pl.ds(s * RPT, RPT)],
                        out_sattr.at[c, pl.ds(s * RPT, RPT)])

    return pl.kernel(body,
                     out_type=jax.ShapeDtypeStruct((NC, N_ACC, DE),
                                                   jnp.float32),
                     mesh=_mesh(), scratch_types=scratch,
                     compiler_params=pltpu.CompilerParams(
                         use_tc_tiling_on_sc=False))



def _dot(a, b):
    return jnp.dot(a, b, preferred_element_type=jnp.float32)


def _pre0_body(x_ref, vw_ref, oh_ref, out_ref):
    out_ref[...] = (_dot(x_ref[...], vw_ref[...])
                    + oh_ref[...]).astype(jnp.bfloat16)


def _mid_body(h_ref, agg_ref, sat_ref, a_ref, b_ref, dm_ref, bias_ref,
              vw_ref, oh_ref, h_out, hv_out):
    agg = (agg_ref[0].astype(jnp.float32)
           + agg_ref[1].astype(jnp.float32))
    sat = sat_ref[0] + sat_ref[1]
    z = (_dot(h_ref[...], a_ref[...]) + _dot(agg, b_ref[...])
         + _dot(sat, dm_ref[...]) + bias_ref[...])
    h = _selu(z)
    h_out[...] = h
    hv_out[...] = (_dot(h, vw_ref[...]) + oh_ref[...]).astype(jnp.bfloat16)


def _final_body(h_ref, agg_ref, sat_ref, x_ref, a_ref, b_ref, dm_ref,
                bias_ref, rh_ref, rx_ref, rb_ref, out_ref):
    i = pl.program_id(0)
    agg = (agg_ref[0].astype(jnp.float32)
           + agg_ref[1].astype(jnp.float32))
    sat = sat_ref[0] + sat_ref[1]
    z = (_dot(h_ref[...], a_ref[...]) + _dot(agg, b_ref[...])
         + _dot(sat, dm_ref[...]) + bias_ref[...])
    h = _selu(z)
    r = _selu(_dot(h, rh_ref[...]) + _dot(x_ref[...], rx_ref[...])
              + rb_ref[...])

    @pl.when(i == 0)
    def _():
        out_ref[...] = jnp.zeros_like(out_ref)

    out_ref[...] += jnp.sum(r, axis=0, keepdims=True)


def _rows(shape):
    return pl.BlockSpec(shape, lambda i: (i, 0))


def _whole2(shape):
    return pl.BlockSpec(shape, lambda i: (0, 0))


def _whole3(shape):
    return pl.BlockSpec(shape, lambda i: (0, i, 0))


def _pre0(x, vw, oh):
    return pl.pallas_call(
        _pre0_body, grid=(NBLK,),
        in_specs=[_rows((ROWS_BLK, D)), _whole2((D, TW)), _whole2((1, TW))],
        out_specs=_rows((ROWS_BLK, TW)),
        out_shape=jax.ShapeDtypeStruct((N, TW), jnp.bfloat16),
    )(x, vw, oh)


def _mid(h, agg_p, sat_p, a, b, dm, bias, vw, oh):
    return pl.pallas_call(
        _mid_body, grid=(NBLK,),
        in_specs=[
            _rows((ROWS_BLK, D)),
            _whole3((NC, ROWS_BLK, TW)),
            _whole3((NC, ROWS_BLK, DE)),
            _whole2((D, D)), _whole2((TW, D)), _whole2((DE, D)),
            _whole2((1, D)), _whole2((D, TW)), _whole2((1, TW)),
        ],
        out_specs=(_rows((ROWS_BLK, D)), _rows((ROWS_BLK, TW))),
        out_shape=(jax.ShapeDtypeStruct((N, D), jnp.float32),
                   jax.ShapeDtypeStruct((N, TW), jnp.bfloat16)),
    )(h, agg_p, sat_p, a, b, dm, bias, vw, oh)


def _final(h, agg_p, sat_p, x, a, b, dm, bias, rh, rx, rb):
    return pl.pallas_call(
        _final_body, grid=(NBLK,),
        in_specs=[
            _rows((ROWS_BLK, D)),
            _whole3((NC, ROWS_BLK, TW)),
            _whole3((NC, ROWS_BLK, DE)),
            _rows((ROWS_BLK, D)),
            _whole2((D, D)), _whole2((TW, D)), _whole2((DE, D)),
            _whole2((1, D)), _whole2((D, H2)), _whole2((D, H2)),
            _whole2((1, H2)),
        ],
        out_specs=_whole2((1, H2)),
        out_shape=jax.ShapeDtypeStruct((1, H2), jnp.float32),
    )(h, agg_p, sat_p, x, a, b, dm, bias, rh, rx, rb)



def kernel(x, edge_index, edge_attr, params):
    f32 = jnp.float32
    uw, ub = params["U_w"], params["U_b"]
    vw, vb = params["V_w"], params["V_b"]
    ew, eb = params["E_w"], params["E_b"]
    rw, rb = params["R_w"], params["R_b"]

    a_w = uw[:, :D, :]
    b_mid = uw[:, D:D + H1, :]
    u_tail = uw[:, D + H1:, :]
    crow = (jnp.einsum("kh,khd->kd", vb, b_mid)
            + jnp.einsum("e,ked->kd", eb, u_tail))
    b_w = jnp.zeros((3, TW, D), f32).at[:, :H1, :].set(b_mid)
    b_w = b_w.at[:, H1, :].set(crow)
    dm_w = jnp.einsum("ef,kfd->ked", ew, u_tail)
    vp = jnp.zeros((3, D, TW), f32).at[:, :, :H1].set(vw)
    oh = jnp.zeros((1, TW), f32).at[0, H1].set(1.0)
    ub2 = ub[:, None, :]
    rh, rx = rw[:D, :], rw[D:, :]
    rb2 = rb[None, :]

    idx3 = (edge_index.astype(jnp.int32)
            .reshape(2, NCHUNK_REAL, CH).transpose(1, 0, 2))
    z64 = jnp.zeros((N_ACC, TW), jnp.bfloat16)
    z16 = jnp.zeros((N_ACC, DE), f32)

    xv = _pre0(x, vp[0], oh)
    agg0 = _make_edge_agg()(xv, idx3, z64)
    sat = _make_attr_agg()(idx3, edge_attr, z16)
    h1, h1v = _mid(x, agg0, sat, a_w[0], b_w[0], dm_w[0], ub2[0], vp[1], oh)
    agg1 = _make_edge_agg()(h1v, idx3, z64)
    h2, h2v = _mid(h1, agg1, sat, a_w[1], b_w[1], dm_w[1], ub2[1], vp[2], oh)
    agg2 = _make_edge_agg()(h2v, idx3, z64)
    colsum = _final(h2, agg2, sat, x, a_w[2], b_w[2], dm_w[2], ub2[2],
                    rh, rx, rb2)
    readout = jnp.tanh(colsum)
    return readout @ params["lin0_w"] + params["lin0_b"]

# --- scband reference (transcript-rebuilt; emitter-appended) ---
"""Pipeline reference for scband-mpnn-1623497638117 (READ-ONLY COPY).

The authoritative reference and input builder live on the scoring server;
editing this copy changes nothing except your own understanding.
"""

import jax, jax.numpy as jnp
import numpy as np

N_NODES = 10000
N_EDGES = 320000
D_FEAT = 128
D_EDGE = 16
N_LAYER = 3
E_HID = 16
H1 = 50
H2 = 80


def setup_inputs(seed: int = 0) -> dict:
    key = jax.random.key(seed)
    ks = jax.random.split(key, 14)
    x = jax.random.normal(ks[0], (N_NODES, D_FEAT), dtype=jnp.float32)
    edge_index = jax.random.randint(ks[1], (2, N_EDGES), 0, N_NODES)
    edge_attr = jax.random.normal(ks[2], (N_EDGES, D_EDGE), dtype=jnp.float32)
    u_in = D_FEAT + H1 + E_HID
    params = {
        "U_w": jax.random.normal(ks[3], (N_LAYER, u_in, D_FEAT), dtype=jnp.float32) * 0.05,
        "U_b": jax.random.normal(ks[4], (N_LAYER, D_FEAT), dtype=jnp.float32) * 0.05,
        "V_w": jax.random.normal(ks[5], (N_LAYER, D_FEAT, H1), dtype=jnp.float32) * 0.05,
        "V_b": jax.random.normal(ks[6], (N_LAYER, H1), dtype=jnp.float32) * 0.05,
        "E_w": jax.random.normal(ks[7], (D_EDGE, E_HID), dtype=jnp.float32) * 0.05,
        "E_b": jax.random.normal(ks[8], (E_HID,), dtype=jnp.float32) * 0.05,
        "R_w": jax.random.normal(ks[9], (2 * D_FEAT, H2), dtype=jnp.float32) * 0.05,
        "R_b": jax.random.normal(ks[10], (H2,), dtype=jnp.float32) * 0.05,
        "lin0_w": jax.random.normal(ks[11], (H2, 1), dtype=jnp.float32) * 0.05,
        "lin0_b": jax.random.normal(ks[12], (1,), dtype=jnp.float32) * 0.05,
    }
    return {"x": x, "edge_index": edge_index, "edge_attr": edge_attr, "params": params}


def reference(x, edge_index, edge_attr, params):
    src = edge_index[0]
    dst = edge_index[1]
    h = x
    for k in range(N_LAYER):
        # m_w = V[k](h[w]) for each edge (v, w): gather source node states
        m_w = h[src] @ params["V_w"][k] + params["V_b"][k]          # [E, H1]
        # m_e_vw = E(e_vw): edge feature transform
        m_e = edge_attr @ params["E_w"] + params["E_b"]              # [E, E_HID]
        msg = jnp.concatenate([m_w, m_e], axis=1)                    # [E, H1+E_HID]
        # aggregate messages at destination nodes (scatter-add)
        agg = jax.ops.segment_sum(msg, dst, num_segments=N_NODES)    # [N, H1+E_HID]
        # h[v] = selu(U[k](cat(h[v], m_w, m_e_vw)))
        h = jax.nn.selu(
            jnp.concatenate([h, agg], axis=1) @ params["U_w"][k] + params["U_b"][k]
        )                                                            # [N, D_FEAT]
    # readout: sum_v selu(R(cat(h[v], x[v]))), then tanh, then lin0
    r = jax.nn.selu(jnp.concatenate([h, x], axis=1) @ params["R_w"] + params["R_b"])  # [N, H2]
    readout = jnp.tanh(jnp.sum(r, axis=0, keepdims=True))            # [1, H2]
    return readout @ params["lin0_w"] + params["lin0_b"]             # [1, 1]

if __name__ == "__main__":
    import jax
    _d = setup_inputs()
    print(jax.jit(kernel)(*tuple(_d.values())))

</pallas_src>

<mosaic_0001>
#map = affine_map<(d0, d1) -> (0, 0)>
#map1 = affine_map<(d0, d1) -> (0, 0, 0)>
module attributes {stable_mosaic.version = 14 : i64} {
  func.func @body(%arg0: i32, %arg1: i32, %arg2: memref<10000x64xbf16, #tpu.memory_space<hbm>>, %arg3: memref<2500x2x128xi32, #tpu.memory_space<hbm>>, %arg4: memref<10112x64xbf16, #tpu.memory_space<hbm>>, %arg5: memref<2x10112x64xbf16, #tpu.memory_space<hbm>>, %arg6: memref<10112x64xbf16, #tpu.memory_space<vmem_shared>>, %arg7: memref<80x2x128xi32, #tpu.memory_space<vmem>>, %arg8: memref<4x128x64xbf16, #tpu.memory_space<vmem>>, %arg9: memref<4x!tpu.dma_semaphore, #tpu.memory_space<semaphore_mem>>, %arg10: memref<4x!tpu.dma_semaphore, #tpu.memory_space<semaphore_mem>>) attributes {dimension_semantics = [#tpu.dimension_semantics<core_parallel>, #tpu.dimension_semantics<subcore_parallel>], iteration_bounds = array<i64: 2, 16>, scalar_prefetch = 0 : i64, scratch_operands = 5 : i64, tpu.core_type = #tpu.core_type<sc_vector_subcore>, window_params = [{transform_indices = #map}, {transform_indices = #map1}, {transform_indices = #map}, {transform_indices = #map1}]} {
    %mul3A = arith.constant 16 : i32
    %mul3A_0 = arith.muli %arg0, %mul3A : i32
    %add3A = arith.addi %mul3A_0, %arg1 : i32
    %mul3A_1 = arith.constant 80 : i32
    %mul3A_2 = arith.muli %add3A, %mul3A_1 : i32
    %mul3A_3 = arith.constant 632 : i32
    %mul3A_4 = arith.muli %arg1, %mul3A_3 : i32
    %mul3A_5 = arith.constant 632 : i32
    %mul3A_6 = arith.muli %arg1, %mul3A_5 : i32
    "tpu.region"() ({
      %run_scoped3A = tpu.sem_alloc : memref<!tpu.dma_semaphore, #tpu.memory_space<semaphore_mem>>
      %dma_start3A = arith.constant 0 : i32
      %dma_start3A_50 = tpu.memref_slice %arg6[%mul3A_6, %dma_start3A] : memref<10112x64xbf16, #tpu.memory_space<vmem_shared>> -> memref<632x64xbf16, #tpu.memory_space<vmem_shared>>
      %dma_start3A_51 = arith.constant 0 : i32
      %dma_start3A_52 = tpu.memref_slice %arg4[%mul3A_4, %dma_start3A_51] : memref<10112x64xbf16, #tpu.memory_space<hbm>> -> memref<632x64xbf16, #tpu.memory_space<hbm>>
      tpu.enqueue_dma source(%dma_start3A_52 : memref<632x64xbf16, #tpu.memory_space<hbm>>) target(%dma_start3A_50 : memref<632x64xbf16, #tpu.memory_space<vmem_shared>>) target_semaphore(%run_scoped3A : memref<!tpu.dma_semaphore, #tpu.memory_space<semaphore_mem>>)
      %dma_wait3A = arith.constant 0 : i32
      %dma_wait3A_53 = tpu.memref_slice %arg6[%mul3A_6, %dma_wait3A] : memref<10112x64xbf16, #tpu.memory_space<vmem_shared>> -> memref<632x64xbf16, #tpu.memory_space<vmem_shared>>
      %dma_wait3A_54 = arith.constant 0 : i32
      %dma_wait3A_55 = tpu.memref_slice %arg4[%mul3A_4, %dma_wait3A_54] : memref<10112x64xbf16, #tpu.memory_space<hbm>> -> memref<632x64xbf16, #tpu.memory_space<hbm>>
      tpu.wait_dma2 semaphore(%run_scoped3A : memref<!tpu.dma_semaphore, #tpu.memory_space<semaphore_mem>>) src(%dma_wait3A_55 : memref<632x64xbf16, #tpu.memory_space<hbm>>) dst(%dma_wait3A_53 : memref<632x64xbf16, #tpu.memory_space<vmem_shared>>)
      tpu.yield
    }) : () -> ()
    %sub3A = arith.constant 2500 : i32
    %sub3A_7 = arith.subi %sub3A, %mul3A_2 : i32
    %min3A = arith.constant 80 : i32
    %min3A_8 = arith.minsi %sub3A_7, %min3A : i32
    %add3A_9 = arith.constant 80 : i32
    %add3A_10 = arith.addi %mul3A_2, %add3A_9 : i32
    %le3A = arith.constant 2500 : i32
    %le3A_11 = arith.cmpi sle, %add3A_10, %le3A : i32
    %convert_element_type3A = arith.extui %le3A_11 : i1 to i32
    %cond3A = arith.constant 0 : i32
    %cond3A_12 = arith.cmpi ne, %convert_element_type3A, %cond3A : i32
    scf.if %cond3A_12 {
      "tpu.region"() ({
        %run_scoped3A = tpu.sem_alloc : memref<!tpu.dma_semaphore, #tpu.memory_space<semaphore_mem>>
        %dma_start3A = arith.constant 0 : i32
        %dma_start3A_50 = arith.constant 0 : i32
        %dma_start3A_51 = tpu.memref_slice %arg3[%mul3A_2, %dma_start3A, %dma_start3A_50] : memref<2500x2x128xi32, #tpu.memory_space<hbm>> -> memref<80x2x128xi32, #tpu.memory_space<hbm>>
        %dma_start3A_52 = arith.constant 0 : i32
        %dma_start3A_53 = arith.constant 0 : i32
        %dma_start3A_54 = tpu.memref_slice %arg3[%mul3A_2, %dma_start3A_52, %dma_start3A_53] : memref<2500x2x128xi32, #tpu.memory_space<hbm>> -> memref<80x2x128xi32, #tpu.memory_space<hbm>>
        tpu.enqueue_dma source(%dma_start3A_54 : memref<80x2x128xi32, #tpu.memory_space<hbm>>) target(%arg7 : memref<80x2x128xi32, #tpu.memory_space<vmem>>) target_semaphore(%run_scoped3A : memref<!tpu.dma_semaphore, #tpu.memory_space<semaphore_mem>>)
        %dma_wait3A = arith.constant 0 : i32
        %dma_wait3A_55 = arith.constant 0 : i32
        %dma_wait3A_56 = tpu.memref_slice %arg3[%mul3A_2, %dma_wait3A, %dma_wait3A_55] : memref<2500x2x128xi32, #tpu.memory_space<hbm>> -> memref<80x2x128xi32, #tpu.memory_space<hbm>>
        %dma_wait3A_57 = arith.constant 0 : i32
        %dma_wait3A_58 = arith.constant 0 : i32
        %dma_wait3A_59 = tpu.memref_slice %arg3[%mul3A_2, %dma_wait3A_57, %dma_wait3A_58] : memref<2500x2x128xi32, #tpu.memory_space<hbm>> -> memref<80x2x128xi32, #tpu.memory_space<hbm>>
        tpu.wait_dma2 semaphore(%run_scoped3A : memref<!tpu.dma_semaphore, #tpu.memory_space<semaphore_mem>>) src(%dma_wait3A_59 : memref<80x2x128xi32, #tpu.memory_space<hbm>>) dst(%arg7 : memref<80x2x128xi32, #tpu.memory_space<vmem>>)
        tpu.yield
      }) : () -> ()
    } else {
    }
    %not3A = arith.constant true
    %not3A_13 = arith.xori %le3A_11, %not3A : i1
    %convert_element_type3A_14 = arith.extui %not3A_13 : i1 to i32
    %cond3A_15 = arith.constant 0 : i32
    %cond3A_16 = arith.cmpi ne, %convert_element_type3A_14, %cond3A_15 : i32
    scf.if %cond3A_16 {
      "tpu.region"() ({
        %run_scoped3A = tpu.sem_alloc : memref<!tpu.dma_semaphore, #tpu.memory_space<semaphore_mem>>
        %dma_start3A = arith.constant 0 : i32
        %dma_start3A_50 = arith.constant 0 : i32
        %dma_start3A_51 = arith.constant 0 : i32
        %dma_start3A_52 = tpu.memref_slice %arg7[%dma_start3A, %dma_start3A_50, %dma_start3A_51] : memref<80x2x128xi32, #tpu.memory_space<vmem>> -> memref<20x2x128xi32, #tpu.memory_space<vmem>>
        %dma_start3A_53 = arith.constant 0 : i32
        %dma_start3A_54 = arith.constant 0 : i32
        %dma_start3A_55 = tpu.memref_slice %arg3[%mul3A_2, %dma_start3A_53, %dma_start3A_54] : memref<2500x2x128xi32, #tpu.memory_space<hbm>> -> memref<20x2x128xi32, #tpu.memory_space<hbm>>
        %dma_start3A_56 = arith.constant 0 : i32
        %dma_start3A_57 = arith.constant 0 : i32
        %dma_start3A_58 = arith.constant 0 : i32
        %dma_start3A_59 = tpu.memref_slice %arg7[%dma_start3A_56, %dma_start3A_57, %dma_start3A_58] : memref<80x2x128xi32, #tpu.memory_space<vmem>> -> memref<20x2x128xi32, #tpu.memory_space<vmem>>
        %dma_start3A_60 = arith.constant 0 : i32
        %dma_start3A_61 = arith.constant 0 : i32
        %dma_start3A_62 = tpu.memref_slice %arg3[%mul3A_2, %dma_start3A_60, %dma_start3A_61] : memref<2500x2x128xi32, #tpu.memory_space<hbm>> -> memref<20x2x128xi32, #tpu.memory_space<hbm>>
        tpu.enqueue_dma source(%dma_start3A_62 : memref<20x2x128xi32, #tpu.memory_space<hbm>>) target(%dma_start3A_59 : memref<20x2x128xi32, #tpu.memory_space<vmem>>) target_semaphore(%run_scoped3A : memref<!tpu.dma_semaphore, #tpu.memory_space<semaphore_mem>>)
        %dma_wait3A = arith.constant 0 : i32
        %dma_wait3A_63 = arith.constant 0 : i32
        %dma_wait3A_64 = arith.constant 0 : i32
        %dma_wait3A_65 = tpu.memref_slice %arg7[%dma_wait3A, %dma_wait3A_63, %dma_wait3A_64] : memref<80x2x128xi32, #tpu.memory_space<vmem>> -> memref<20x2x128xi32, #tpu.memory_space<vmem>>
        %dma_wait3A_66 = arith.constant 0 : i32
        %dma_wait3A_67 = arith.constant 0 : i32
        %dma_wait3A_68 = tpu.memref_slice %arg3[%mul3A_2, %dma_wait3A_66, %dma_wait3A_67] : memref<2500x2x128xi32, #tpu.memory_space<hbm>> -> memref<20x2x128xi32, #tpu.memory_space<hbm>>
        %dma_wait3A_69 = arith.constant 0 : i32
        %dma_wait3A_70 = arith.constant 0 : i32
        %dma_wait3A_71 = arith.constant 0 : i32
        %dma_wait3A_72 = tpu.memref_slice %arg7[%dma_wait3A_69, %dma_wait3A_70, %dma_wait3A_71] : memref<80x2x128xi32, #tpu.memory_space<vmem>> -> memref<20x2x128xi32, #tpu.memory_space<vmem>>
        %dma_wait3A_73 = arith.constant 0 : i32
        %dma_wait3A_74 = arith.constant 0 : i32
        %dma_wait3A_75 = tpu.memref_slice %arg3[%mul3A_2, %dma_wait3A_73, %dma_wait3A_74] : memref<2500x2x128xi32, #tpu.memory_space<hbm>> -> memref<20x2x128xi32, #tpu.memory_space<hbm>>
        tpu.wait_dma2 semaphore(%run_scoped3A : memref<!tpu.dma_semaphore, #tpu.memory_space<semaphore_mem>>) src(%dma_wait3A_75 : memref<20x2x128xi32, #tpu.memory_space<hbm>>) dst(%dma_wait3A_72 : memref<20x2x128xi32, #tpu.memory_space<vmem>>)
        tpu.yield
      }) : () -> ()
    } else {
    }
    %barrier3A = arith.constant 0 : index
    tpu.barrier barrier_id(%barrier3A)
    %gt3A = arith.constant 0 : i32
    %gt3A_17 = arith.cmpi sgt, %min3A_8, %gt3A : i32
    %convert_element_type3A_18 = arith.extui %gt3A_17 : i1 to i32
    %cond3A_19 = arith.constant 0 : i32
    %cond3A_20 = arith.cmpi ne, %convert_element_type3A_18, %cond3A_19 : i32
    scf.if %cond3A_20 {
      %dma_start3A = arith.constant 0 : i32
      %dma_start3A_50 = arith.constant 0 : i32
      %dma_start3A_51 = arith.constant 0 : i32
      %dma_start3A_52 = arith.constant 0 : i32
      %dma_start3A_53 = arith.constant 0 : i32
      %dma_start3A_54 = arith.constant 0 : i32
      %dma_start3A_55 = tpu.memref_slice %arg8[%dma_start3A_51, %dma_start3A_53, %dma_start3A_54] : memref<4x128x64xbf16, #tpu.memory_space<vmem>> -> memref<1x128x64xbf16, #tpu.memory_space<vmem>>
      %dma_start3A_56 = tpu.memref_squeeze %dma_start3A_55 : memref<1x128x64xbf16, #tpu.memory_space<vmem>> -> memref<128x64xbf16, #tpu.memory_space<vmem>>
      %dma_start3A_57 = arith.constant 0 : i32
      %dma_start3A_58 = tpu.memref_slice %arg7[%dma_start3A, %dma_start3A_50, %dma_start3A_57] : memref<80x2x128xi32, #tpu.memory_space<vmem>> -> memref<1x1x128xi32, #tpu.memory_space<vmem>>
      %dma_start3A_59 = tpu.memref_squeeze %dma_start3A_58 : memref<1x1x128xi32, #tpu.memory_space<vmem>> -> memref<128xi32, #tpu.memory_space<vmem>>
      %dma_start3A_60 = arith.constant 0 : i32
      %dma_start3A_61 = arith.constant 0 : i32
      %dma_start3A_62 = tpu.memref_slice %arg2[%dma_start3A_60, %dma_start3A_61] : memref<10000x64xbf16, #tpu.memory_space<hbm>> -> memref<10000x64xbf16, #tpu.memory_space<hbm>>
      %dma_start3A_63 = tpu.memref_slice %arg9[%dma_start3A_52] : memref<4x!tpu.dma_semaphore, #tpu.memory_space<semaphore_mem>> -> memref<1x!tpu.dma_semaphore, #tpu.memory_space<semaphore_mem>>
      %dma_start3A_64 = tpu.memref_squeeze %dma_start3A_63 : memref<1x!tpu.dma_semaphore, #tpu.memory_space<semaphore_mem>> -> memref<!tpu.dma_semaphore, #tpu.memory_space<semaphore_mem>>
      tpu.enqueue_indirect_dma source(%dma_start3A_62 : memref<10000x64xbf16, #tpu.memory_space<hbm>>) target(%dma_start3A_56 : memref<128x64xbf16, #tpu.memory_space<vmem>>) offsets(%dma_start3A_59 : memref<128xi32, #tpu.memory_space<vmem>>) semaphore(%dma_start3A_64 : memref<!tpu.dma_semaphore, #tpu.memory_space<semaphore_mem>>)
    } else {
    }
    %gt3A_21 = arith.constant 1 : i32
    %gt3A_22 = arith.cmpi sgt, %min3A_8, %gt3A_21 : i32
    %convert_element_type3A_23 = arith.extui %gt3A_22 : i1 to i32
    %cond3A_24 = arith.constant 0 : i32
    %cond3A_25 = arith.cmpi ne, %convert_element_type3A_23, %cond3A_24 : i32
    scf.if %cond3A_25 {
      %dma_start3A = arith.constant 1 : i32
      %dma_start3A_50 = arith.constant 0 : i32
      %dma_start3A_51 = arith.constant 1 : i32
      %dma_start3A_52 = arith.constant 1 : i32
      %dma_start3A_53 = arith.constant 0 : i32
      %dma_start3A_54 = arith.constant 0 : i32
      %dma_start3A_55 = tpu.memref_slice %arg8[%dma_start3A_51, %dma_start3A_53, %dma_start3A_54] : memref<4x128x64xbf16, #tpu.memory_space<vmem>> -> memref<1x128x64xbf16, #tpu.memory_space<vmem>>
      %dma_start3A_56 = tpu.memref_squeeze %dma_start3A_55 : memref<1x128x64xbf16, #tpu.memory_space<vmem>> -> memref<128x64xbf16, #tpu.memory_space<vmem>>
      %dma_start3A_57 = arith.constant 0 : i32
      %dma_start3A_58 = tpu.memref_slice %arg7[%dma_start3A, %dma_start3A_50, %dma_start3A_57] : memref<80x2x128xi32, #tpu.memory_space<vmem>> -> memref<1x1x128xi32, #tpu.memory_space<vmem>>
      %dma_start3A_59 = tpu.memref_squeeze %dma_start3A_58 : memref<1x1x128xi32, #tpu.memory_space<vmem>> -> memref<128xi32, #tpu.memory_space<vmem>>
      %dma_start3A_60 = arith.constant 0 : i32
      %dma_start3A_61 = arith.constant 0 : i32
      %dma_start3A_62 = tpu.memref_slice %arg2[%dma_start3A_60, %dma_start3A_61] : memref<10000x64xbf16, #tpu.memory_space<hbm>> -> memref<10000x64xbf16, #tpu.memory_space<hbm>>
      %dma_start3A_63 = tpu.memref_slice %arg9[%dma_start3A_52] : memref<4x!tpu.dma_semaphore, #tpu.memory_space<semaphore_mem>> -> memref<1x!tpu.dma_semaphore, #tpu.memory_space<semaphore_mem>>
      %dma_start3A_64 = tpu.memref_squeeze %dma_start3A_63 : memref<1x!tpu.dma_semaphore, #tpu.memory_space<semaphore_mem>> -> memref<!tpu.dma_semaphore, #tpu.memory_space<semaphore_mem>>
      tpu.enqueue_indirect_dma source(%dma_start3A_62 : memref<10000x64xbf16, #tpu.memory_space<hbm>>) target(%dma_start3A_56 : memref<128x64xbf16, #tpu.memory_space<vmem>>) offsets(%dma_start3A_59 : memref<128xi32, #tpu.memory_space<vmem>>) semaphore(%dma_start3A_64 : memref<!tpu.dma_semaphore, #tpu.memory_space<semaphore_mem>>)
    } else {
    }
    %gt3A_26 = arith.constant 2 : i32
    %gt3A_27 = arith.cmpi sgt, %min3A_8, %gt3A_26 : i32
    %convert_element_type3A_28 = arith.extui %gt3A_27 : i1 to i32
    %cond3A_29 = arith.constant 0 : i32
    %cond3A_30 = arith.cmpi ne, %convert_element_type3A_28, %cond3A_29 : i32
    scf.if %cond3A_30 {
      %dma_start3A = arith.constant 2 : i32
      %dma_start3A_50 = arith.constant 0 : i32
      %dma_start3A_51 = arith.constant 2 : i32
      %dma_start3A_52 = arith.constant 2 : i32
      %dma_start3A_53 = arith.constant 0 : i32
      %dma_start3A_54 = arith.constant 0 : i32
      %dma_start3A_55 = tpu.memref_slice %arg8[%dma_start3A_51, %dma_start3A_53, %dma_start3A_54] : memref<4x128x64xbf16, #tpu.memory_space<vmem>> -> memref<1x128x64xbf16, #tpu.memory_space<vmem>>
      %dma_start3A_56 = tpu.memref_squeeze %dma_start3A_55 : memref<1x128x64xbf16, #tpu.memory_space<vmem>> -> memref<128x64xbf16, #tpu.memory_space<vmem>>
      %dma_start3A_57 = arith.constant 0 : i32
      %dma_start3A_58 = tpu.memref_slice %arg7[%dma_start3A, %dma_start3A_50, %dma_start3A_57] : memref<80x2x128xi32, #tpu.memory_space<vmem>> -> memref<1x1x128xi32, #tpu.memory_space<vmem>>
      %dma_start3A_59 = tpu.memref_squeeze %dma_start3A_58 : memref<1x1x128xi32, #tpu.memory_space<vmem>> -> memref<128xi32, #tpu.memory_space<vmem>>
      %dma_start3A_60 = arith.constant 0 : i32
      %dma_start3A_61 = arith.constant 0 : i32
      %dma_start3A_62 = tpu.memref_slice %arg2[%dma_start3A_60, %dma_start3A_61] : memref<10000x64xbf16, #tpu.memory_space<hbm>> -> memref<10000x64xbf16, #tpu.memory_space<hbm>>
      %dma_start3A_63 = tpu.memref_slice %arg9[%dma_start3A_52] : memref<4x!tpu.dma_semaphore, #tpu.memory_space<semaphore_mem>> -> memref<1x!tpu.dma_semaphore, #tpu.memory_space<semaphore_mem>>
      %dma_start3A_64 = tpu.memref_squeeze %dma_start3A_63 : memref<1x!tpu.dma_semaphore, #tpu.memory_space<semaphore_mem>> -> memref<!tpu.dma_semaphore, #tpu.memory_space<semaphore_mem>>
      tpu.enqueue_indirect_dma source(%dma_start3A_62 : memref<10000x64xbf16, #tpu.memory_space<hbm>>) target(%dma_start3A_56 : memref<128x64xbf16, #tpu.memory_space<vmem>>) offsets(%dma_start3A_59 : memref<128xi32, #tpu.memory_space<vmem>>) semaphore(%dma_start3A_64 : memref<!tpu.dma_semaphore, #tpu.memory_space<semaphore_mem>>)
    } else {
    }
    %while3A = arith.constant 0 : i32
    %while3A_31 = arith.constant 0 : i32
    %while3A_32 = arith.subi %min3A_8, %while3A_31 : i32
    %while3A_33 = arith.addi %while3A_31, %while3A_32 : i32
    %while3A_34 = arith.constant 1 : i32
    %while3A_35 = arith.divsi %while3A_32, %while3A_34 : i32
    %while3A_36 = arith.muli %while3A_35, %while3A_34 : i32
    %while3A_37 = arith.addi %while3A_31, %while3A_36 : i32
    %while3A_38 = arith.constant 1 : i32
    scf.for %while3A_50 = %while3A_31 to %while3A_37 step %while3A_38  : i32 {
      %rem3A = arith.constant 4 : i32
      %rem3A_51 = arith.remsi %while3A_50, %rem3A : i32
      %add3A_52 = arith.constant 4 : i32
      %add3A_53 = arith.addi %while3A_50, %add3A_52 : i32
      %sub3A_54 = arith.constant 1 : i32
      %sub3A_55 = arith.subi %add3A_53, %sub3A_54 : i32
      %rem3A_56 = arith.constant 4 : i32
      %rem3A_57 = arith.remsi %sub3A_55, %rem3A_56 : i32
      %add3A_58 = arith.constant 4 : i32
      %add3A_59 = arith.addi %while3A_50, %add3A_58 : i32
      %sub3A_60 = arith.constant 1 : i32
      %sub3A_61 = arith.subi %add3A_59, %sub3A_60 : i32
      %lt3A = arith.cmpi slt, %sub3A_61, %min3A_8 : i32
      %convert_element_type3A_62 = arith.extui %lt3A : i1 to i32
      %cond3A_63 = arith.constant 0 : i32
      %cond3A_64 = arith.cmpi ne, %convert_element_type3A_62, %cond3A_63 : i32
      scf.if %cond3A_64 {
        %ge3A = arith.constant 1 : i32
        %ge3A_89 = arith.cmpi sge, %while3A_50, %ge3A : i32
        %convert_element_type3A_90 = arith.extui %ge3A_89 : i1 to i32
        %cond3A_91 = arith.constant 0 : i32
        %cond3A_92 = arith.cmpi ne, %convert_element_type3A_90, %cond3A_91 : i32
        scf.if %cond3A_92 {
          %sub3A_110 = arith.constant 1 : i32
          %sub3A_111 = arith.subi %while3A_50, %sub3A_110 : i32
          %dma_wait3A_112 = arith.constant 1 : i32
          %dma_wait3A_113 = arith.constant 0 : i32
          %dma_wait3A_114 = arith.constant 0 : i32
          %dma_wait3A_115 = tpu.memref_slice %arg8[%rem3A_57, %dma_wait3A_113, %dma_wait3A_114] : memref<4x128x64xbf16, #tpu.memory_space<vmem>> -> memref<1x128x64xbf16, #tpu.memory_space<vmem>>
          %dma_wait3A_116 = tpu.memref_squeeze %dma_wait3A_115 : memref<1x128x64xbf16, #tpu.memory_space<vmem>> -> memref<128x64xbf16, #tpu.memory_space<vmem>>
          %dma_wait3A_117 = arith.constant 0 : i32
          %dma_wait3A_118 = tpu.memref_slice %arg7[%sub3A_111, %dma_wait3A_112, %dma_wait3A_117] : memref<80x2x128xi32, #tpu.memory_space<vmem>> -> memref<1x1x128xi32, #tpu.memory_space<vmem>>
          %dma_wait3A_119 = tpu.memref_squeeze %dma_wait3A_118 : memref<1x1x128xi32, #tpu.memory_space<vmem>> -> memref<128xi32, #tpu.memory_space<vmem>>
          %dma_wait3A_120 = arith.constant 0 : i32
          %dma_wait3A_121 = arith.constant 0 : i32
          %dma_wait3A_122 = tpu.memref_slice %arg6[%dma_wait3A_120, %dma_wait3A_121] : memref<10112x64xbf16, #tpu.memory_space<vmem_shared>> -> memref<10112x64xbf16, #tpu.memory_space<vmem_shared>>
          %dma_wait3A_123 = tpu.memref_slice %arg10[%rem3A_57] : memref<4x!tpu.dma_semaphore, #tpu.memory_space<semaphore_mem>> -> memref<1x!tpu.dma_semaphore, #tpu.memory_space<semaphore_mem>>
          %dma_wait3A_124 = tpu.memref_squeeze %dma_wait3A_123 : memref<1x!tpu.dma_semaphore, #tpu.memory_space<semaphore_mem>> -> memref<!tpu.dma_semaphore, #tpu.memory_space<semaphore_mem>>
          tpu.wait_indirect_dma semaphore(%dma_wait3A_124 : memref<!tpu.dma_semaphore, #tpu.memory_space<semaphore_mem>>) src(%dma_wait3A_116 : memref<128x64xbf16, #tpu.memory_space<vmem>>) dst(%dma_wait3A_122 : memref<10112x64xbf16, #tpu.memory_space<vmem_shared>>)
        } else {
        }
        %add3A_93 = arith.constant 4 : i32
        %add3A_94 = arith.addi %while3A_50, %add3A_93 : i32
        %sub3A_95 = arith.constant 1 : i32
        %sub3A_96 = arith.subi %add3A_94, %sub3A_95 : i32
        %dma_start3A_97 = arith.constant 0 : i32
        %dma_start3A_98 = arith.constant 0 : i32
        %dma_start3A_99 = arith.constant 0 : i32
        %dma_start3A_100 = tpu.memref_slice %arg8[%rem3A_57, %dma_start3A_98, %dma_start3A_99] : memref<4x128x64xbf16, #tpu.memory_space<vmem>> -> memref<1x128x64xbf16, #tpu.memory_space<vmem>>
        %dma_start3A_101 = tpu.memref_squeeze %dma_start3A_100 : memref<1x128x64xbf16, #tpu.memory_space<vmem>> -> memref<128x64xbf16, #tpu.memory_space<vmem>>
        %dma_start3A_102 = arith.constant 0 : i32
        %dma_start3A_103 = tpu.memref_slice %arg7[%sub3A_96, %dma_start3A_97, %dma_start3A_102] : memref<80x2x128xi32, #tpu.memory_space<vmem>> -> memref<1x1x128xi32, #tpu.memory_space<vmem>>
        %dma_start3A_104 = tpu.memref_squeeze %dma_start3A_103 : memref<1x1x128xi32, #tpu.memory_space<vmem>> -> memref<128xi32, #tpu.memory_space<vmem>>
        %dma_start3A_105 = arith.constant 0 : i32
        %dma_start3A_106 = arith.constant 0 : i32
        %dma_start3A_107 = tpu.memref_slice %arg2[%dma_start3A_105, %dma_start3A_106] : memref<10000x64xbf16, #tpu.memory_space<hbm>> -> memref<10000x64xbf16, #tpu.memory_space<hbm>>
        %dma_start3A_108 = tpu.memref_slice %arg9[%rem3A_57] : memref<4x!tpu.dma_semaphore, #tpu.memory_space<semaphore_mem>> -> memref<1x!tpu.dma_semaphore, #tpu.memory_space<semaphore_mem>>
        %dma_start3A_109 = tpu.memref_squeeze %dma_start3A_108 : memref<1x!tpu.dma_semaphore, #tpu.memory_space<semaphore_mem>> -> memref<!tpu.dma_semaphore, #tpu.memory_space<semaphore_mem>>
        tpu.enqueue_indirect_dma source(%dma_start3A_107 : memref<10000x64xbf16, #tpu.memory_space<hbm>>) target(%dma_start3A_101 : memref<128x64xbf16, #tpu.memory_space<vmem>>) offsets(%dma_start3A_104 : memref<128xi32, #tpu.memory_space<vmem>>) semaphore(%dma_start3A_109 : memref<!tpu.dma_semaphore, #tpu.memory_space<semaphore_mem>>)
      } else {
      }
      %dma_wait3A = arith.constant 0 : i32
      %dma_wait3A_65 = arith.constant 0 : i32
      %dma_wait3A_66 = arith.constant 0 : i32
      %dma_wait3A_67 = tpu.memref_slice %arg8[%rem3A_51, %dma_wait3A_65, %dma_wait3A_66] : memref<4x128x64xbf16, #tpu.memory_space<vmem>> -> memref<1x128x64xbf16, #tpu.memory_space<vmem>>
      %dma_wait3A_68 = tpu.memref_squeeze %dma_wait3A_67 : memref<1x128x64xbf16, #tpu.memory_space<vmem>> -> memref<128x64xbf16, #tpu.memory_space<vmem>>
      %dma_wait3A_69 = arith.constant 0 : i32
      %dma_wait3A_70 = tpu.memref_slice %arg7[%while3A_50, %dma_wait3A, %dma_wait3A_69] : memref<80x2x128xi32, #tpu.memory_space<vmem>> -> memref<1x1x128xi32, #tpu.memory_space<vmem>>
      %dma_wait3A_71 = tpu.memref_squeeze %dma_wait3A_70 : memref<1x1x128xi32, #tpu.memory_space<vmem>> -> memref<128xi32, #tpu.memory_space<vmem>>
      %dma_wait3A_72 = arith.constant 0 : i32
      %dma_wait3A_73 = arith.constant 0 : i32
      %dma_wait3A_74 = tpu.memref_slice %arg2[%dma_wait3A_72, %dma_wait3A_73] : memref<10000x64xbf16, #tpu.memory_space<hbm>> -> memref<10000x64xbf16, #tpu.memory_space<hbm>>
      %dma_wait3A_75 = tpu.memref_slice %arg9[%rem3A_51] : memref<4x!tpu.dma_semaphore, #tpu.memory_space<semaphore_mem>> -> memref<1x!tpu.dma_semaphore, #tpu.memory_space<semaphore_mem>>
      %dma_wait3A_76 = tpu.memref_squeeze %dma_wait3A_75 : memref<1x!tpu.dma_semaphore, #tpu.memory_space<semaphore_mem>> -> memref<!tpu.dma_semaphore, #tpu.memory_space<semaphore_mem>>
      tpu.wait_indirect_dma semaphore(%dma_wait3A_76 : memref<!tpu.dma_semaphore, #tpu.memory_space<semaphore_mem>>) src(%dma_wait3A_74 : memref<10000x64xbf16, #tpu.memory_space<hbm>>) dst(%dma_wait3A_68 : memref<128x64xbf16, #tpu.memory_space<vmem>>)
      %dma_start3A = arith.constant 1 : i32
      %dma_start3A_77 = arith.constant 0 : i32
      %dma_start3A_78 = arith.constant 0 : i32
      %dma_start3A_79 = tpu.memref_slice %arg8[%rem3A_51, %dma_start3A_77, %dma_start3A_78] : memref<4x128x64xbf16, #tpu.memory_space<vmem>> -> memref<1x128x64xbf16, #tpu.memory_space<vmem>>
      %dma_start3A_80 = tpu.memref_squeeze %dma_start3A_79 : memref<1x128x64xbf16, #tpu.memory_space<vmem>> -> memref<128x64xbf16, #tpu.memory_space<vmem>>
      %dma_start3A_81 = arith.constant 0 : i32
      %dma_start3A_82 = tpu.memref_slice %arg7[%while3A_50, %dma_start3A, %dma_start3A_81] : memref<80x2x128xi32, #tpu.memory_space<vmem>> -> memref<1x1x128xi32, #tpu.memory_space<vmem>>
      %dma_start3A_83 = tpu.memref_squeeze %dma_start3A_82 : memref<1x1x128xi32, #tpu.memory_space<vmem>> -> memref<128xi32, #tpu.memory_space<vmem>>
      %dma_start3A_84 = arith.constant 0 : i32
      %dma_start3A_85 = arith.constant 0 : i32
      %dma_start3A_86 = tpu.memref_slice %arg6[%dma_start3A_84, %dma_start3A_85] : memref<10112x64xbf16, #tpu.memory_space<vmem_shared>> -> memref<10112x64xbf16, #tpu.memory_space<vmem_shared>>
      %dma_start3A_87 = tpu.memref_slice %arg10[%rem3A_51] : memref<4x!tpu.dma_semaphore, #tpu.memory_space<semaphore_mem>> -> memref<1x!tpu.dma_semaphore, #tpu.memory_space<semaphore_mem>>
      %dma_start3A_88 = tpu.memref_squeeze %dma_start3A_87 : memref<1x!tpu.dma_semaphore, #tpu.memory_space<semaphore_mem>> -> memref<!tpu.dma_semaphore, #tpu.memory_space<semaphore_mem>>
      tpu.enqueue_indirect_dma source(%dma_start3A_80 : memref<128x64xbf16, #tpu.memory_space<vmem>>) target(%dma_start3A_86 : memref<10112x64xbf16, #tpu.memory_space<vmem_shared>>) offsets(%dma_start3A_83 : memref<128xi32, #tpu.memory_space<vmem>>) semaphore(%dma_start3A_88 : memref<!tpu.dma_semaphore, #tpu.memory_space<semaphore_mem>>) {add = true}
    }
    %while3A_39 = arith.constant 1 : i32
    scf.for %while3A_50 = %while3A_37 to %while3A_33 step %while3A_39  : i32 {
      %rem3A = arith.constant 4 : i32
      %rem3A_51 = arith.remsi %while3A_50, %rem3A : i32
      %add3A_52 = arith.constant 4 : i32
      %add3A_53 = arith.addi %while3A_50, %add3A_52 : i32
      %sub3A_54 = arith.constant 1 : i32
      %sub3A_55 = arith.subi %add3A_53, %sub3A_54 : i32
      %rem3A_56 = arith.constant 4 : i32
      %rem3A_57 = arith.remsi %sub3A_55, %rem3A_56 : i32
      %add3A_58 = arith.constant 4 : i32
      %add3A_59 = arith.addi %while3A_50, %add3A_58 : i32
      %sub3A_60 = arith.constant 1 : i32
      %sub3A_61 = arith.subi %add3A_59, %sub3A_60 : i32
      %lt3A = arith.cmpi slt, %sub3A_61, %min3A_8 : i32
      %convert_element_type3A_62 = arith.extui %lt3A : i1 to i32
      %cond3A_63 = arith.constant 0 : i32
      %cond3A_64 = arith.cmpi ne, %convert_element_type3A_62, %cond3A_63 : i32
      scf.if %cond3A_64 {
        %ge3A = arith.constant 1 : i32
        %ge3A_89 = arith.cmpi sge, %while3A_50, %ge3A : i32
        %convert_element_type3A_90 = arith.extui %ge3A_89 : i1 to i32
        %cond3A_91 = arith.constant 0 : i32
        %cond3A_92 = arith.cmpi ne, %convert_element_type3A_90, %cond3A_91 : i32
        scf.if %cond3A_92 {
          %sub3A_110 = arith.constant 1 : i32
          %sub3A_111 = arith.subi %while3A_50, %sub3A_110 : i32
          %dma_wait3A_112 = arith.constant 1 : i32
          %dma_wait3A_113 = arith.constant 0 : i32
          %dma_wait3A_114 = arith.constant 0 : i32
          %dma_wait3A_115 = tpu.memref_slice %arg8[%rem3A_57, %dma_wait3A_113, %dma_wait3A_114] : memref<4x128x64xbf16, #tpu.memory_space<vmem>> -> memref<1x128x64xbf16, #tpu.memory_space<vmem>>
          %dma_wait3A_116 = tpu.memref_squeeze %dma_wait3A_115 : memref<1x128x64xbf16, #tpu.memory_space<vmem>> -> memref<128x64xbf16, #tpu.memory_space<vmem>>
          %dma_wait3A_117 = arith.constant 0 : i32
          %dma_wait3A_118 = tpu.memref_slice %arg7[%sub3A_111, %dma_wait3A_112, %dma_wait3A_117] : memref<80x2x128xi32, #tpu.memory_space<vmem>> -> memref<1x1x128xi32, #tpu.memory_space<vmem>>
          %dma_wait3A_119 = tpu.memref_squeeze %dma_wait3A_118 : memref<1x1x128xi32, #tpu.memory_space<vmem>> -> memref<128xi32, #tpu.memory_space<vmem>>
          %dma_wait3A_120 = arith.constant 0 : i32
          %dma_wait3A_121 = arith.constant 0 : i32
          %dma_wait3A_122 = tpu.memref_slice %arg6[%dma_wait3A_120, %dma_wait3A_121] : memref<10112x64xbf16, #tpu.memory_space<vmem_shared>> -> memref<10112x64xbf16, #tpu.memory_space<vmem_shared>>
          %dma_wait3A_123 = tpu.memref_slice %arg10[%rem3A_57] : memref<4x!tpu.dma_semaphore, #tpu.memory_space<semaphore_mem>> -> memref<1x!tpu.dma_semaphore, #tpu.memory_space<semaphore_mem>>
          %dma_wait3A_124 = tpu.memref_squeeze %dma_wait3A_123 : memref<1x!tpu.dma_semaphore, #tpu.memory_space<semaphore_mem>> -> memref<!tpu.dma_semaphore, #tpu.memory_space<semaphore_mem>>
          tpu.wait_indirect_dma semaphore(%dma_wait3A_124 : memref<!tpu.dma_semaphore, #tpu.memory_space<semaphore_mem>>) src(%dma_wait3A_116 : memref<128x64xbf16, #tpu.memory_space<vmem>>) dst(%dma_wait3A_122 : memref<10112x64xbf16, #tpu.memory_space<vmem_shared>>)
        } else {
        }
        %add3A_93 = arith.constant 4 : i32
        %add3A_94 = arith.addi %while3A_50, %add3A_93 : i32
        %sub3A_95 = arith.constant 1 : i32
        %sub3A_96 = arith.subi %add3A_94, %sub3A_95 : i32
        %dma_start3A_97 = arith.constant 0 : i32
        %dma_start3A_98 = arith.constant 0 : i32
        %dma_start3A_99 = arith.constant 0 : i32
        %dma_start3A_100 = tpu.memref_slice %arg8[%rem3A_57, %dma_start3A_98, %dma_start3A_99] : memref<4x128x64xbf16, #tpu.memory_space<vmem>> -> memref<1x128x64xbf16, #tpu.memory_space<vmem>>
        %dma_start3A_101 = tpu.memref_squeeze %dma_start3A_100 : memref<1x128x64xbf16, #tpu.memory_space<vmem>> -> memref<128x64xbf16, #tpu.memory_space<vmem>>
        %dma_start3A_102 = arith.constant 0 : i32
        %dma_start3A_103 = tpu.memref_slice %arg7[%sub3A_96, %dma_start3A_97, %dma_start3A_102] : memref<80x2x128xi32, #tpu.memory_space<vmem>> -> memref<1x1x128xi32, #tpu.memory_space<vmem>>
        %dma_start3A_104 = tpu.memref_squeeze %dma_start3A_103 : memref<1x1x128xi32, #tpu.memory_space<vmem>> -> memref<128xi32, #tpu.memory_space<vmem>>
        %dma_start3A_105 = arith.constant 0 : i32
        %dma_start3A_106 = arith.constant 0 : i32
        %dma_start3A_107 = tpu.memref_slice %arg2[%dma_start3A_105, %dma_start3A_106] : memref<10000x64xbf16, #tpu.memory_space<hbm>> -> memref<10000x64xbf16, #tpu.memory_space<hbm>>
        %dma_start3A_108 = tpu.memref_slice %arg9[%rem3A_57] : memref<4x!tpu.dma_semaphore, #tpu.memory_space<semaphore_mem>> -> memref<1x!tpu.dma_semaphore, #tpu.memory_space<semaphore_mem>>
        %dma_start3A_109 = tpu.memref_squeeze %dma_start3A_108 : memref<1x!tpu.dma_semaphore, #tpu.memory_space<semaphore_mem>> -> memref<!tpu.dma_semaphore, #tpu.memory_space<semaphore_mem>>
        tpu.enqueue_indirect_dma source(%dma_start3A_107 : memref<10000x64xbf16, #tpu.memory_space<hbm>>) target(%dma_start3A_101 : memref<128x64xbf16, #tpu.memory_space<vmem>>) offsets(%dma_start3A_104 : memref<128xi32, #tpu.memory_space<vmem>>) semaphore(%dma_start3A_109 : memref<!tpu.dma_semaphore, #tpu.memory_space<semaphore_mem>>)
      } else {
      }
      %dma_wait3A = arith.constant 0 : i32
      %dma_wait3A_65 = arith.constant 0 : i32
      %dma_wait3A_66 = arith.constant 0 : i32
      %dma_wait3A_67 = tpu.memref_slice %arg8[%rem3A_51, %dma_wait3A_65, %dma_wait3A_66] : memref<4x128x64xbf16, #tpu.memory_space<vmem>> -> memref<1x128x64xbf16, #tpu.memory_space<vmem>>
      %dma_wait3A_68 = tpu.memref_squeeze %dma_wait3A_67 : memref<1x128x64xbf16, #tpu.memory_space<vmem>> -> memref<128x64xbf16, #tpu.memory_space<vmem>>
      %dma_wait3A_69 = arith.constant 0 : i32
      %dma_wait3A_70 = tpu.memref_slice %arg7[%while3A_50, %dma_wait3A, %dma_wait3A_69] : memref<80x2x128xi32, #tpu.memory_space<vmem>> -> memref<1x1x128xi32, #tpu.memory_space<vmem>>
      %dma_wait3A_71 = tpu.memref_squeeze %dma_wait3A_70 : memref<1x1x128xi32, #tpu.memory_space<vmem>> -> memref<128xi32, #tpu.memory_space<vmem>>
      %dma_wait3A_72 = arith.constant 0 : i32
      %dma_wait3A_73 = arith.constant 0 : i32
      %dma_wait3A_74 = tpu.memref_slice %arg2[%dma_wait3A_72, %dma_wait3A_73] : memref<10000x64xbf16, #tpu.memory_space<hbm>> -> memref<10000x64xbf16, #tpu.memory_space<hbm>>
      %dma_wait3A_75 = tpu.memref_slice %arg9[%rem3A_51] : memref<4x!tpu.dma_semaphore, #tpu.memory_space<semaphore_mem>> -> memref<1x!tpu.dma_semaphore, #tpu.memory_space<semaphore_mem>>
      %dma_wait3A_76 = tpu.memref_squeeze %dma_wait3A_75 : memref<1x!tpu.dma_semaphore, #tpu.memory_space<semaphore_mem>> -> memref<!tpu.dma_semaphore, #tpu.memory_space<semaphore_mem>>
      tpu.wait_indirect_dma semaphore(%dma_wait3A_76 : memref<!tpu.dma_semaphore, #tpu.memory_space<semaphore_mem>>) src(%dma_wait3A_74 : memref<10000x64xbf16, #tpu.memory_space<hbm>>) dst(%dma_wait3A_68 : memref<128x64xbf16, #tpu.memory_space<vmem>>)
      %dma_start3A = arith.constant 1 : i32
      %dma_start3A_77 = arith.constant 0 : i32
      %dma_start3A_78 = arith.constant 0 : i32
      %dma_start3A_79 = tpu.memref_slice %arg8[%rem3A_51, %dma_start3A_77, %dma_start3A_78] : memref<4x128x64xbf16, #tpu.memory_space<vmem>> -> memref<1x128x64xbf16, #tpu.memory_space<vmem>>
      %dma_start3A_80 = tpu.memref_squeeze %dma_start3A_79 : memref<1x128x64xbf16, #tpu.memory_space<vmem>> -> memref<128x64xbf16, #tpu.memory_space<vmem>>
      %dma_start3A_81 = arith.constant 0 : i32
      %dma_start3A_82 = tpu.memref_slice %arg7[%while3A_50, %dma_start3A, %dma_start3A_81] : memref<80x2x128xi32, #tpu.memory_space<vmem>> -> memref<1x1x128xi32, #tpu.memory_space<vmem>>
      %dma_start3A_83 = tpu.memref_squeeze %dma_start3A_82 : memref<1x1x128xi32, #tpu.memory_space<vmem>> -> memref<128xi32, #tpu.memory_space<vmem>>
      %dma_start3A_84 = arith.constant 0 : i32
      %dma_start3A_85 = arith.constant 0 : i32
      %dma_start3A_86 = tpu.memref_slice %arg6[%dma_start3A_84, %dma_start3A_85] : memref<10112x64xbf16, #tpu.memory_space<vmem_shared>> -> memref<10112x64xbf16, #tpu.memory_space<vmem_shared>>
      %dma_start3A_87 = tpu.memref_slice %arg10[%rem3A_51] : memref<4x!tpu.dma_semaphore, #tpu.memory_space<semaphore_mem>> -> memref<1x!tpu.dma_semaphore, #tpu.memory_space<semaphore_mem>>
      %dma_start3A_88 = tpu.memref_squeeze %dma_start3A_87 : memref<1x!tpu.dma_semaphore, #tpu.memory_space<semaphore_mem>> -> memref<!tpu.dma_semaphore, #tpu.memory_space<semaphore_mem>>
      tpu.enqueue_indirect_dma source(%dma_start3A_80 : memref<128x64xbf16, #tpu.memory_space<vmem>>) target(%dma_start3A_86 : memref<10112x64xbf16, #tpu.memory_space<vmem_shared>>) offsets(%dma_start3A_83 : memref<128xi32, #tpu.memory_space<vmem>>) semaphore(%dma_start3A_88 : memref<!tpu.dma_semaphore, #tpu.memory_space<semaphore_mem>>) {add = true}
    }
    %scan3A = arith.constant 0 : i32
    %scan3A_40 = arith.constant 0 : i32
    %scan3A_41 = arith.constant 4 : i32
    %scan3A_42 = arith.addi %scan3A_40, %scan3A_41 : i32
    %scan3A_43 = arith.constant 1 : i32
    scf.for %scan3A_50 = %scan3A_40 to %scan3A_42 step %scan3A_43  : i32 {
      %sub3A_51 = arith.constant 4 : i32
      %sub3A_52 = arith.subi %min3A_8, %sub3A_51 : i32
      %add3A_53 = arith.addi %sub3A_52, %scan3A_50 : i32
      %ge3A = arith.constant 0 : i32
      %ge3A_54 = arith.cmpi sge, %add3A_53, %ge3A : i32
      %convert_element_type3A_55 = arith.extui %ge3A_54 : i1 to i32
      %cond3A_56 = arith.constant 0 : i32
      %cond3A_57 = arith.cmpi ne, %convert_element_type3A_55, %cond3A_56 : i32
      scf.if %cond3A_57 {
        %rem3A = arith.constant 4 : i32
        %rem3A_58 = arith.remsi %add3A_53, %rem3A : i32
        %dma_wait3A = arith.constant 1 : i32
        %dma_wait3A_59 = arith.constant 0 : i32
        %dma_wait3A_60 = arith.constant 0 : i32
        %dma_wait3A_61 = tpu.memref_slice %arg8[%rem3A_58, %dma_wait3A_59, %dma_wait3A_60] : memref<4x128x64xbf16, #tpu.memory_space<vmem>> -> memref<1x128x64xbf16, #tpu.memory_space<vmem>>
        %dma_wait3A_62 = tpu.memref_squeeze %dma_wait3A_61 : memref<1x128x64xbf16, #tpu.memory_space<vmem>> -> memref<128x64xbf16, #tpu.memory_space<vmem>>
        %dma_wait3A_63 = arith.constant 0 : i32
        %dma_wait3A_64 = tpu.memref_slice %arg7[%add3A_53, %dma_wait3A, %dma_wait3A_63] : memref<80x2x128xi32, #tpu.memory_space<vmem>> -> memref<1x1x128xi32, #tpu.memory_space<vmem>>
        %dma_wait3A_65 = tpu.memref_squeeze %dma_wait3A_64 : memref<1x1x128xi32, #tpu.memory_space<vmem>> -> memref<128xi32, #tpu.memory_space<vmem>>
        %dma_wait3A_66 = arith.constant 0 : i32
        %dma_wait3A_67 = arith.constant 0 : i32
        %dma_wait3A_68 = tpu.memref_slice %arg6[%dma_wait3A_66, %dma_wait3A_67] : memref<10112x64xbf16, #tpu.memory_space<vmem_shared>> -> memref<10112x64xbf16, #tpu.memory_space<vmem_shared>>
        %dma_wait3A_69 = tpu.memref_slice %arg10[%rem3A_58] : memref<4x!tpu.dma_semaphore, #tpu.memory_space<semaphore_mem>> -> memref<1x!tpu.dma_semaphore, #tpu.memory_space<semaphore_mem>>
        %dma_wait3A_70 = tpu.memref_squeeze %dma_wait3A_69 : memref<1x!tpu.dma_semaphore, #tpu.memory_space<semaphore_mem>> -> memref<!tpu.dma_semaphore, #tpu.memory_space<semaphore_mem>>
        tpu.wait_indirect_dma semaphore(%dma_wait3A_70 : memref<!tpu.dma_semaphore, #tpu.memory_space<semaphore_mem>>) src(%dma_wait3A_62 : memref<128x64xbf16, #tpu.memory_space<vmem>>) dst(%dma_wait3A_68 : memref<10112x64xbf16, #tpu.memory_space<vmem_shared>>)
      } else {
      }
    }
    %scan3A_44 = arith.constant 4 : i32
    %barrier3A_45 = arith.constant 0 : index
    tpu.barrier barrier_id(%barrier3A_45)
    %mul3A_46 = arith.constant 632 : i32
    %mul3A_47 = arith.muli %arg1, %mul3A_46 : i32
    %mul3A_48 = arith.constant 632 : i32
    %mul3A_49 = arith.muli %arg1, %mul3A_48 : i32
    "tpu.region"() ({
      %run_scoped3A = tpu.sem_alloc : memref<!tpu.dma_semaphore, #tpu.memory_space<semaphore_mem>>
      %dma_start3A = arith.constant 0 : i32
      %dma_start3A_50 = tpu.memref_slice %arg5[%arg0, %mul3A_49, %dma_start3A] : memref<2x10112x64xbf16, #tpu.memory_space<hbm>> -> memref<1x632x64xbf16, #tpu.memory_space<hbm>>
      %dma_start3A_51 = tpu.memref_squeeze %dma_start3A_50 : memref<1x632x64xbf16, #tpu.memory_space<hbm>> -> memref<632x64xbf16, #tpu.memory_space<hbm>>
      %dma_start3A_52 = arith.constant 0 : i32
      %dma_start3A_53 = tpu.memref_slice %arg6[%mul3A_47, %dma_start3A_52] : memref<10112x64xbf16, #tpu.memory_space<vmem_shared>> -> memref<632x64xbf16, #tpu.memory_space<vmem_shared>>
      tpu.enqueue_dma source(%dma_start3A_53 : memref<632x64xbf16, #tpu.memory_space<vmem_shared>>) target(%dma_start3A_51 : memref<632x64xbf16, #tpu.memory_space<hbm>>) target_semaphore(%run_scoped3A : memref<!tpu.dma_semaphore, #tpu.memory_space<semaphore_mem>>)
      %dma_wait3A = arith.constant 0 : i32
      %dma_wait3A_54 = tpu.memref_slice %arg5[%arg0, %mul3A_49, %dma_wait3A] : memref<2x10112x64xbf16, #tpu.memory_space<hbm>> -> memref<1x632x64xbf16, #tpu.memory_space<hbm>>
      %dma_wait3A_55 = tpu.memref_squeeze %dma_wait3A_54 : memref<1x632x64xbf16, #tpu.memory_space<hbm>> -> memref<632x64xbf16, #tpu.memory_space<hbm>>
      %dma_wait3A_56 = arith.constant 0 : i32
      %dma_wait3A_57 = tpu.memref_slice %arg6[%mul3A_47, %dma_wait3A_56] : memref<10112x64xbf16, #tpu.memory_space<vmem_shared>> -> memref<632x64xbf16, #tpu.memory_space<vmem_shared>>
      tpu.wait_dma2 semaphore(%run_scoped3A : memref<!tpu.dma_semaphore, #tpu.memory_space<semaphore_mem>>) src(%dma_wait3A_57 : memref<632x64xbf16, #tpu.memory_space<vmem_shared>>) dst(%dma_wait3A_55 : memref<632x64xbf16, #tpu.memory_space<hbm>>)
      tpu.yield
    }) : () -> ()
    return
  }
}

#map = affine_map<(d0, d1) -> (0, 0, 0)>
#map1 = affine_map<(d0, d1) -> (0, 0)>
module attributes {stable_mosaic.version = 14 : i64} {
  func.func @body(%arg0: i32, %arg1: i32, %arg2: memref<2500x2x128xi32, #tpu.memory_space<hbm>>, %arg3: memref<320000x16xf32, #tpu.memory_space<hbm>>, %arg4: memref<10112x16xf32, #tpu.memory_space<hbm>>, %arg5: memref<2x10112x16xf32, #tpu.memory_space<hbm>>, %arg6: memref<10112x16xf32, #tpu.memory_space<vmem_shared>>, %arg7: memref<80x2x128xi32, #tpu.memory_space<vmem>>, %arg8: memref<2x128x16xf32, #tpu.memory_space<vmem>>, %arg9: memref<2x!tpu.dma_semaphore, #tpu.memory_space<semaphore_mem>>, %arg10: memref<2x!tpu.dma_semaphore, #tpu.memory_space<semaphore_mem>>) attributes {dimension_semantics = [#tpu.dimension_semantics<core_parallel>, #tpu.dimension_semantics<subcore_parallel>], iteration_bounds = array<i64: 2, 16>, scalar_prefetch = 0 : i64, scratch_operands = 5 : i64, tpu.core_type = #tpu.core_type<sc_vector_subcore>, window_params = [{transform_indices = #map}, {transform_indices = #map1}, {transform_indices = #map1}, {transform_indices = #map}]} {
    %mul3A = arith.constant 16 : i32
    %mul3A_0 = arith.muli %arg0, %mul3A : i32
    %add3A = arith.addi %mul3A_0, %arg1 : i32
    %mul3A_1 = arith.constant 80 : i32
    %mul3A_2 = arith.muli %add3A, %mul3A_1 : i32
    %mul3A_3 = arith.constant 632 : i32
    %mul3A_4 = arith.muli %arg1, %mul3A_3 : i32
    %mul3A_5 = arith.constant 632 : i32
    %mul3A_6 = arith.muli %arg1, %mul3A_5 : i32
    "tpu.region"() ({
      %run_scoped3A = tpu.sem_alloc : memref<!tpu.dma_semaphore, #tpu.memory_space<semaphore_mem>>
      %dma_start3A_86 = arith.constant 0 : i32
      %dma_start3A_87 = tpu.memref_slice %arg6[%mul3A_6, %dma_start3A_86] : memref<10112x16xf32, #tpu.memory_space<vmem_shared>> -> memref<632x16xf32, #tpu.memory_space<vmem_shared>>
      %dma_start3A_88 = arith.constant 0 : i32
      %dma_start3A_89 = tpu.memref_slice %arg4[%mul3A_4, %dma_start3A_88] : memref<10112x16xf32, #tpu.memory_space<hbm>> -> memref<632x16xf32, #tpu.memory_space<hbm>>
      tpu.enqueue_dma source(%dma_start3A_89 : memref<632x16xf32, #tpu.memory_space<hbm>>) target(%dma_start3A_87 : memref<632x16xf32, #tpu.memory_space<vmem_shared>>) target_semaphore(%run_scoped3A : memref<!tpu.dma_semaphore, #tpu.memory_space<semaphore_mem>>)
      %dma_wait3A_90 = arith.constant 0 : i32
      %dma_wait3A_91 = tpu.memref_slice %arg6[%mul3A_6, %dma_wait3A_90] : memref<10112x16xf32, #tpu.memory_space<vmem_shared>> -> memref<632x16xf32, #tpu.memory_space<vmem_shared>>
      %dma_wait3A_92 = arith.constant 0 : i32
      %dma_wait3A_93 = tpu.memref_slice %arg4[%mul3A_4, %dma_wait3A_92] : memref<10112x16xf32, #tpu.memory_space<hbm>> -> memref<632x16xf32, #tpu.memory_space<hbm>>
      tpu.wait_dma2 semaphore(%run_scoped3A : memref<!tpu.dma_semaphore, #tpu.memory_space<semaphore_mem>>) src(%dma_wait3A_93 : memref<632x16xf32, #tpu.memory_space<hbm>>) dst(%dma_wait3A_91 : memref<632x16xf32, #tpu.memory_space<vmem_shared>>)
      tpu.yield
    }) : () -> ()
    %sub3A = arith.constant 2500 : i32
    %sub3A_7 = arith.subi %sub3A, %mul3A_2 : i32
    %min3A = arith.constant 80 : i32
    %min3A_8 = arith.minsi %sub3A_7, %min3A : i32
    %add3A_9 = arith.constant 80 : i32
    %add3A_10 = arith.addi %mul3A_2, %add3A_9 : i32
    %le3A = arith.constant 2500 : i32
    %le3A_11 = arith.cmpi sle, %add3A_10, %le3A : i32
    %convert_element_type3A = arith.extui %le3A_11 : i1 to i32
    %cond3A = arith.constant 0 : i32
    %cond3A_12 = arith.cmpi ne, %convert_element_type3A, %cond3A : i32
    scf.if %cond3A_12 {
      "tpu.region"() ({
        %run_scoped3A = tpu.sem_alloc : memref<!tpu.dma_semaphore, #tpu.memory_space<semaphore_mem>>
        %dma_start3A_86 = arith.constant 0 : i32
        %dma_start3A_87 = arith.constant 0 : i32
        %dma_start3A_88 = tpu.memref_slice %arg2[%mul3A_2, %dma_start3A_86, %dma_start3A_87] : memref<2500x2x128xi32, #tpu.memory_space<hbm>> -> memref<80x2x128xi32, #tpu.memory_space<hbm>>
        %dma_start3A_89 = arith.constant 0 : i32
        %dma_start3A_90 = arith.constant 0 : i32
        %dma_start3A_91 = tpu.memref_slice %arg2[%mul3A_2, %dma_start3A_89, %dma_start3A_90] : memref<2500x2x128xi32, #tpu.memory_space<hbm>> -> memref<80x2x128xi32, #tpu.memory_space<hbm>>
        tpu.enqueue_dma source(%dma_start3A_91 : memref<80x2x128xi32, #tpu.memory_space<hbm>>) target(%arg7 : memref<80x2x128xi32, #tpu.memory_space<vmem>>) target_semaphore(%run_scoped3A : memref<!tpu.dma_semaphore, #tpu.memory_space<semaphore_mem>>)
        %dma_wait3A_92 = arith.constant 0 : i32
        %dma_wait3A_93 = arith.constant 0 : i32
        %dma_wait3A_94 = tpu.memref_slice %arg2[%mul3A_2, %dma_wait3A_92, %dma_wait3A_93] : memref<2500x2x128xi32, #tpu.memory_space<hbm>> -> memref<80x2x128xi32, #tpu.memory_space<hbm>>
        %dma_wait3A_95 = arith.constant 0 : i32
        %dma_wait3A_96 = arith.constant 0 : i32
        %dma_wait3A_97 = tpu.memref_slice %arg2[%mul3A_2, %dma_wait3A_95, %dma_wait3A_96] : memref<2500x2x128xi32, #tpu.memory_space<hbm>> -> memref<80x2x128xi32, #tpu.memory_space<hbm>>
        tpu.wait_dma2 semaphore(%run_scoped3A : memref<!tpu.dma_semaphore, #tpu.memory_space<semaphore_mem>>) src(%dma_wait3A_97 : memref<80x2x128xi32, #tpu.memory_space<hbm>>) dst(%arg7 : memref<80x2x128xi32, #tpu.memory_space<vmem>>)
        tpu.yield
      }) : () -> ()
    } else {
    }
    %not3A = arith.constant true
    %not3A_13 = arith.xori %le3A_11, %not3A : i1
    %convert_element_type3A_14 = arith.extui %not3A_13 : i1 to i32
    %cond3A_15 = arith.constant 0 : i32
    %cond3A_16 = arith.cmpi ne, %convert_element_type3A_14, %cond3A_15 : i32
    scf.if %cond3A_16 {
      "tpu.region"() ({
        %run_scoped3A = tpu.sem_alloc : memref<!tpu.dma_semaphore, #tpu.memory_space<semaphore_mem>>
        %dma_start3A_86 = arith.constant 0 : i32
        %dma_start3A_87 = arith.constant 0 : i32
        %dma_start3A_88 = arith.constant 0 : i32
        %dma_start3A_89 = tpu.memref_slice %arg7[%dma_start3A_86, %dma_start3A_87, %dma_start3A_88] : memref<80x2x128xi32, #tpu.memory_space<vmem>> -> memref<20x2x128xi32, #tpu.memory_space<vmem>>
        %dma_start3A_90 = arith.constant 0 : i32
        %dma_start3A_91 = arith.constant 0 : i32
        %dma_start3A_92 = tpu.memref_slice %arg2[%mul3A_2, %dma_start3A_90, %dma_start3A_91] : memref<2500x2x128xi32, #tpu.memory_space<hbm>> -> memref<20x2x128xi32, #tpu.memory_space<hbm>>
        %dma_start3A_93 = arith.constant 0 : i32
        %dma_start3A_94 = arith.constant 0 : i32
        %dma_start3A_95 = arith.constant 0 : i32
        %dma_start3A_96 = tpu.memref_slice %arg7[%dma_start3A_93, %dma_start3A_94, %dma_start3A_95] : memref<80x2x128xi32, #tpu.memory_space<vmem>> -> memref<20x2x128xi32, #tpu.memory_space<vmem>>
        %dma_start3A_97 = arith.constant 0 : i32
        %dma_start3A_98 = arith.constant 0 : i32
        %dma_start3A_99 = tpu.memref_slice %arg2[%mul3A_2, %dma_start3A_97, %dma_start3A_98] : memref<2500x2x128xi32, #tpu.memory_space<hbm>> -> memref<20x2x128xi32, #tpu.memory_space<hbm>>
        tpu.enqueue_dma source(%dma_start3A_99 : memref<20x2x128xi32, #tpu.memory_space<hbm>>) target(%dma_start3A_96 : memref<20x2x128xi32, #tpu.memory_space<vmem>>) target_semaphore(%run_scoped3A : memref<!tpu.dma_semaphore, #tpu.memory_space<semaphore_mem>>)
        %dma_wait3A_100 = arith.constant 0 : i32
        %dma_wait3A_101 = arith.constant 0 : i32
        %dma_wait3A_102 = arith.constant 0 : i32
        %dma_wait3A_103 = tpu.memref_slice %arg7[%dma_wait3A_100, %dma_wait3A_101, %dma_wait3A_102] : memref<80x2x128xi32, #tpu.memory_space<vmem>> -> memref<20x2x128xi32, #tpu.memory_space<vmem>>
        %dma_wait3A_104 = arith.constant 0 : i32
        %dma_wait3A_105 = arith.constant 0 : i32
        %dma_wait3A_106 = tpu.memref_slice %arg2[%mul3A_2, %dma_wait3A_104, %dma_wait3A_105] : memref<2500x2x128xi32, #tpu.memory_space<hbm>> -> memref<20x2x128xi32, #tpu.memory_space<hbm>>
        %dma_wait3A_107 = arith.constant 0 : i32
        %dma_wait3A_108 = arith.constant 0 : i32
        %dma_wait3A_109 = arith.constant 0 : i32
        %dma_wait3A_110 = tpu.memref_slice %arg7[%dma_wait3A_107, %dma_wait3A_108, %dma_wait3A_109] : memref<80x2x128xi32, #tpu.memory_space<vmem>> -> memref<20x2x128xi32, #tpu.memory_space<vmem>>
        %dma_wait3A_111 = arith.constant 0 : i32
        %dma_wait3A_112 = arith.constant 0 : i32
        %dma_wait3A_113 = tpu.memref_slice %arg2[%mul3A_2, %dma_wait3A_111, %dma_wait3A_112] : memref<2500x2x128xi32, #tpu.memory_space<hbm>> -> memref<20x2x128xi32, #tpu.memory_space<hbm>>
        tpu.wait_dma2 semaphore(%run_scoped3A : memref<!tpu.dma_semaphore, #tpu.memory_space<semaphore_mem>>) src(%dma_wait3A_113 : memref<20x2x128xi32, #tpu.memory_space<hbm>>) dst(%dma_wait3A_110 : memref<20x2x128xi32, #tpu.memory_space<vmem>>)
        tpu.yield
      }) : () -> ()
    } else {
    }
    %barrier3A = arith.constant 0 : index
    tpu.barrier barrier_id(%barrier3A)
    %add3A_17 = arith.constant 0 : i32
    %add3A_18 = arith.addi %mul3A_2, %add3A_17 : i32
    %mul3A_19 = arith.constant 128 : i32
    %mul3A_20 = arith.muli %add3A_18, %mul3A_19 : i32
    %dma_start3A = arith.constant 0 : i32
    %dma_start3A_21 = arith.constant 0 : i32
    %dma_start3A_22 = arith.constant 0 : i32
    %dma_start3A_23 = arith.constant 0 : i32
    %dma_start3A_24 = tpu.memref_slice %arg8[%dma_start3A, %dma_start3A_22, %dma_start3A_23] : memref<2x128x16xf32, #tpu.memory_space<vmem>> -> memref<1x128x16xf32, #tpu.memory_space<vmem>>
    %dma_start3A_25 = tpu.memref_squeeze %dma_start3A_24 : memref<1x128x16xf32, #tpu.memory_space<vmem>> -> memref<128x16xf32, #tpu.memory_space<vmem>>
    %dma_start3A_26 = arith.constant 0 : i32
    %dma_start3A_27 = tpu.memref_slice %arg3[%mul3A_20, %dma_start3A_26] : memref<320000x16xf32, #tpu.memory_space<hbm>> -> memref<128x16xf32, #tpu.memory_space<hbm>>
    %dma_start3A_28 = tpu.memref_slice %arg9[%dma_start3A_21] : memref<2x!tpu.dma_semaphore, #tpu.memory_space<semaphore_mem>> -> memref<1x!tpu.dma_semaphore, #tpu.memory_space<semaphore_mem>>
    %dma_start3A_29 = tpu.memref_squeeze %dma_start3A_28 : memref<1x!tpu.dma_semaphore, #tpu.memory_space<semaphore_mem>> -> memref<!tpu.dma_semaphore, #tpu.memory_space<semaphore_mem>>
    %dma_start3A_30 = arith.constant 0 : i32
    %dma_start3A_31 = arith.constant 0 : i32
    %dma_start3A_32 = tpu.memref_slice %arg8[%dma_start3A, %dma_start3A_30, %dma_start3A_31] : memref<2x128x16xf32, #tpu.memory_space<vmem>> -> memref<1x128x16xf32, #tpu.memory_space<vmem>>
    %dma_start3A_33 = tpu.memref_squeeze %dma_start3A_32 : memref<1x128x16xf32, #tpu.memory_space<vmem>> -> memref<128x16xf32, #tpu.memory_space<vmem>>
    %dma_start3A_34 = arith.constant 0 : i32
    %dma_start3A_35 = tpu.memref_slice %arg3[%mul3A_20, %dma_start3A_34] : memref<320000x16xf32, #tpu.memory_space<hbm>> -> memref<128x16xf32, #tpu.memory_space<hbm>>
    tpu.enqueue_dma source(%dma_start3A_35 : memref<128x16xf32, #tpu.memory_space<hbm>>) target(%dma_start3A_33 : memref<128x16xf32, #tpu.memory_space<vmem>>) target_semaphore(%dma_start3A_29 : memref<!tpu.dma_semaphore, #tpu.memory_space<semaphore_mem>>)
    %while3A = arith.constant 0 : i32
    %while3A_36 = arith.constant 0 : i32
    %while3A_37 = arith.subi %min3A_8, %while3A_36 : i32
    %while3A_38 = arith.addi %while3A_36, %while3A_37 : i32
    %while3A_39 = arith.constant 1 : i32
    %while3A_40 = arith.divsi %while3A_37, %while3A_39 : i32
    %while3A_41 = arith.muli %while3A_40, %while3A_39 : i32
    %while3A_42 = arith.addi %while3A_36, %while3A_41 : i32
    %while3A_43 = arith.constant 1 : i32
    scf.for %while3A_86 = %while3A_36 to %while3A_42 step %while3A_43  : i32 {
      %rem3A_87 = arith.constant 2 : i32
      %rem3A_88 = arith.remsi %while3A_86, %rem3A_87 : i32
      %add3A_89 = arith.constant 1 : i32
      %add3A_90 = arith.addi %while3A_86, %add3A_89 : i32
      %rem3A_91 = arith.constant 2 : i32
      %rem3A_92 = arith.remsi %add3A_90, %rem3A_91 : i32
      %add3A_93 = arith.constant 1 : i32
      %add3A_94 = arith.addi %while3A_86, %add3A_93 : i32
      %lt3A = arith.cmpi slt, %add3A_94, %min3A_8 : i32
      %convert_element_type3A_95 = arith.extui %lt3A : i1 to i32
      %cond3A_96 = arith.constant 0 : i32
      %cond3A_97 = arith.cmpi ne, %convert_element_type3A_95, %cond3A_96 : i32
      scf.if %cond3A_97 {
        %ge3A = arith.constant 1 : i32
        %ge3A_128 = arith.cmpi sge, %while3A_86, %ge3A : i32
        %convert_element_type3A_129 = arith.extui %ge3A_128 : i1 to i32
        %cond3A_130 = arith.constant 0 : i32
        %cond3A_131 = arith.cmpi ne, %convert_element_type3A_129, %cond3A_130 : i32
        scf.if %cond3A_131 {
          %sub3A_151 = arith.constant 1 : i32
          %sub3A_152 = arith.subi %while3A_86, %sub3A_151 : i32
          %dma_wait3A_153 = arith.constant 1 : i32
          %dma_wait3A_154 = arith.constant 0 : i32
          %dma_wait3A_155 = arith.constant 0 : i32
          %dma_wait3A_156 = tpu.memref_slice %arg8[%rem3A_92, %dma_wait3A_154, %dma_wait3A_155] : memref<2x128x16xf32, #tpu.memory_space<vmem>> -> memref<1x128x16xf32, #tpu.memory_space<vmem>>
          %dma_wait3A_157 = tpu.memref_squeeze %dma_wait3A_156 : memref<1x128x16xf32, #tpu.memory_space<vmem>> -> memref<128x16xf32, #tpu.memory_space<vmem>>
          %dma_wait3A_158 = arith.constant 0 : i32
          %dma_wait3A_159 = tpu.memref_slice %arg7[%sub3A_152, %dma_wait3A_153, %dma_wait3A_158] : memref<80x2x128xi32, #tpu.memory_space<vmem>> -> memref<1x1x128xi32, #tpu.memory_space<vmem>>
          %dma_wait3A_160 = tpu.memref_squeeze %dma_wait3A_159 : memref<1x1x128xi32, #tpu.memory_space<vmem>> -> memref<128xi32, #tpu.memory_space<vmem>>
          %dma_wait3A_161 = arith.constant 0 : i32
          %dma_wait3A_162 = arith.constant 0 : i32
          %dma_wait3A_163 = tpu.memref_slice %arg6[%dma_wait3A_161, %dma_wait3A_162] : memref<10112x16xf32, #tpu.memory_space<vmem_shared>> -> memref<10112x16xf32, #tpu.memory_space<vmem_shared>>
          %dma_wait3A_164 = tpu.memref_slice %arg10[%rem3A_92] : memref<2x!tpu.dma_semaphore, #tpu.memory_space<semaphore_mem>> -> memref<1x!tpu.dma_semaphore, #tpu.memory_space<semaphore_mem>>
          %dma_wait3A_165 = tpu.memref_squeeze %dma_wait3A_164 : memref<1x!tpu.dma_semaphore, #tpu.memory_space<semaphore_mem>> -> memref<!tpu.dma_semaphore, #tpu.memory_space<semaphore_mem>>
          tpu.wait_indirect_dma semaphore(%dma_wait3A_165 : memref<!tpu.dma_semaphore, #tpu.memory_space<semaphore_mem>>) src(%dma_wait3A_157 : memref<128x16xf32, #tpu.memory_space<vmem>>) dst(%dma_wait3A_163 : memref<10112x16xf32, #tpu.memory_space<vmem_shared>>)
        } else {
        }
        %add3A_132 = arith.constant 1 : i32
        %add3A_133 = arith.addi %while3A_86, %add3A_132 : i32
        %add3A_134 = arith.addi %mul3A_2, %add3A_133 : i32
        %mul3A_135 = arith.constant 128 : i32
        %mul3A_136 = arith.muli %add3A_134, %mul3A_135 : i32
        %dma_start3A_137 = arith.constant 0 : i32
        %dma_start3A_138 = arith.constant 0 : i32
        %dma_start3A_139 = tpu.memref_slice %arg8[%rem3A_92, %dma_start3A_137, %dma_start3A_138] : memref<2x128x16xf32, #tpu.memory_space<vmem>> -> memref<1x128x16xf32, #tpu.memory_space<vmem>>
        %dma_start3A_140 = tpu.memref_squeeze %dma_start3A_139 : memref<1x128x16xf32, #tpu.memory_space<vmem>> -> memref<128x16xf32, #tpu.memory_space<vmem>>
        %dma_start3A_141 = arith.constant 0 : i32
        %dma_start3A_142 = tpu.memref_slice %arg3[%mul3A_136, %dma_start3A_141] : memref<320000x16xf32, #tpu.memory_space<hbm>> -> memref<128x16xf32, #tpu.memory_space<hbm>>
        %dma_start3A_143 = tpu.memref_slice %arg9[%rem3A_92] : memref<2x!tpu.dma_semaphore, #tpu.memory_space<semaphore_mem>> -> memref<1x!tpu.dma_semaphore, #tpu.memory_space<semaphore_mem>>
        %dma_start3A_144 = tpu.memref_squeeze %dma_start3A_143 : memref<1x!tpu.dma_semaphore, #tpu.memory_space<semaphore_mem>> -> memref<!tpu.dma_semaphore, #tpu.memory_space<semaphore_mem>>
        %dma_start3A_145 = arith.constant 0 : i32
        %dma_start3A_146 = arith.constant 0 : i32
        %dma_start3A_147 = tpu.memref_slice %arg8[%rem3A_92, %dma_start3A_145, %dma_start3A_146] : memref<2x128x16xf32, #tpu.memory_space<vmem>> -> memref<1x128x16xf32, #tpu.memory_space<vmem>>
        %dma_start3A_148 = tpu.memref_squeeze %dma_start3A_147 : memref<1x128x16xf32, #tpu.memory_space<vmem>> -> memref<128x16xf32, #tpu.memory_space<vmem>>
        %dma_start3A_149 = arith.constant 0 : i32
        %dma_start3A_150 = tpu.memref_slice %arg3[%mul3A_136, %dma_start3A_149] : memref<320000x16xf32, #tpu.memory_space<hbm>> -> memref<128x16xf32, #tpu.memory_space<hbm>>
        tpu.enqueue_dma source(%dma_start3A_150 : memref<128x16xf32, #tpu.memory_space<hbm>>) target(%dma_start3A_148 : memref<128x16xf32, #tpu.memory_space<vmem>>) target_semaphore(%dma_start3A_144 : memref<!tpu.dma_semaphore, #tpu.memory_space<semaphore_mem>>)
      } else {
      }
      %add3A_98 = arith.addi %mul3A_2, %while3A_86 : i32
      %mul3A_99 = arith.constant 128 : i32
      %mul3A_100 = arith.muli %add3A_98, %mul3A_99 : i32
      %dma_wait3A_101 = arith.constant 0 : i32
      %dma_wait3A_102 = arith.constant 0 : i32
      %dma_wait3A_103 = tpu.memref_slice %arg8[%rem3A_88, %dma_wait3A_101, %dma_wait3A_102] : memref<2x128x16xf32, #tpu.memory_space<vmem>> -> memref<1x128x16xf32, #tpu.memory_space<vmem>>
      %dma_wait3A_104 = tpu.memref_squeeze %dma_wait3A_103 : memref<1x128x16xf32, #tpu.memory_space<vmem>> -> memref<128x16xf32, #tpu.memory_space<vmem>>
      %dma_wait3A_105 = arith.constant 0 : i32
      %dma_wait3A_106 = tpu.memref_slice %arg3[%mul3A_100, %dma_wait3A_105] : memref<320000x16xf32, #tpu.memory_space<hbm>> -> memref<128x16xf32, #tpu.memory_space<hbm>>
      %dma_wait3A_107 = tpu.memref_slice %arg9[%rem3A_88] : memref<2x!tpu.dma_semaphore, #tpu.memory_space<semaphore_mem>> -> memref<1x!tpu.dma_semaphore, #tpu.memory_space<semaphore_mem>>
      %dma_wait3A_108 = tpu.memref_squeeze %dma_wait3A_107 : memref<1x!tpu.dma_semaphore, #tpu.memory_space<semaphore_mem>> -> memref<!tpu.dma_semaphore, #tpu.memory_space<semaphore_mem>>
      %dma_wait3A_109 = arith.constant 0 : i32
      %dma_wait3A_110 = arith.constant 0 : i32
      %dma_wait3A_111 = tpu.memref_slice %arg8[%rem3A_88, %dma_wait3A_109, %dma_wait3A_110] : memref<2x128x16xf32, #tpu.memory_space<vmem>> -> memref<1x128x16xf32, #tpu.memory_space<vmem>>
      %dma_wait3A_112 = tpu.memref_squeeze %dma_wait3A_111 : memref<1x128x16xf32, #tpu.memory_space<vmem>> -> memref<128x16xf32, #tpu.memory_space<vmem>>
      %dma_wait3A_113 = arith.constant 0 : i32
      %dma_wait3A_114 = tpu.memref_slice %arg3[%mul3A_100, %dma_wait3A_113] : memref<320000x16xf32, #tpu.memory_space<hbm>> -> memref<128x16xf32, #tpu.memory_space<hbm>>
      tpu.wait_dma2 semaphore(%dma_wait3A_108 : memref<!tpu.dma_semaphore, #tpu.memory_space<semaphore_mem>>) src(%dma_wait3A_114 : memref<128x16xf32, #tpu.memory_space<hbm>>) dst(%dma_wait3A_112 : memref<128x16xf32, #tpu.memory_space<vmem>>)
      %dma_start3A_115 = arith.constant 1 : i32
      %dma_start3A_116 = arith.constant 0 : i32
      %dma_start3A_117 = arith.constant 0 : i32
      %dma_start3A_118 = tpu.memref_slice %arg8[%rem3A_88, %dma_start3A_116, %dma_start3A_117] : memref<2x128x16xf32, #tpu.memory_space<vmem>> -> memref<1x128x16xf32, #tpu.memory_space<vmem>>
      %dma_start3A_119 = tpu.memref_squeeze %dma_start3A_118 : memref<1x128x16xf32, #tpu.memory_space<vmem>> -> memref<128x16xf32, #tpu.memory_space<vmem>>
      %dma_start3A_120 = arith.constant 0 : i32
      %dma_start3A_121 = tpu.memref_slice %arg7[%while3A_86, %dma_start3A_115, %dma_start3A_120] : memref<80x2x128xi32, #tpu.memory_space<vmem>> -> memref<1x1x128xi32, #tpu.memory_space<vmem>>
      %dma_start3A_122 = tpu.memref_squeeze %dma_start3A_121 : memref<1x1x128xi32, #tpu.memory_space<vmem>> -> memref<128xi32, #tpu.memory_space<vmem>>
      %dma_start3A_123 = arith.constant 0 : i32
      %dma_start3A_124 = arith.constant 0 : i32
      %dma_start3A_125 = tpu.memref_slice %arg6[%dma_start3A_123, %dma_start3A_124] : memref<10112x16xf32, #tpu.memory_space<vmem_shared>> -> memref<10112x16xf32, #tpu.memory_space<vmem_shared>>
      %dma_start3A_126 = tpu.memref_slice %arg10[%rem3A_88] : memref<2x!tpu.dma_semaphore, #tpu.memory_space<semaphore_mem>> -> memref<1x!tpu.dma_semaphore, #tpu.memory_space<semaphore_mem>>
      %dma_start3A_127 = tpu.memref_squeeze %dma_start3A_126 : memref<1x!tpu.dma_semaphore, #tpu.memory_space<semaphore_mem>> -> memref<!tpu.dma_semaphore, #tpu.memory_space<semaphore_mem>>
      tpu.enqueue_indirect_dma source(%dma_start3A_119 : memref<128x16xf32, #tpu.memory_space<vmem>>) target(%dma_start3A_125 : memref<10112x16xf32, #tpu.memory_space<vmem_shared>>) offsets(%dma_start3A_122 : memref<128xi32, #tpu.memory_space<vmem>>) semaphore(%dma_start3A_127 : memref<!tpu.dma_semaphore, #tpu.memory_space<semaphore_mem>>) {add = true}
    }
    %while3A_44 = arith.constant 1 : i32
    scf.for %while3A_86 = %while3A_42 to %while3A_38 step %while3A_44  : i32 {
      %rem3A_87 = arith.constant 2 : i32
      %rem3A_88 = arith.remsi %while3A_86, %rem3A_87 : i32
      %add3A_89 = arith.constant 1 : i32
      %add3A_90 = arith.addi %while3A_86, %add3A_89 : i32
      %rem3A_91 = arith.constant 2 : i32
      %rem3A_92 = arith.remsi %add3A_90, %rem3A_91 : i32
      %add3A_93 = arith.constant 1 : i32
      %add3A_94 = arith.addi %while3A_86, %add3A_93 : i32
      %lt3A = arith.cmpi slt, %add3A_94, %min3A_8 : i32
      %convert_element_type3A_95 = arith.extui %lt3A : i1 to i32
      %cond3A_96 = arith.constant 0 : i32
      %cond3A_97 = arith.cmpi ne, %convert_element_type3A_95, %cond3A_96 : i32
      scf.if %cond3A_97 {
        %ge3A = arith.constant 1 : i32
        %ge3A_128 = arith.cmpi sge, %while3A_86, %ge3A : i32
        %convert_element_type3A_129 = arith.extui %ge3A_128 : i1 to i32
        %cond3A_130 = arith.constant 0 : i32
        %cond3A_131 = arith.cmpi ne, %convert_element_type3A_129, %cond3A_130 : i32
        scf.if %cond3A_131 {
          %sub3A_151 = arith.constant 1 : i32
          %sub3A_152 = arith.subi %while3A_86, %sub3A_151 : i32
          %dma_wait3A_153 = arith.constant 1 : i32
          %dma_wait3A_154 = arith.constant 0 : i32
          %dma_wait3A_155 = arith.constant 0 : i32
          %dma_wait3A_156 = tpu.memref_slice %arg8[%rem3A_92, %dma_wait3A_154, %dma_wait3A_155] : memref<2x128x16xf32, #tpu.memory_space<vmem>> -> memref<1x128x16xf32, #tpu.memory_space<vmem>>
          %dma_wait3A_157 = tpu.memref_squeeze %dma_wait3A_156 : memref<1x128x16xf32, #tpu.memory_space<vmem>> -> memref<128x16xf32, #tpu.memory_space<vmem>>
          %dma_wait3A_158 = arith.constant 0 : i32
          %dma_wait3A_159 = tpu.memref_slice %arg7[%sub3A_152, %dma_wait3A_153, %dma_wait3A_158] : memref<80x2x128xi32, #tpu.memory_space<vmem>> -> memref<1x1x128xi32, #tpu.memory_space<vmem>>
          %dma_wait3A_160 = tpu.memref_squeeze %dma_wait3A_159 : memref<1x1x128xi32, #tpu.memory_space<vmem>> -> memref<128xi32, #tpu.memory_space<vmem>>
          %dma_wait3A_161 = arith.constant 0 : i32
          %dma_wait3A_162 = arith.constant 0 : i32
          %dma_wait3A_163 = tpu.memref_slice %arg6[%dma_wait3A_161, %dma_wait3A_162] : memref<10112x16xf32, #tpu.memory_space<vmem_shared>> -> memref<10112x16xf32, #tpu.memory_space<vmem_shared>>
          %dma_wait3A_164 = tpu.memref_slice %arg10[%rem3A_92] : memref<2x!tpu.dma_semaphore, #tpu.memory_space<semaphore_mem>> -> memref<1x!tpu.dma_semaphore, #tpu.memory_space<semaphore_mem>>
          %dma_wait3A_165 = tpu.memref_squeeze %dma_wait3A_164 : memref<1x!tpu.dma_semaphore, #tpu.memory_space<semaphore_mem>> -> memref<!tpu.dma_semaphore, #tpu.memory_space<semaphore_mem>>
          tpu.wait_indirect_dma semaphore(%dma_wait3A_165 : memref<!tpu.dma_semaphore, #tpu.memory_space<semaphore_mem>>) src(%dma_wait3A_157 : memref<128x16xf32, #tpu.memory_space<vmem>>) dst(%dma_wait3A_163 : memref<10112x16xf32, #tpu.memory_space<vmem_shared>>)
        } else {
        }
        %add3A_132 = arith.constant 1 : i32
        %add3A_133 = arith.addi %while3A_86, %add3A_132 : i32
        %add3A_134 = arith.addi %mul3A_2, %add3A_133 : i32
        %mul3A_135 = arith.constant 128 : i32
        %mul3A_136 = arith.muli %add3A_134, %mul3A_135 : i32
        %dma_start3A_137 = arith.constant 0 : i32
        %dma_start3A_138 = arith.constant 0 : i32
        %dma_start3A_139 = tpu.memref_slice %arg8[%rem3A_92, %dma_start3A_137, %dma_start3A_138] : memref<2x128x16xf32, #tpu.memory_space<vmem>> -> memref<1x128x16xf32, #tpu.memory_space<vmem>>
        %dma_start3A_140 = tpu.memref_squeeze %dma_start3A_139 : memref<1x128x16xf32, #tpu.memory_space<vmem>> -> memref<128x16xf32, #tpu.memory_space<vmem>>
        %dma_start3A_141 = arith.constant 0 : i32
        %dma_start3A_142 = tpu.memref_slice %arg3[%mul3A_136, %dma_start3A_141] : memref<320000x16xf32, #tpu.memory_space<hbm>> -> memref<128x16xf32, #tpu.memory_space<hbm>>
        %dma_start3A_143 = tpu.memref_slice %arg9[%rem3A_92] : memref<2x!tpu.dma_semaphore, #tpu.memory_space<semaphore_mem>> -> memref<1x!tpu.dma_semaphore, #tpu.memory_space<semaphore_mem>>
        %dma_start3A_144 = tpu.memref_squeeze %dma_start3A_143 : memref<1x!tpu.dma_semaphore, #tpu.memory_space<semaphore_mem>> -> memref<!tpu.dma_semaphore, #tpu.memory_space<semaphore_mem>>
        %dma_start3A_145 = arith.constant 0 : i32
        %dma_start3A_146 = arith.constant 0 : i32
        %dma_start3A_147 = tpu.memref_slice %arg8[%rem3A_92, %dma_start3A_145, %dma_start3A_146] : memref<2x128x16xf32, #tpu.memory_space<vmem>> -> memref<1x128x16xf32, #tpu.memory_space<vmem>>
        %dma_start3A_148 = tpu.memref_squeeze %dma_start3A_147 : memref<1x128x16xf32, #tpu.memory_space<vmem>> -> memref<128x16xf32, #tpu.memory_space<vmem>>
        %dma_start3A_149 = arith.constant 0 : i32
        %dma_start3A_150 = tpu.memref_slice %arg3[%mul3A_136, %dma_start3A_149] : memref<320000x16xf32, #tpu.memory_space<hbm>> -> memref<128x16xf32, #tpu.memory_space<hbm>>
        tpu.enqueue_dma source(%dma_start3A_150 : memref<128x16xf32, #tpu.memory_space<hbm>>) target(%dma_start3A_148 : memref<128x16xf32, #tpu.memory_space<vmem>>) target_semaphore(%dma_start3A_144 : memref<!tpu.dma_semaphore, #tpu.memory_space<semaphore_mem>>)
      } else {
      }
      %add3A_98 = arith.addi %mul3A_2, %while3A_86 : i32
      %mul3A_99 = arith.constant 128 : i32
      %mul3A_100 = arith.muli %add3A_98, %mul3A_99 : i32
      %dma_wait3A_101 = arith.constant 0 : i32
      %dma_wait3A_102 = arith.constant 0 : i32
      %dma_wait3A_103 = tpu.memref_slice %arg8[%rem3A_88, %dma_wait3A_101, %dma_wait3A_102] : memref<2x128x16xf32, #tpu.memory_space<vmem>> -> memref<1x128x16xf32, #tpu.memory_space<vmem>>
      %dma_wait3A_104 = tpu.memref_squeeze %dma_wait3A_103 : memref<1x128x16xf32, #tpu.memory_space<vmem>> -> memref<128x16xf32, #tpu.memory_space<vmem>>
      %dma_wait3A_105 = arith.constant 0 : i32
      %dma_wait3A_106 = tpu.memref_slice %arg3[%mul3A_100, %dma_wait3A_105] : memref<320000x16xf32, #tpu.memory_space<hbm>> -> memref<128x16xf32, #tpu.memory_space<hbm>>
      %dma_wait3A_107 = tpu.memref_slice %arg9[%rem3A_88] : memref<2x!tpu.dma_semaphore, #tpu.memory_space<semaphore_mem>> -> memref<1x!tpu.dma_semaphore, #tpu.memory_space<semaphore_mem>>
      %dma_wait3A_108 = tpu.memref_squeeze %dma_wait3A_107 : memref<1x!tpu.dma_semaphore, #tpu.memory_space<semaphore_mem>> -> memref<!tpu.dma_semaphore, #tpu.memory_space<semaphore_mem>>
      %dma_wait3A_109 = arith.constant 0 : i32
      %dma_wait3A_110 = arith.constant 0 : i32
      %dma_wait3A_111 = tpu.memref_slice %arg8[%rem3A_88, %dma_wait3A_109, %dma_wait3A_110] : memref<2x128x16xf32, #tpu.memory_space<vmem>> -> memref<1x128x16xf32, #tpu.memory_space<vmem>>
      %dma_wait3A_112 = tpu.memref_squeeze %dma_wait3A_111 : memref<1x128x16xf32, #tpu.memory_space<vmem>> -> memref<128x16xf32, #tpu.memory_space<vmem>>
      %dma_wait3A_113 = arith.constant 0 : i32
      %dma_wait3A_114 = tpu.memref_slice %arg3[%mul3A_100, %dma_wait3A_113] : memref<320000x16xf32, #tpu.memory_space<hbm>> -> memref<128x16xf32, #tpu.memory_space<hbm>>
      tpu.wait_dma2 semaphore(%dma_wait3A_108 : memref<!tpu.dma_semaphore, #tpu.memory_space<semaphore_mem>>) src(%dma_wait3A_114 : memref<128x16xf32, #tpu.memory_space<hbm>>) dst(%dma_wait3A_112 : memref<128x16xf32, #tpu.memory_space<vmem>>)
      %dma_start3A_115 = arith.constant 1 : i32
      %dma_start3A_116 = arith.constant 0 : i32
      %dma_start3A_117 = arith.constant 0 : i32
      %dma_start3A_118 = tpu.memref_slice %arg8[%rem3A_88, %dma_start3A_116, %dma_start3A_117] : memref<2x128x16xf32, #tpu.memory_space<vmem>> -> memref<1x128x16xf32, #tpu.memory_space<vmem>>
      %dma_start3A_119 = tpu.memref_squeeze %dma_start3A_118 : memref<1x128x16xf32, #tpu.memory_space<vmem>> -> memref<128x16xf32, #tpu.memory_space<vmem>>
      %dma_start3A_120 = arith.constant 0 : i32
      %dma_start3A_121 = tpu.memref_slice %arg7[%while3A_86, %dma_start3A_115, %dma_start3A_120] : memref<80x2x128xi32, #tpu.memory_space<vmem>> -> memref<1x1x128xi32, #tpu.memory_space<vmem>>
      %dma_start3A_122 = tpu.memref_squeeze %dma_start3A_121 : memref<1x1x128xi32, #tpu.memory_space<vmem>> -> memref<128xi32, #tpu.memory_space<vmem>>
      %dma_start3A_123 = arith.constant 0 : i32
      %dma_start3A_124 = arith.constant 0 : i32
      %dma_start3A_125 = tpu.memref_slice %arg6[%dma_start3A_123, %dma_start3A_124] : memref<10112x16xf32, #tpu.memory_space<vmem_shared>> -> memref<10112x16xf32, #tpu.memory_space<vmem_shared>>
      %dma_start3A_126 = tpu.memref_slice %arg10[%rem3A_88] : memref<2x!tpu.dma_semaphore, #tpu.memory_space<semaphore_mem>> -> memref<1x!tpu.dma_semaphore, #tpu.memory_space<semaphore_mem>>
      %dma_start3A_127 = tpu.memref_squeeze %dma_start3A_126 : memref<1x!tpu.dma_semaphore, #tpu.memory_space<semaphore_mem>> -> memref<!tpu.dma_semaphore, #tpu.memory_space<semaphore_mem>>
      tpu.enqueue_indirect_dma source(%dma_start3A_119 : memref<128x16xf32, #tpu.memory_space<vmem>>) target(%dma_start3A_125 : memref<10112x16xf32, #tpu.memory_space<vmem_shared>>) offsets(%dma_start3A_122 : memref<128xi32, #tpu.memory_space<vmem>>) semaphore(%dma_start3A_127 : memref<!tpu.dma_semaphore, #tpu.memory_space<semaphore_mem>>) {add = true}
    }
    %sub3A_45 = arith.constant 2 : i32
    %sub3A_46 = arith.subi %min3A_8, %sub3A_45 : i32
    %sub3A_47 = arith.constant 2 : i32
    %sub3A_48 = arith.subi %min3A_8, %sub3A_47 : i32
    %rem3A = arith.constant 2 : i32
    %rem3A_49 = arith.remsi %sub3A_48, %rem3A : i32
    %dma_wait3A = arith.constant 1 : i32
    %dma_wait3A_50 = arith.constant 0 : i32
    %dma_wait3A_51 = arith.constant 0 : i32
    %dma_wait3A_52 = tpu.memref_slice %arg8[%rem3A_49, %dma_wait3A_50, %dma_wait3A_51] : memref<2x128x16xf32, #tpu.memory_space<vmem>> -> memref<1x128x16xf32, #tpu.memory_space<vmem>>
    %dma_wait3A_53 = tpu.memref_squeeze %dma_wait3A_52 : memref<1x128x16xf32, #tpu.memory_space<vmem>> -> memref<128x16xf32, #tpu.memory_space<vmem>>
    %dma_wait3A_54 = arith.constant 0 : i32
    %dma_wait3A_55 = tpu.memref_slice %arg7[%sub3A_46, %dma_wait3A, %dma_wait3A_54] : memref<80x2x128xi32, #tpu.memory_space<vmem>> -> memref<1x1x128xi32, #tpu.memory_space<vmem>>
    %dma_wait3A_56 = tpu.memref_squeeze %dma_wait3A_55 : memref<1x1x128xi32, #tpu.memory_space<vmem>> -> memref<128xi32, #tpu.memory_space<vmem>>
    %dma_wait3A_57 = arith.constant 0 : i32
    %dma_wait3A_58 = arith.constant 0 : i32
    %dma_wait3A_59 = tpu.memref_slice %arg6[%dma_wait3A_57, %dma_wait3A_58] : memref<10112x16xf32, #tpu.memory_space<vmem_shared>> -> memref<10112x16xf32, #tpu.memory_space<vmem_shared>>
    %dma_wait3A_60 = tpu.memref_slice %arg10[%rem3A_49] : memref<2x!tpu.dma_semaphore, #tpu.memory_space<semaphore_mem>> -> memref<1x!tpu.dma_semaphore, #tpu.memory_space<semaphore_mem>>
    %dma_wait3A_61 = tpu.memref_squeeze %dma_wait3A_60 : memref<1x!tpu.dma_semaphore, #tpu.memory_space<semaphore_mem>> -> memref<!tpu.dma_semaphore, #tpu.memory_space<semaphore_mem>>
    tpu.wait_indirect_dma semaphore(%dma_wait3A_61 : memref<!tpu.dma_semaphore, #tpu.memory_space<semaphore_mem>>) src(%dma_wait3A_53 : memref<128x16xf32, #tpu.memory_space<vmem>>) dst(%dma_wait3A_59 : memref<10112x16xf32, #tpu.memory_space<vmem_shared>>)
    %sub3A_62 = arith.constant 1 : i32
    %sub3A_63 = arith.subi %min3A_8, %sub3A_62 : i32
    %sub3A_64 = arith.constant 1 : i32
    %sub3A_65 = arith.subi %min3A_8, %sub3A_64 : i32
    %rem3A_66 = arith.constant 2 : i32
    %rem3A_67 = arith.remsi %sub3A_65, %rem3A_66 : i32
    %dma_wait3A_68 = arith.constant 1 : i32
    %dma_wait3A_69 = arith.constant 0 : i32
    %dma_wait3A_70 = arith.constant 0 : i32
    %dma_wait3A_71 = tpu.memref_slice %arg8[%rem3A_67, %dma_wait3A_69, %dma_wait3A_70] : memref<2x128x16xf32, #tpu.memory_space<vmem>> -> memref<1x128x16xf32, #tpu.memory_space<vmem>>
    %dma_wait3A_72 = tpu.memref_squeeze %dma_wait3A_71 : memref<1x128x16xf32, #tpu.memory_space<vmem>> -> memref<128x16xf32, #tpu.memory_space<vmem>>
    %dma_wait3A_73 = arith.constant 0 : i32
    %dma_wait3A_74 = tpu.memref_slice %arg7[%sub3A_63, %dma_wait3A_68, %dma_wait3A_73] : memref<80x2x128xi32, #tpu.memory_space<vmem>> -> memref<1x1x128xi32, #tpu.memory_space<vmem>>
    %dma_wait3A_75 = tpu.memref_squeeze %dma_wait3A_74 : memref<1x1x128xi32, #tpu.memory_space<vmem>> -> memref<128xi32, #tpu.memory_space<vmem>>
    %dma_wait3A_76 = arith.constant 0 : i32
    %dma_wait3A_77 = arith.constant 0 : i32
    %dma_wait3A_78 = tpu.memref_slice %arg6[%dma_wait3A_76, %dma_wait3A_77] : memref<10112x16xf32, #tpu.memory_space<vmem_shared>> -> memref<10112x16xf32, #tpu.memory_space<vmem_shared>>
    %dma_wait3A_79 = tpu.memref_slice %arg10[%rem3A_67] : memref<2x!tpu.dma_semaphore, #tpu.memory_space<semaphore_mem>> -> memref<1x!tpu.dma_semaphore, #tpu.memory_space<semaphore_mem>>
    %dma_wait3A_80 = tpu.memref_squeeze %dma_wait3A_79 : memref<1x!tpu.dma_semaphore, #tpu.memory_space<semaphore_mem>> -> memref<!tpu.dma_semaphore, #tpu.memory_space<semaphore_mem>>
    tpu.wait_indirect_dma semaphore(%dma_wait3A_80 : memref<!tpu.dma_semaphore, #tpu.memory_space<semaphore_mem>>) src(%dma_wait3A_72 : memref<128x16xf32, #tpu.memory_space<vmem>>) dst(%dma_wait3A_78 : memref<10112x16xf32, #tpu.memory_space<vmem_shared>>)
    %barrier3A_81 = arith.constant 0 : index
    tpu.barrier barrier_id(%barrier3A_81)
    %mul3A_82 = arith.constant 632 : i32
    %mul3A_83 = arith.muli %arg1, %mul3A_82 : i32
    %mul3A_84 = arith.constant 632 : i32
    %mul3A_85 = arith.muli %arg1, %mul3A_84 : i32
    "tpu.region"() ({
      %run_scoped3A = tpu.sem_alloc : memref<!tpu.dma_semaphore, #tpu.memory_space<semaphore_mem>>
      %dma_start3A_86 = arith.constant 0 : i32
      %dma_start3A_87 = tpu.memref_slice %arg5[%arg0, %mul3A_85, %dma_start3A_86] : memref<2x10112x16xf32, #tpu.memory_space<hbm>> -> memref<1x632x16xf32, #tpu.memory_space<hbm>>
      %dma_start3A_88 = tpu.memref_squeeze %dma_start3A_87 : memref<1x632x16xf32, #tpu.memory_space<hbm>> -> memref<632x16xf32, #tpu.memory_space<hbm>>
      %dma_start3A_89 = arith.constant 0 : i32
      %dma_start3A_90 = tpu.memref_slice %arg6[%mul3A_83, %dma_start3A_89] : memref<10112x16xf32, #tpu.memory_space<vmem_shared>> -> memref<632x16xf32, #tpu.memory_space<vmem_shared>>
      tpu.enqueue_dma source(%dma_start3A_90 : memref<632x16xf32, #tpu.memory_space<vmem_shared>>) target(%dma_start3A_88 : memref<632x16xf32, #tpu.memory_space<hbm>>) target_semaphore(%run_scoped3A : memref<!tpu.dma_semaphore, #tpu.memory_space<semaphore_mem>>)
      %dma_wait3A_91 = arith.constant 0 : i32
      %dma_wait3A_92 = tpu.memref_slice %arg5[%arg0, %mul3A_85, %dma_wait3A_91] : memref<2x10112x16xf32, #tpu.memory_space<hbm>> -> memref<1x632x16xf32, #tpu.memory_space<hbm>>
      %dma_wait3A_93 = tpu.memref_squeeze %dma_wait3A_92 : memref<1x632x16xf32, #tpu.memory_space<hbm>> -> memref<632x16xf32, #tpu.memory_space<hbm>>
      %dma_wait3A_94 = arith.constant 0 : i32
      %dma_wait3A_95 = tpu.memref_slice %arg6[%mul3A_83, %dma_wait3A_94] : memref<10112x16xf32, #tpu.memory_space<vmem_shared>> -> memref<632x16xf32, #tpu.memory_space<vmem_shared>>
      tpu.wait_dma2 semaphore(%run_scoped3A : memref<!tpu.dma_semaphore, #tpu.memory_space<semaphore_mem>>) src(%dma_wait3A_95 : memref<632x16xf32, #tpu.memory_space<vmem_shared>>) dst(%dma_wait3A_93 : memref<632x16xf32, #tpu.memory_space<hbm>>)
      tpu.yield
    }) : () -> ()
    return
  }
}

#map = affine_map<(d0, d1) -> (0, 0)>
#map1 = affine_map<(d0, d1) -> (0, 0, 0)>
module attributes {stable_mosaic.version = 14 : i64} {
  func.func @body(%arg0: i32, %arg1: i32, %arg2: memref<10000x64xbf16, #tpu.memory_space<hbm>>, %arg3: memref<2500x2x128xi32, #tpu.memory_space<hbm>>, %arg4: memref<10112x64xbf16, #tpu.memory_space<hbm>>, %arg5: memref<2x10112x64xbf16, #tpu.memory_space<hbm>>, %arg6: memref<10112x64xbf16, #tpu.memory_space<vmem_shared>>, %arg7: memref<80x2x128xi32, #tpu.memory_space<vmem>>, %arg8: memref<4x128x64xbf16, #tpu.memory_space<vmem>>, %arg9: memref<4x!tpu.dma_semaphore, #tpu.memory_space<semaphore_mem>>, %arg10: memref<4x!tpu.dma_semaphore, #tpu.memory_space<semaphore_mem>>) attributes {dimension_semantics = [#tpu.dimension_semantics<core_parallel>, #tpu.dimension_semantics<subcore_parallel>], iteration_bounds = array<i64: 2, 16>, scalar_prefetch = 0 : i64, scratch_operands = 5 : i64, tpu.core_type = #tpu.core_type<sc_vector_subcore>, window_params = [{transform_indices = #map}, {transform_indices = #map1}, {transform_indices = #map}, {transform_indices = #map1}]} {
    %mul3A = arith.constant 16 : i32
    %mul3A_0 = arith.muli %arg0, %mul3A : i32
    %add3A = arith.addi %mul3A_0, %arg1 : i32
    %mul3A_1 = arith.constant 80 : i32
    %mul3A_2 = arith.muli %add3A, %mul3A_1 : i32
    %mul3A_3 = arith.constant 632 : i32
    %mul3A_4 = arith.muli %arg1, %mul3A_3 : i32
    %mul3A_5 = arith.constant 632 : i32
    %mul3A_6 = arith.muli %arg1, %mul3A_5 : i32
    "tpu.region"() ({
      %run_scoped3A = tpu.sem_alloc : memref<!tpu.dma_semaphore, #tpu.memory_space<semaphore_mem>>
      %dma_start3A = arith.constant 0 : i32
      %dma_start3A_50 = tpu.memref_slice %arg6[%mul3A_6, %dma_start3A] : memref<10112x64xbf16, #tpu.memory_space<vmem_shared>> -> memref<632x64xbf16, #tpu.memory_space<vmem_shared>>
      %dma_start3A_51 = arith.constant 0 : i32
      %dma_start3A_52 = tpu.memref_slice %arg4[%mul3A_4, %dma_start3A_51] : memref<10112x64xbf16, #tpu.memory_space<hbm>> -> memref<632x64xbf16, #tpu.memory_space<hbm>>
      tpu.enqueue_dma source(%dma_start3A_52 : memref<632x64xbf16, #tpu.memory_space<hbm>>) target(%dma_start3A_50 : memref<632x64xbf16, #tpu.memory_space<vmem_shared>>) target_semaphore(%run_scoped3A : memref<!tpu.dma_semaphore, #tpu.memory_space<semaphore_mem>>)
      %dma_wait3A = arith.constant 0 : i32
      %dma_wait3A_53 = tpu.memref_slice %arg6[%mul3A_6, %dma_wait3A] : memref<10112x64xbf16, #tpu.memory_space<vmem_shared>> -> memref<632x64xbf16, #tpu.memory_space<vmem_shared>>
      %dma_wait3A_54 = arith.constant 0 : i32
      %dma_wait3A_55 = tpu.memref_slice %arg4[%mul3A_4, %dma_wait3A_54] : memref<10112x64xbf16, #tpu.memory_space<hbm>> -> memref<632x64xbf16, #tpu.memory_space<hbm>>
      tpu.wait_dma2 semaphore(%run_scoped3A : memref<!tpu.dma_semaphore, #tpu.memory_space<semaphore_mem>>) src(%dma_wait3A_55 : memref<632x64xbf16, #tpu.memory_space<hbm>>) dst(%dma_wait3A_53 : memref<632x64xbf16, #tpu.memory_space<vmem_shared>>)
      tpu.yield
    }) : () -> ()
    %sub3A = arith.constant 2500 : i32
    %sub3A_7 = arith.subi %sub3A, %mul3A_2 : i32
    %min3A = arith.constant 80 : i32
    %min3A_8 = arith.minsi %sub3A_7, %min3A : i32
    %add3A_9 = arith.constant 80 : i32
    %add3A_10 = arith.addi %mul3A_2, %add3A_9 : i32
    %le3A = arith.constant 2500 : i32
    %le3A_11 = arith.cmpi sle, %add3A_10, %le3A : i32
    %convert_element_type3A = arith.extui %le3A_11 : i1 to i32
    %cond3A = arith.constant 0 : i32
    %cond3A_12 = arith.cmpi ne, %convert_element_type3A, %cond3A : i32
    scf.if %cond3A_12 {
      "tpu.region"() ({
        %run_scoped3A = tpu.sem_alloc : memref<!tpu.dma_semaphore, #tpu.memory_space<semaphore_mem>>
        %dma_start3A = arith.constant 0 : i32
        %dma_start3A_50 = arith.constant 0 : i32
        %dma_start3A_51 = tpu.memref_slice %arg3[%mul3A_2, %dma_start3A, %dma_start3A_50] : memref<2500x2x128xi32, #tpu.memory_space<hbm>> -> memref<80x2x128xi32, #tpu.memory_space<hbm>>
        %dma_start3A_52 = arith.constant 0 : i32
        %dma_start3A_53 = arith.constant 0 : i32
        %dma_start3A_54 = tpu.memref_slice %arg3[%mul3A_2, %dma_start3A_52, %dma_start3A_53] : memref<2500x2x128xi32, #tpu.memory_space<hbm>> -> memref<80x2x128xi32, #tpu.memory_space<hbm>>
        tpu.enqueue_dma source(%dma_start3A_54 : memref<80x2x128xi32, #tpu.memory_space<hbm>>) target(%arg7 : memref<80x2x128xi32, #tpu.memory_space<vmem>>) target_semaphore(%run_scoped3A : memref<!tpu.dma_semaphore, #tpu.memory_space<semaphore_mem>>)
        %dma_wait3A = arith.constant 0 : i32
        %dma_wait3A_55 = arith.constant 0 : i32
        %dma_wait3A_56 = tpu.memref_slice %arg3[%mul3A_2, %dma_wait3A, %dma_wait3A_55] : memref<2500x2x128xi32, #tpu.memory_space<hbm>> -> memref<80x2x128xi32, #tpu.memory_space<hbm>>
        %dma_wait3A_57 = arith.constant 0 : i32
        %dma_wait3A_58 = arith.constant 0 : i32
        %dma_wait3A_59 = tpu.memref_slice %arg3[%mul3A_2, %dma_wait3A_57, %dma_wait3A_58] : memref<2500x2x128xi32, #tpu.memory_space<hbm>> -> memref<80x2x128xi32, #tpu.memory_space<hbm>>
        tpu.wait_dma2 semaphore(%run_scoped3A : memref<!tpu.dma_semaphore, #tpu.memory_space<semaphore_mem>>) src(%dma_wait3A_59 : memref<80x2x128xi32, #tpu.memory_space<hbm>>) dst(%arg7 : memref<80x2x128xi32, #tpu.memory_space<vmem>>)
        tpu.yield
      }) : () -> ()
    } else {
    }
    %not3A = arith.constant true
    %not3A_13 = arith.xori %le3A_11, %not3A : i1
    %convert_element_type3A_14 = arith.extui %not3A_13 : i1 to i32
    %cond3A_15 = arith.constant 0 : i32
    %cond3A_16 = arith.cmpi ne, %convert_element_type3A_14, %cond3A_15 : i32
    scf.if %cond3A_16 {
      "tpu.region"() ({
        %run_scoped3A = tpu.sem_alloc : memref<!tpu.dma_semaphore, #tpu.memory_space<semaphore_mem>>
        %dma_start3A = arith.constant 0 : i32
        %dma_start3A_50 = arith.constant 0 : i32
        %dma_start3A_51 = arith.constant 0 : i32
        %dma_start3A_52 = tpu.memref_slice %arg7[%dma_start3A, %dma_start3A_50, %dma_start3A_51] : memref<80x2x128xi32, #tpu.memory_space<vmem>> -> memref<20x2x128xi32, #tpu.memory_space<vmem>>
        %dma_start3A_53 = arith.constant 0 : i32
        %dma_start3A_54 = arith.constant 0 : i32
        %dma_start3A_55 = tpu.memref_slice %arg3[%mul3A_2, %dma_start3A_53, %dma_start3A_54] : memref<2500x2x128xi32, #tpu.memory_space<hbm>> -> memref<20x2x128xi32, #tpu.memory_space<hbm>>
        %dma_start3A_56 = arith.constant 0 : i32
        %dma_start3A_57 = arith.constant 0 : i32
        %dma_start3A_58 = arith.constant 0 : i32
        %dma_start3A_59 = tpu.memref_slice %arg7[%dma_start3A_56, %dma_start3A_57, %dma_start3A_58] : memref<80x2x128xi32, #tpu.memory_space<vmem>> -> memref<20x2x128xi32, #tpu.memory_space<vmem>>
        %dma_start3A_60 = arith.constant 0 : i32
        %dma_start3A_61 = arith.constant 0 : i32
        %dma_start3A_62 = tpu.memref_slice %arg3[%mul3A_2, %dma_start3A_60, %dma_start3A_61] : memref<2500x2x128xi32, #tpu.memory_space<hbm>> -> memref<20x2x128xi32, #tpu.memory_space<hbm>>
        tpu.enqueue_dma source(%dma_start3A_62 : memref<20x2x128xi32, #tpu.memory_space<hbm>>) target(%dma_start3A_59 : memref<20x2x128xi32, #tpu.memory_space<vmem>>) target_semaphore(%run_scoped3A : memref<!tpu.dma_semaphore, #tpu.memory_space<semaphore_mem>>)
        %dma_wait3A = arith.constant 0 : i32
        %dma_wait3A_63 = arith.constant 0 : i32
        %dma_wait3A_64 = arith.constant 0 : i32
        %dma_wait3A_65 = tpu.memref_slice %arg7[%dma_wait3A, %dma_wait3A_63, %dma_wait3A_64] : memref<80x2x128xi32, #tpu.memory_space<vmem>> -> memref<20x2x128xi32, #tpu.memory_space<vmem>>
        %dma_wait3A_66 = arith.constant 0 : i32
        %dma_wait3A_67 = arith.constant 0 : i32
        %dma_wait3A_68 = tpu.memref_slice %arg3[%mul3A_2, %dma_wait3A_66, %dma_wait3A_67] : memref<2500x2x128xi32, #tpu.memory_space<hbm>> -> memref<20x2x128xi32, #tpu.memory_space<hbm>>
        %dma_wait3A_69 = arith.constant 0 : i32
        %dma_wait3A_70 = arith.constant 0 : i32
        %dma_wait3A_71 = arith.constant 0 : i32
        %dma_wait3A_72 = tpu.memref_slice %arg7[%dma_wait3A_69, %dma_wait3A_70, %dma_wait3A_71] : memref<80x2x128xi32, #tpu.memory_space<vmem>> -> memref<20x2x128xi32, #tpu.memory_space<vmem>>
        %dma_wait3A_73 = arith.constant 0 : i32
        %dma_wait3A_74 = arith.constant 0 : i32
        %dma_wait3A_75 = tpu.memref_slice %arg3[%mul3A_2, %dma_wait3A_73, %dma_wait3A_74] : memref<2500x2x128xi32, #tpu.memory_space<hbm>> -> memref<20x2x128xi32, #tpu.memory_space<hbm>>
        tpu.wait_dma2 semaphore(%run_scoped3A : memref<!tpu.dma_semaphore, #tpu.memory_space<semaphore_mem>>) src(%dma_wait3A_75 : memref<20x2x128xi32, #tpu.memory_space<hbm>>) dst(%dma_wait3A_72 : memref<20x2x128xi32, #tpu.memory_space<vmem>>)
        tpu.yield
      }) : () -> ()
    } else {
    }
    %barrier3A = arith.constant 0 : index
    tpu.barrier barrier_id(%barrier3A)
    %gt3A = arith.constant 0 : i32
    %gt3A_17 = arith.cmpi sgt, %min3A_8, %gt3A : i32
    %convert_element_type3A_18 = arith.extui %gt3A_17 : i1 to i32
    %cond3A_19 = arith.constant 0 : i32
    %cond3A_20 = arith.cmpi ne, %convert_element_type3A_18, %cond3A_19 : i32
    scf.if %cond3A_20 {
      %dma_start3A = arith.constant 0 : i32
      %dma_start3A_50 = arith.constant 0 : i32
      %dma_start3A_51 = arith.constant 0 : i32
      %dma_start3A_52 = arith.constant 0 : i32
      %dma_start3A_53 = arith.constant 0 : i32
      %dma_start3A_54 = arith.constant 0 : i32
      %dma_start3A_55 = tpu.memref_slice %arg8[%dma_start3A_51, %dma_start3A_53, %dma_start3A_54] : memref<4x128x64xbf16, #tpu.memory_space<vmem>> -> memref<1x128x64xbf16, #tpu.memory_space<vmem>>
      %dma_start3A_56 = tpu.memref_squeeze %dma_start3A_55 : memref<1x128x64xbf16, #tpu.memory_space<vmem>> -> memref<128x64xbf16, #tpu.memory_space<vmem>>
      %dma_start3A_57 = arith.constant 0 : i32
      %dma_start3A_58 = tpu.memref_slice %arg7[%dma_start3A, %dma_start3A_50, %dma_start3A_57] : memref<80x2x128xi32, #tpu.memory_space<vmem>> -> memref<1x1x128xi32, #tpu.memory_space<vmem>>
      %dma_start3A_59 = tpu.memref_squeeze %dma_start3A_58 : memref<1x1x128xi32, #tpu.memory_space<vmem>> -> memref<128xi32, #tpu.memory_space<vmem>>
      %dma_start3A_60 = arith.constant 0 : i32
      %dma_start3A_61 = arith.constant 0 : i32
      %dma_start3A_62 = tpu.memref_slice %arg2[%dma_start3A_60, %dma_start3A_61] : memref<10000x64xbf16, #tpu.memory_space<hbm>> -> memref<10000x64xbf16, #tpu.memory_space<hbm>>
      %dma_start3A_63 = tpu.memref_slice %arg9[%dma_start3A_52] : memref<4x!tpu.dma_semaphore, #tpu.memory_space<semaphore_mem>> -> memref<1x!tpu.dma_semaphore, #tpu.memory_space<semaphore_mem>>
      %dma_start3A_64 = tpu.memref_squeeze %dma_start3A_63 : memref<1x!tpu.dma_semaphore, #tpu.memory_space<semaphore_mem>> -> memref<!tpu.dma_semaphore, #tpu.memory_space<semaphore_mem>>
      tpu.enqueue_indirect_dma source(%dma_start3A_62 : memref<10000x64xbf16, #tpu.memory_space<hbm>>) target(%dma_start3A_56 : memref<128x64xbf16, #tpu.memory_space<vmem>>) offsets(%dma_start3A_59 : memref<128xi32, #tpu.memory_space<vmem>>) semaphore(%dma_start3A_64 : memref<!tpu.dma_semaphore, #tpu.memory_space<semaphore_mem>>)
    } else {
    }
    %gt3A_21 = arith.constant 1 : i32
    %gt3A_22 = arith.cmpi sgt, %min3A_8, %gt3A_21 : i32
    %convert_element_type3A_23 = arith.extui %gt3A_22 : i1 to i32
    %cond3A_24 = arith.constant 0 : i32
    %cond3A_25 = arith.cmpi ne, %convert_element_type3A_23, %cond3A_24 : i32
    scf.if %cond3A_25 {
      %dma_start3A = arith.constant 1 : i32
      %dma_start3A_50 = arith.constant 0 : i32
      %dma_start3A_51 = arith.constant 1 : i32
      %dma_start3A_52 = arith.constant 1 : i32
      %dma_start3A_53 = arith.constant 0 : i32
      %dma_start3A_54 = arith.constant 0 : i32
      %dma_start3A_55 = tpu.memref_slice %arg8[%dma_start3A_51, %dma_start3A_53, %dma_start3A_54] : memref<4x128x64xbf16, #tpu.memory_space<vmem>> -> memref<1x128x64xbf16, #tpu.memory_space<vmem>>
      %dma_start3A_56 = tpu.memref_squeeze %dma_start3A_55 : memref<1x128x64xbf16, #tpu.memory_space<vmem>> -> memref<128x64xbf16, #tpu.memory_space<vmem>>
      %dma_start3A_57 = arith.constant 0 : i32
      %dma_start3A_58 = tpu.memref_slice %arg7[%dma_start3A, %dma_start3A_50, %dma_start3A_57] : memref<80x2x128xi32, #tpu.memory_space<vmem>> -> memref<1x1x128xi32, #tpu.memory_space<vmem>>
      %dma_start3A_59 = tpu.memref_squeeze %dma_start3A_58 : memref<1x1x128xi32, #tpu.memory_space<vmem>> -> memref<128xi32, #tpu.memory_space<vmem>>
      %dma_start3A_60 = arith.constant 0 : i32
      %dma_start3A_61 = arith.constant 0 : i32
      %dma_start3A_62 = tpu.memref_slice %arg2[%dma_start3A_60, %dma_start3A_61] : memref<10000x64xbf16, #tpu.memory_space<hbm>> -> memref<10000x64xbf16, #tpu.memory_space<hbm>>
      %dma_start3A_63 = tpu.memref_slice %arg9[%dma_start3A_52] : memref<4x!tpu.dma_semaphore, #tpu.memory_space<semaphore_mem>> -> memref<1x!tpu.dma_semaphore, #tpu.memory_space<semaphore_mem>>
      %dma_start3A_64 = tpu.memref_squeeze %dma_start3A_63 : memref<1x!tpu.dma_semaphore, #tpu.memory_space<semaphore_mem>> -> memref<!tpu.dma_semaphore, #tpu.memory_space<semaphore_mem>>
      tpu.enqueue_indirect_dma source(%dma_start3A_62 : memref<10000x64xbf16, #tpu.memory_space<hbm>>) target(%dma_start3A_56 : memref<128x64xbf16, #tpu.memory_space<vmem>>) offsets(%dma_start3A_59 : memref<128xi32, #tpu.memory_space<vmem>>) semaphore(%dma_start3A_64 : memref<!tpu.dma_semaphore, #tpu.memory_space<semaphore_mem>>)
    } else {
    }
    %gt3A_26 = arith.constant 2 : i32
    %gt3A_27 = arith.cmpi sgt, %min3A_8, %gt3A_26 : i32
    %convert_element_type3A_28 = arith.extui %gt3A_27 : i1 to i32
    %cond3A_29 = arith.constant 0 : i32
    %cond3A_30 = arith.cmpi ne, %convert_element_type3A_28, %cond3A_29 : i32
    scf.if %cond3A_30 {
      %dma_start3A = arith.constant 2 : i32
      %dma_start3A_50 = arith.constant 0 : i32
      %dma_start3A_51 = arith.constant 2 : i32
      %dma_start3A_52 = arith.constant 2 : i32
      %dma_start3A_53 = arith.constant 0 : i32
      %dma_start3A_54 = arith.constant 0 : i32
      %dma_start3A_55 = tpu.memref_slice %arg8[%dma_start3A_51, %dma_start3A_53, %dma_start3A_54] : memref<4x128x64xbf16, #tpu.memory_space<vmem>> -> memref<1x128x64xbf16, #tpu.memory_space<vmem>>
      %dma_start3A_56 = tpu.memref_squeeze %dma_start3A_55 : memref<1x128x64xbf16, #tpu.memory_space<vmem>> -> memref<128x64xbf16, #tpu.memory_space<vmem>>
      %dma_start3A_57 = arith.constant 0 : i32
      %dma_start3A_58 = tpu.memref_slice %arg7[%dma_start3A, %dma_start3A_50, %dma_start3A_57] : memref<80x2x128xi32, #tpu.memory_space<vmem>> -> memref<1x1x128xi32, #tpu.memory_space<vmem>>
      %dma_start3A_59 = tpu.memref_squeeze %dma_start3A_58 : memref<1x1x128xi32, #tpu.memory_space<vmem>> -> memref<128xi32, #tpu.memory_space<vmem>>
      %dma_start3A_60 = arith.constant 0 : i32
      %dma_start3A_61 = arith.constant 0 : i32
      %dma_start3A_62 = tpu.memref_slice %arg2[%dma_start3A_60, %dma_start3A_61] : memref<10000x64xbf16, #tpu.memory_space<hbm>> -> memref<10000x64xbf16, #tpu.memory_space<hbm>>
      %dma_start3A_63 = tpu.memref_slice %arg9[%dma_start3A_52] : memref<4x!tpu.dma_semaphore, #tpu.memory_space<semaphore_mem>> -> memref<1x!tpu.dma_semaphore, #tpu.memory_space<semaphore_mem>>
      %dma_start3A_64 = tpu.memref_squeeze %dma_start3A_63 : memref<1x!tpu.dma_semaphore, #tpu.memory_space<semaphore_mem>> -> memref<!tpu.dma_semaphore, #tpu.memory_space<semaphore_mem>>
      tpu.enqueue_indirect_dma source(%dma_start3A_62 : memref<10000x64xbf16, #tpu.memory_space<hbm>>) target(%dma_start3A_56 : memref<128x64xbf16, #tpu.memory_space<vmem>>) offsets(%dma_start3A_59 : memref<128xi32, #tpu.memory_space<vmem>>) semaphore(%dma_start3A_64 : memref<!tpu.dma_semaphore, #tpu.memory_space<semaphore_mem>>)
    } else {
    }
    %while3A = arith.constant 0 : i32
    %while3A_31 = arith.constant 0 : i32
    %while3A_32 = arith.subi %min3A_8, %while3A_31 : i32
    %while3A_33 = arith.addi %while3A_31, %while3A_32 : i32
    %while3A_34 = arith.constant 1 : i32
    %while3A_35 = arith.divsi %while3A_32, %while3A_34 : i32
    %while3A_36 = arith.muli %while3A_35, %while3A_34 : i32
    %while3A_37 = arith.addi %while3A_31, %while3A_36 : i32
    %while3A_38 = arith.constant 1 : i32
    scf.for %while3A_50 = %while3A_31 to %while3A_37 step %while3A_38  : i32 {
      %rem3A = arith.constant 4 : i32
      %rem3A_51 = arith.remsi %while3A_50, %rem3A : i32
      %add3A_52 = arith.constant 4 : i32
      %add3A_53 = arith.addi %while3A_50, %add3A_52 : i32
      %sub3A_54 = arith.constant 1 : i32
      %sub3A_55 = arith.subi %add3A_53, %sub3A_54 : i32
      %rem3A_56 = arith.constant 4 : i32
      %rem3A_57 = arith.remsi %sub3A_55, %rem3A_56 : i32
      %add3A_58 = arith.constant 4 : i32
      %add3A_59 = arith.addi %while3A_50, %add3A_58 : i32
      %sub3A_60 = arith.constant 1 : i32
      %sub3A_61 = arith.subi %add3A_59, %sub3A_60 : i32
      %lt3A = arith.cmpi slt, %sub3A_61, %min3A_8 : i32
      %convert_element_type3A_62 = arith.extui %lt3A : i1 to i32
      %cond3A_63 = arith.constant 0 : i32
      %cond3A_64 = arith.cmpi ne, %convert_element_type3A_62, %cond3A_63 : i32
      scf.if %cond3A_64 {
        %ge3A = arith.constant 1 : i32
        %ge3A_89 = arith.cmpi sge, %while3A_50, %ge3A : i32
        %convert_element_type3A_90 = arith.extui %ge3A_89 : i1 to i32
        %cond3A_91 = arith.constant 0 : i32
        %cond3A_92 = arith.cmpi ne, %convert_element_type3A_90, %cond3A_91 : i32
        scf.if %cond3A_92 {
          %sub3A_110 = arith.constant 1 : i32
          %sub3A_111 = arith.subi %while3A_50, %sub3A_110 : i32
          %dma_wait3A_112 = arith.constant 1 : i32
          %dma_wait3A_113 = arith.constant 0 : i32
          %dma_wait3A_114 = arith.constant 0 : i32
          %dma_wait3A_115 = tpu.memref_slice %arg8[%rem3A_57, %dma_wait3A_113, %dma_wait3A_114] : memref<4x128x64xbf16, #tpu.memory_space<vmem>> -> memref<1x128x64xbf16, #tpu.memory_space<vmem>>
          %dma_wait3A_116 = tpu.memref_squeeze %dma_wait3A_115 : memref<1x128x64xbf16, #tpu.memory_space<vmem>> -> memref<128x64xbf16, #tpu.memory_space<vmem>>
          %dma_wait3A_117 = arith.constant 0 : i32
          %dma_wait3A_118 = tpu.memref_slice %arg7[%sub3A_111, %dma_wait3A_112, %dma_wait3A_117] : memref<80x2x128xi32, #tpu.memory_space<vmem>> -> memref<1x1x128xi32, #tpu.memory_space<vmem>>
          %dma_wait3A_119 = tpu.memref_squeeze %dma_wait3A_118 : memref<1x1x128xi32, #tpu.memory_space<vmem>> -> memref<128xi32, #tpu.memory_space<vmem>>
          %dma_wait3A_120 = arith.constant 0 : i32
          %dma_wait3A_121 = arith.constant 0 : i32
          %dma_wait3A_122 = tpu.memref_slice %arg6[%dma_wait3A_120, %dma_wait3A_121] : memref<10112x64xbf16, #tpu.memory_space<vmem_shared>> -> memref<10112x64xbf16, #tpu.memory_space<vmem_shared>>
          %dma_wait3A_123 = tpu.memref_slice %arg10[%rem3A_57] : memref<4x!tpu.dma_semaphore, #tpu.memory_space<semaphore_mem>> -> memref<1x!tpu.dma_semaphore, #tpu.memory_space<semaphore_mem>>
          %dma_wait3A_124 = tpu.memref_squeeze %dma_wait3A_123 : memref<1x!tpu.dma_semaphore, #tpu.memory_space<semaphore_mem>> -> memref<!tpu.dma_semaphore, #tpu.memory_space<semaphore_mem>>
          tpu.wait_indirect_dma semaphore(%dma_wait3A_124 : memref<!tpu.dma_semaphore, #tpu.memory_space<semaphore_mem>>) src(%dma_wait3A_116 : memref<128x64xbf16, #tpu.memory_space<vmem>>) dst(%dma_wait3A_122 : memref<10112x64xbf16, #tpu.memory_space<vmem_shared>>)
        } else {
        }
        %add3A_93 = arith.constant 4 : i32
        %add3A_94 = arith.addi %while3A_50, %add3A_93 : i32
        %sub3A_95 = arith.constant 1 : i32
        %sub3A_96 = arith.subi %add3A_94, %sub3A_95 : i32
        %dma_start3A_97 = arith.constant 0 : i32
        %dma_start3A_98 = arith.constant 0 : i32
        %dma_start3A_99 = arith.constant 0 : i32
        %dma_start3A_100 = tpu.memref_slice %arg8[%rem3A_57, %dma_start3A_98, %dma_start3A_99] : memref<4x128x64xbf16, #tpu.memory_space<vmem>> -> memref<1x128x64xbf16, #tpu.memory_space<vmem>>
        %dma_start3A_101 = tpu.memref_squeeze %dma_start3A_100 : memref<1x128x64xbf16, #tpu.memory_space<vmem>> -> memref<128x64xbf16, #tpu.memory_space<vmem>>
        %dma_start3A_102 = arith.constant 0 : i32
        %dma_start3A_103 = tpu.memref_slice %arg7[%sub3A_96, %dma_start3A_97, %dma_start3A_102] : memref<80x2x128xi32, #tpu.memory_space<vmem>> -> memref<1x1x128xi32, #tpu.memory_space<vmem>>
        %dma_start3A_104 = tpu.memref_squeeze %dma_start3A_103 : memref<1x1x128xi32, #tpu.memory_space<vmem>> -> memref<128xi32, #tpu.memory_space<vmem>>
        %dma_start3A_105 = arith.constant 0 : i32
        %dma_start3A_106 = arith.constant 0 : i32
        %dma_start3A_107 = tpu.memref_slice %arg2[%dma_start3A_105, %dma_start3A_106] : memref<10000x64xbf16, #tpu.memory_space<hbm>> -> memref<10000x64xbf16, #tpu.memory_space<hbm>>
        %dma_start3A_108 = tpu.memref_slice %arg9[%rem3A_57] : memref<4x!tpu.dma_semaphore, #tpu.memory_space<semaphore_mem>> -> memref<1x!tpu.dma_semaphore, #tpu.memory_space<semaphore_mem>>
        %dma_start3A_109 = tpu.memref_squeeze %dma_start3A_108 : memref<1x!tpu.dma_semaphore, #tpu.memory_space<semaphore_mem>> -> memref<!tpu.dma_semaphore, #tpu.memory_space<semaphore_mem>>
        tpu.enqueue_indirect_dma source(%dma_start3A_107 : memref<10000x64xbf16, #tpu.memory_space<hbm>>) target(%dma_start3A_101 : memref<128x64xbf16, #tpu.memory_space<vmem>>) offsets(%dma_start3A_104 : memref<128xi32, #tpu.memory_space<vmem>>) semaphore(%dma_start3A_109 : memref<!tpu.dma_semaphore, #tpu.memory_space<semaphore_mem>>)
      } else {
      }
      %dma_wait3A = arith.constant 0 : i32
      %dma_wait3A_65 = arith.constant 0 : i32
      %dma_wait3A_66 = arith.constant 0 : i32
      %dma_wait3A_67 = tpu.memref_slice %arg8[%rem3A_51, %dma_wait3A_65, %dma_wait3A_66] : memref<4x128x64xbf16, #tpu.memory_space<vmem>> -> memref<1x128x64xbf16, #tpu.memory_space<vmem>>
      %dma_wait3A_68 = tpu.memref_squeeze %dma_wait3A_67 : memref<1x128x64xbf16, #tpu.memory_space<vmem>> -> memref<128x64xbf16, #tpu.memory_space<vmem>>
      %dma_wait3A_69 = arith.constant 0 : i32
      %dma_wait3A_70 = tpu.memref_slice %arg7[%while3A_50, %dma_wait3A, %dma_wait3A_69] : memref<80x2x128xi32, #tpu.memory_space<vmem>> -> memref<1x1x128xi32, #tpu.memory_space<vmem>>
      %dma_wait3A_71 = tpu.memref_squeeze %dma_wait3A_70 : memref<1x1x128xi32, #tpu.memory_space<vmem>> -> memref<128xi32, #tpu.memory_space<vmem>>
      %dma_wait3A_72 = arith.constant 0 : i32
      %dma_wait3A_73 = arith.constant 0 : i32
      %dma_wait3A_74 = tpu.memref_slice %arg2[%dma_wait3A_72, %dma_wait3A_73] : memref<10000x64xbf16, #tpu.memory_space<hbm>> -> memref<10000x64xbf16, #tpu.memory_space<hbm>>
      %dma_wait3A_75 = tpu.memref_slice %arg9[%rem3A_51] : memref<4x!tpu.dma_semaphore, #tpu.memory_space<semaphore_mem>> -> memref<1x!tpu.dma_semaphore, #tpu.memory_space<semaphore_mem>>
      %dma_wait3A_76 = tpu.memref_squeeze %dma_wait3A_75 : memref<1x!tpu.dma_semaphore, #tpu.memory_space<semaphore_mem>> -> memref<!tpu.dma_semaphore, #tpu.memory_space<semaphore_mem>>
      tpu.wait_indirect_dma semaphore(%dma_wait3A_76 : memref<!tpu.dma_semaphore, #tpu.memory_space<semaphore_mem>>) src(%dma_wait3A_74 : memref<10000x64xbf16, #tpu.memory_space<hbm>>) dst(%dma_wait3A_68 : memref<128x64xbf16, #tpu.memory_space<vmem>>)
      %dma_start3A = arith.constant 1 : i32
      %dma_start3A_77 = arith.constant 0 : i32
      %dma_start3A_78 = arith.constant 0 : i32
      %dma_start3A_79 = tpu.memref_slice %arg8[%rem3A_51, %dma_start3A_77, %dma_start3A_78] : memref<4x128x64xbf16, #tpu.memory_space<vmem>> -> memref<1x128x64xbf16, #tpu.memory_space<vmem>>
      %dma_start3A_80 = tpu.memref_squeeze %dma_start3A_79 : memref<1x128x64xbf16, #tpu.memory_space<vmem>> -> memref<128x64xbf16, #tpu.memory_space<vmem>>
      %dma_start3A_81 = arith.constant 0 : i32
      %dma_start3A_82 = tpu.memref_slice %arg7[%while3A_50, %dma_start3A, %dma_start3A_81] : memref<80x2x128xi32, #tpu.memory_space<vmem>> -> memref<1x1x128xi32, #tpu.memory_space<vmem>>
      %dma_start3A_83 = tpu.memref_squeeze %dma_start3A_82 : memref<1x1x128xi32, #tpu.memory_space<vmem>> -> memref<128xi32, #tpu.memory_space<vmem>>
      %dma_start3A_84 = arith.constant 0 : i32
      %dma_start3A_85 = arith.constant 0 : i32
      %dma_start3A_86 = tpu.memref_slice %arg6[%dma_start3A_84, %dma_start3A_85] : memref<10112x64xbf16, #tpu.memory_space<vmem_shared>> -> memref<10112x64xbf16, #tpu.memory_space<vmem_shared>>
      %dma_start3A_87 = tpu.memref_slice %arg10[%rem3A_51] : memref<4x!tpu.dma_semaphore, #tpu.memory_space<semaphore_mem>> -> memref<1x!tpu.dma_semaphore, #tpu.memory_space<semaphore_mem>>
      %dma_start3A_88 = tpu.memref_squeeze %dma_start3A_87 : memref<1x!tpu.dma_semaphore, #tpu.memory_space<semaphore_mem>> -> memref<!tpu.dma_semaphore, #tpu.memory_space<semaphore_mem>>
      tpu.enqueue_indirect_dma source(%dma_start3A_80 : memref<128x64xbf16, #tpu.memory_space<vmem>>) target(%dma_start3A_86 : memref<10112x64xbf16, #tpu.memory_space<vmem_shared>>) offsets(%dma_start3A_83 : memref<128xi32, #tpu.memory_space<vmem>>) semaphore(%dma_start3A_88 : memref<!tpu.dma_semaphore, #tpu.memory_space<semaphore_mem>>) {add = true}
    }
    %while3A_39 = arith.constant 1 : i32
    scf.for %while3A_50 = %while3A_37 to %while3A_33 step %while3A_39  : i32 {
      %rem3A = arith.constant 4 : i32
      %rem3A_51 = arith.remsi %while3A_50, %rem3A : i32
      %add3A_52 = arith.constant 4 : i32
      %add3A_53 = arith.addi %while3A_50, %add3A_52 : i32
      %sub3A_54 = arith.constant 1 : i32
      %sub3A_55 = arith.subi %add3A_53, %sub3A_54 : i32
      %rem3A_56 = arith.constant 4 : i32
      %rem3A_57 = arith.remsi %sub3A_55, %rem3A_56 : i32
      %add3A_58 = arith.constant 4 : i32
      %add3A_59 = arith.addi %while3A_50, %add3A_58 : i32
      %sub3A_60 = arith.constant 1 : i32
      %sub3A_61 = arith.subi %add3A_59, %sub3A_60 : i32
      %lt3A = arith.cmpi slt, %sub3A_61, %min3A_8 : i32
      %convert_element_type3A_62 = arith.extui %lt3A : i1 to i32
      %cond3A_63 = arith.constant 0 : i32
      %cond3A_64 = arith.cmpi ne, %convert_element_type3A_62, %cond3A_63 : i32
      scf.if %cond3A_64 {
        %ge3A = arith.constant 1 : i32
        %ge3A_89 = arith.cmpi sge, %while3A_50, %ge3A : i32
        %convert_element_type3A_90 = arith.extui %ge3A_89 : i1 to i32
        %cond3A_91 = arith.constant 0 : i32
        %cond3A_92 = arith.cmpi ne, %convert_element_type3A_90, %cond3A_91 : i32
        scf.if %cond3A_92 {
          %sub3A_110 = arith.constant 1 : i32
          %sub3A_111 = arith.subi %while3A_50, %sub3A_110 : i32
          %dma_wait3A_112 = arith.constant 1 : i32
          %dma_wait3A_113 = arith.constant 0 : i32
          %dma_wait3A_114 = arith.constant 0 : i32
          %dma_wait3A_115 = tpu.memref_slice %arg8[%rem3A_57, %dma_wait3A_113, %dma_wait3A_114] : memref<4x128x64xbf16, #tpu.memory_space<vmem>> -> memref<1x128x64xbf16, #tpu.memory_space<vmem>>
          %dma_wait3A_116 = tpu.memref_squeeze %dma_wait3A_115 : memref<1x128x64xbf16, #tpu.memory_space<vmem>> -> memref<128x64xbf16, #tpu.memory_space<vmem>>
          %dma_wait3A_117 = arith.constant 0 : i32
          %dma_wait3A_118 = tpu.memref_slice %arg7[%sub3A_111, %dma_wait3A_112, %dma_wait3A_117] : memref<80x2x128xi32, #tpu.memory_space<vmem>> -> memref<1x1x128xi32, #tpu.memory_space<vmem>>
          %dma_wait3A_119 = tpu.memref_squeeze %dma_wait3A_118 : memref<1x1x128xi32, #tpu.memory_space<vmem>> -> memref<128xi32, #tpu.memory_space<vmem>>
          %dma_wait3A_120 = arith.constant 0 : i32
          %dma_wait3A_121 = arith.constant 0 : i32
          %dma_wait3A_122 = tpu.memref_slice %arg6[%dma_wait3A_120, %dma_wait3A_121] : memref<10112x64xbf16, #tpu.memory_space<vmem_shared>> -> memref<10112x64xbf16, #tpu.memory_space<vmem_shared>>
          %dma_wait3A_123 = tpu.memref_slice %arg10[%rem3A_57] : memref<4x!tpu.dma_semaphore, #tpu.memory_space<semaphore_mem>> -> memref<1x!tpu.dma_semaphore, #tpu.memory_space<semaphore_mem>>
          %dma_wait3A_124 = tpu.memref_squeeze %dma_wait3A_123 : memref<1x!tpu.dma_semaphore, #tpu.memory_space<semaphore_mem>> -> memref<!tpu.dma_semaphore, #tpu.memory_space<semaphore_mem>>
          tpu.wait_indirect_dma semaphore(%dma_wait3A_124 : memref<!tpu.dma_semaphore, #tpu.memory_space<semaphore_mem>>) src(%dma_wait3A_116 : memref<128x64xbf16, #tpu.memory_space<vmem>>) dst(%dma_wait3A_122 : memref<10112x64xbf16, #tpu.memory_space<vmem_shared>>)
        } else {
        }
        %add3A_93 = arith.constant 4 : i32
        %add3A_94 = arith.addi %while3A_50, %add3A_93 : i32
        %sub3A_95 = arith.constant 1 : i32
        %sub3A_96 = arith.subi %add3A_94, %sub3A_95 : i32
        %dma_start3A_97 = arith.constant 0 : i32
        %dma_start3A_98 = arith.constant 0 : i32
        %dma_start3A_99 = arith.constant 0 : i32
        %dma_start3A_100 = tpu.memref_slice %arg8[%rem3A_57, %dma_start3A_98, %dma_start3A_99] : memref<4x128x64xbf16, #tpu.memory_space<vmem>> -> memref<1x128x64xbf16, #tpu.memory_space<vmem>>
        %dma_start3A_101 = tpu.memref_squeeze %dma_start3A_100 : memref<1x128x64xbf16, #tpu.memory_space<vmem>> -> memref<128x64xbf16, #tpu.memory_space<vmem>>
        %dma_start3A_102 = arith.constant 0 : i32
        %dma_start3A_103 = tpu.memref_slice %arg7[%sub3A_96, %dma_start3A_97, %dma_start3A_102] : memref<80x2x128xi32, #tpu.memory_space<vmem>> -> memref<1x1x128xi32, #tpu.memory_space<vmem>>
        %dma_start3A_104 = tpu.memref_squeeze %dma_start3A_103 : memref<1x1x128xi32, #tpu.memory_space<vmem>> -> memref<128xi32, #tpu.memory_space<vmem>>
        %dma_start3A_105 = arith.constant 0 : i32
        %dma_start3A_106 = arith.constant 0 : i32
        %dma_start3A_107 = tpu.memref_slice %arg2[%dma_start3A_105, %dma_start3A_106] : memref<10000x64xbf16, #tpu.memory_space<hbm>> -> memref<10000x64xbf16, #tpu.memory_space<hbm>>
        %dma_start3A_108 = tpu.memref_slice %arg9[%rem3A_57] : memref<4x!tpu.dma_semaphore, #tpu.memory_space<semaphore_mem>> -> memref<1x!tpu.dma_semaphore, #tpu.memory_space<semaphore_mem>>
        %dma_start3A_109 = tpu.memref_squeeze %dma_start3A_108 : memref<1x!tpu.dma_semaphore, #tpu.memory_space<semaphore_mem>> -> memref<!tpu.dma_semaphore, #tpu.memory_space<semaphore_mem>>
        tpu.enqueue_indirect_dma source(%dma_start3A_107 : memref<10000x64xbf16, #tpu.memory_space<hbm>>) target(%dma_start3A_101 : memref<128x64xbf16, #tpu.memory_space<vmem>>) offsets(%dma_start3A_104 : memref<128xi32, #tpu.memory_space<vmem>>) semaphore(%dma_start3A_109 : memref<!tpu.dma_semaphore, #tpu.memory_space<semaphore_mem>>)
      } else {
      }
      %dma_wait3A = arith.constant 0 : i32
      %dma_wait3A_65 = arith.constant 0 : i32
      %dma_wait3A_66 = arith.constant 0 : i32
      %dma_wait3A_67 = tpu.memref_slice %arg8[%rem3A_51, %dma_wait3A_65, %dma_wait3A_66] : memref<4x128x64xbf16, #tpu.memory_space<vmem>> -> memref<1x128x64xbf16, #tpu.memory_space<vmem>>
      %dma_wait3A_68 = tpu.memref_squeeze %dma_wait3A_67 : memref<1x128x64xbf16, #tpu.memory_space<vmem>> -> memref<128x64xbf16, #tpu.memory_space<vmem>>
      %dma_wait3A_69 = arith.constant 0 : i32
      %dma_wait3A_70 = tpu.memref_slice %arg7[%while3A_50, %dma_wait3A, %dma_wait3A_69] : memref<80x2x128xi32, #tpu.memory_space<vmem>> -> memref<1x1x128xi32, #tpu.memory_space<vmem>>
      %dma_wait3A_71 = tpu.memref_squeeze %dma_wait3A_70 : memref<1x1x128xi32, #tpu.memory_space<vmem>> -> memref<128xi32, #tpu.memory_space<vmem>>
      %dma_wait3A_72 = arith.constant 0 : i32
      %dma_wait3A_73 = arith.constant 0 : i32
      %dma_wait3A_74 = tpu.memref_slice %arg2[%dma_wait3A_72, %dma_wait3A_73] : memref<10000x64xbf16, #tpu.memory_space<hbm>> -> memref<10000x64xbf16, #tpu.memory_space<hbm>>
      %dma_wait3A_75 = tpu.memref_slice %arg9[%rem3A_51] : memref<4x!tpu.dma_semaphore, #tpu.memory_space<semaphore_mem>> -> memref<1x!tpu.dma_semaphore, #tpu.memory_space<semaphore_mem>>
      %dma_wait3A_76 = tpu.memref_squeeze %dma_wait3A_75 : memref<1x!tpu.dma_semaphore, #tpu.memory_space<semaphore_mem>> -> memref<!tpu.dma_semaphore, #tpu.memory_space<semaphore_mem>>
      tpu.wait_indirect_dma semaphore(%dma_wait3A_76 : memref<!tpu.dma_semaphore, #tpu.memory_space<semaphore_mem>>) src(%dma_wait3A_74 : memref<10000x64xbf16, #tpu.memory_space<hbm>>) dst(%dma_wait3A_68 : memref<128x64xbf16, #tpu.memory_space<vmem>>)
      %dma_start3A = arith.constant 1 : i32
      %dma_start3A_77 = arith.constant 0 : i32
      %dma_start3A_78 = arith.constant 0 : i32
      %dma_start3A_79 = tpu.memref_slice %arg8[%rem3A_51, %dma_start3A_77, %dma_start3A_78] : memref<4x128x64xbf16, #tpu.memory_space<vmem>> -> memref<1x128x64xbf16, #tpu.memory_space<vmem>>
      %dma_start3A_80 = tpu.memref_squeeze %dma_start3A_79 : memref<1x128x64xbf16, #tpu.memory_space<vmem>> -> memref<128x64xbf16, #tpu.memory_space<vmem>>
      %dma_start3A_81 = arith.constant 0 : i32
      %dma_start3A_82 = tpu.memref_slice %arg7[%while3A_50, %dma_start3A, %dma_start3A_81] : memref<80x2x128xi32, #tpu.memory_space<vmem>> -> memref<1x1x128xi32, #tpu.memory_space<vmem>>
      %dma_start3A_83 = tpu.memref_squeeze %dma_start3A_82 : memref<1x1x128xi32, #tpu.memory_space<vmem>> -> memref<128xi32, #tpu.memory_space<vmem>>
      %dma_start3A_84 = arith.constant 0 : i32
      %dma_start3A_85 = arith.constant 0 : i32
      %dma_start3A_86 = tpu.memref_slice %arg6[%dma_start3A_84, %dma_start3A_85] : memref<10112x64xbf16, #tpu.memory_space<vmem_shared>> -> memref<10112x64xbf16, #tpu.memory_space<vmem_shared>>
      %dma_start3A_87 = tpu.memref_slice %arg10[%rem3A_51] : memref<4x!tpu.dma_semaphore, #tpu.memory_space<semaphore_mem>> -> memref<1x!tpu.dma_semaphore, #tpu.memory_space<semaphore_mem>>
      %dma_start3A_88 = tpu.memref_squeeze %dma_start3A_87 : memref<1x!tpu.dma_semaphore, #tpu.memory_space<semaphore_mem>> -> memref<!tpu.dma_semaphore, #tpu.memory_space<semaphore_mem>>
      tpu.enqueue_indirect_dma source(%dma_start3A_80 : memref<128x64xbf16, #tpu.memory_space<vmem>>) target(%dma_start3A_86 : memref<10112x64xbf16, #tpu.memory_space<vmem_shared>>) offsets(%dma_start3A_83 : memref<128xi32, #tpu.memory_space<vmem>>) semaphore(%dma_start3A_88 : memref<!tpu.dma_semaphore, #tpu.memory_space<semaphore_mem>>) {add = true}
    }
    %scan3A = arith.constant 0 : i32
    %scan3A_40 = arith.constant 0 : i32
    %scan3A_41 = arith.constant 4 : i32
    %scan3A_42 = arith.addi %scan3A_40, %scan3A_41 : i32
    %scan3A_43 = arith.constant 1 : i32
    scf.for %scan3A_50 = %scan3A_40 to %scan3A_42 step %scan3A_43  : i32 {
      %sub3A_51 = arith.constant 4 : i32
      %sub3A_52 = arith.subi %min3A_8, %sub3A_51 : i32
      %add3A_53 = arith.addi %sub3A_52, %scan3A_50 : i32
      %ge3A = arith.constant 0 : i32
      %ge3A_54 = arith.cmpi sge, %add3A_53, %ge3A : i32
      %convert_element_type3A_55 = arith.extui %ge3A_54 : i1 to i32
      %cond3A_56 = arith.constant 0 : i32
      %cond3A_57 = arith.cmpi ne, %convert_element_type3A_55, %cond3A_56 : i32
      scf.if %cond3A_57 {
        %rem3A = arith.constant 4 : i32
        %rem3A_58 = arith.remsi %add3A_53, %rem3A : i32
        %dma_wait3A = arith.constant 1 : i32
        %dma_wait3A_59 = arith.constant 0 : i32
        %dma_wait3A_60 = arith.constant 0 : i32
        %dma_wait3A_61 = tpu.memref_slice %arg8[%rem3A_58, %dma_wait3A_59, %dma_wait3A_60] : memref<4x128x64xbf16, #tpu.memory_space<vmem>> -> memref<1x128x64xbf16, #tpu.memory_space<vmem>>
        %dma_wait3A_62 = tpu.memref_squeeze %dma_wait3A_61 : memref<1x128x64xbf16, #tpu.memory_space<vmem>> -> memref<128x64xbf16, #tpu.memory_space<vmem>>
        %dma_wait3A_63 = arith.constant 0 : i32
        %dma_wait3A_64 = tpu.memref_slice %arg7[%add3A_53, %dma_wait3A, %dma_wait3A_63] : memref<80x2x128xi32, #tpu.memory_space<vmem>> -> memref<1x1x128xi32, #tpu.memory_space<vmem>>
        %dma_wait3A_65 = tpu.memref_squeeze %dma_wait3A_64 : memref<1x1x128xi32, #tpu.memory_space<vmem>> -> memref<128xi32, #tpu.memory_space<vmem>>
        %dma_wait3A_66 = arith.constant 0 : i32
        %dma_wait3A_67 = arith.constant 0 : i32
        %dma_wait3A_68 = tpu.memref_slice %arg6[%dma_wait3A_66, %dma_wait3A_67] : memref<10112x64xbf16, #tpu.memory_space<vmem_shared>> -> memref<10112x64xbf16, #tpu.memory_space<vmem_shared>>
        %dma_wait3A_69 = tpu.memref_slice %arg10[%rem3A_58] : memref<4x!tpu.dma_semaphore, #tpu.memory_space<semaphore_mem>> -> memref<1x!tpu.dma_semaphore, #tpu.memory_space<semaphore_mem>>
        %dma_wait3A_70 = tpu.memref_squeeze %dma_wait3A_69 : memref<1x!tpu.dma_semaphore, #tpu.memory_space<semaphore_mem>> -> memref<!tpu.dma_semaphore, #tpu.memory_space<semaphore_mem>>
        tpu.wait_indirect_dma semaphore(%dma_wait3A_70 : memref<!tpu.dma_semaphore, #tpu.memory_space<semaphore_mem>>) src(%dma_wait3A_62 : memref<128x64xbf16, #tpu.memory_space<vmem>>) dst(%dma_wait3A_68 : memref<10112x64xbf16, #tpu.memory_space<vmem_shared>>)
      } else {
      }
    }
    %scan3A_44 = arith.constant 4 : i32
    %barrier3A_45 = arith.constant 0 : index
    tpu.barrier barrier_id(%barrier3A_45)
    %mul3A_46 = arith.constant 632 : i32
    %mul3A_47 = arith.muli %arg1, %mul3A_46 : i32
    %mul3A_48 = arith.constant 632 : i32
    %mul3A_49 = arith.muli %arg1, %mul3A_48 : i32
    "tpu.region"() ({
      %run_scoped3A = tpu.sem_alloc : memref<!tpu.dma_semaphore, #tpu.memory_space<semaphore_mem>>
      %dma_start3A = arith.constant 0 : i32
      %dma_start3A_50 = tpu.memref_slice %arg5[%arg0, %mul3A_49, %dma_start3A] : memref<2x10112x64xbf16, #tpu.memory_space<hbm>> -> memref<1x632x64xbf16, #tpu.memory_space<hbm>>
      %dma_start3A_51 = tpu.memref_squeeze %dma_start3A_50 : memref<1x632x64xbf16, #tpu.memory_space<hbm>> -> memref<632x64xbf16, #tpu.memory_space<hbm>>
      %dma_start3A_52 = arith.constant 0 : i32
      %dma_start3A_53 = tpu.memref_slice %arg6[%mul3A_47, %dma_start3A_52] : memref<10112x64xbf16, #tpu.memory_space<vmem_shared>> -> memref<632x64xbf16, #tpu.memory_space<vmem_shared>>
      tpu.enqueue_dma source(%dma_start3A_53 : memref<632x64xbf16, #tpu.memory_space<vmem_shared>>) target(%dma_start3A_51 : memref<632x64xbf16, #tpu.memory_space<hbm>>) target_semaphore(%run_scoped3A : memref<!tpu.dma_semaphore, #tpu.memory_space<semaphore_mem>>)
      %dma_wait3A = arith.constant 0 : i32
      %dma_wait3A_54 = tpu.memref_slice %arg5[%arg0, %mul3A_49, %dma_wait3A] : memref<2x10112x64xbf16, #tpu.memory_space<hbm>> -> memref<1x632x64xbf16, #tpu.memory_space<hbm>>
      %dma_wait3A_55 = tpu.memref_squeeze %dma_wait3A_54 : memref<1x632x64xbf16, #tpu.memory_space<hbm>> -> memref<632x64xbf16, #tpu.memory_space<hbm>>
      %dma_wait3A_56 = arith.constant 0 : i32
      %dma_wait3A_57 = tpu.memref_slice %arg6[%mul3A_47, %dma_wait3A_56] : memref<10112x64xbf16, #tpu.memory_space<vmem_shared>> -> memref<632x64xbf16, #tpu.memory_space<vmem_shared>>
      tpu.wait_dma2 semaphore(%run_scoped3A : memref<!tpu.dma_semaphore, #tpu.memory_space<semaphore_mem>>) src(%dma_wait3A_57 : memref<632x64xbf16, #tpu.memory_space<vmem_shared>>) dst(%dma_wait3A_55 : memref<632x64xbf16, #tpu.memory_space<hbm>>)
      tpu.yield
    }) : () -> ()
    return
  }
}

#map = affine_map<(d0, d1) -> (0, 0)>
#map1 = affine_map<(d0, d1) -> (0, 0, 0)>
module attributes {stable_mosaic.version = 14 : i64} {
  func.func @body(%arg0: i32, %arg1: i32, %arg2: memref<10000x64xbf16, #tpu.memory_space<hbm>>, %arg3: memref<2500x2x128xi32, #tpu.memory_space<hbm>>, %arg4: memref<10112x64xbf16, #tpu.memory_space<hbm>>, %arg5: memref<2x10112x64xbf16, #tpu.memory_space<hbm>>, %arg6: memref<10112x64xbf16, #tpu.memory_space<vmem_shared>>, %arg7: memref<80x2x128xi32, #tpu.memory_space<vmem>>, %arg8: memref<4x128x64xbf16, #tpu.memory_space<vmem>>, %arg9: memref<4x!tpu.dma_semaphore, #tpu.memory_space<semaphore_mem>>, %arg10: memref<4x!tpu.dma_semaphore, #tpu.memory_space<semaphore_mem>>) attributes {dimension_semantics = [#tpu.dimension_semantics<core_parallel>, #tpu.dimension_semantics<subcore_parallel>], iteration_bounds = array<i64: 2, 16>, scalar_prefetch = 0 : i64, scratch_operands = 5 : i64, tpu.core_type = #tpu.core_type<sc_vector_subcore>, window_params = [{transform_indices = #map}, {transform_indices = #map1}, {transform_indices = #map}, {transform_indices = #map1}]} {
    %mul3A = arith.constant 16 : i32
    %mul3A_0 = arith.muli %arg0, %mul3A : i32
    %add3A = arith.addi %mul3A_0, %arg1 : i32
    %mul3A_1 = arith.constant 80 : i32
    %mul3A_2 = arith.muli %add3A, %mul3A_1 : i32
    %mul3A_3 = arith.constant 632 : i32
    %mul3A_4 = arith.muli %arg1, %mul3A_3 : i32
    %mul3A_5 = arith.constant 632 : i32
    %mul3A_6 = arith.muli %arg1, %mul3A_5 : i32
    "tpu.region"() ({
      %run_scoped3A = tpu.sem_alloc : memref<!tpu.dma_semaphore, #tpu.memory_space<semaphore_mem>>
      %dma_start3A = arith.constant 0 : i32
      %dma_start3A_50 = tpu.memref_slice %arg6[%mul3A_6, %dma_start3A] : memref<10112x64xbf16, #tpu.memory_space<vmem_shared>> -> memref<632x64xbf16, #tpu.memory_space<vmem_shared>>
      %dma_start3A_51 = arith.constant 0 : i32
      %dma_start3A_52 = tpu.memref_slice %arg4[%mul3A_4, %dma_start3A_51] : memref<10112x64xbf16, #tpu.memory_space<hbm>> -> memref<632x64xbf16, #tpu.memory_space<hbm>>
      tpu.enqueue_dma source(%dma_start3A_52 : memref<632x64xbf16, #tpu.memory_space<hbm>>) target(%dma_start3A_50 : memref<632x64xbf16, #tpu.memory_space<vmem_shared>>) target_semaphore(%run_scoped3A : memref<!tpu.dma_semaphore, #tpu.memory_space<semaphore_mem>>)
      %dma_wait3A = arith.constant 0 : i32
      %dma_wait3A_53 = tpu.memref_slice %arg6[%mul3A_6, %dma_wait3A] : memref<10112x64xbf16, #tpu.memory_space<vmem_shared>> -> memref<632x64xbf16, #tpu.memory_space<vmem_shared>>
      %dma_wait3A_54 = arith.constant 0 : i32
      %dma_wait3A_55 = tpu.memref_slice %arg4[%mul3A_4, %dma_wait3A_54] : memref<10112x64xbf16, #tpu.memory_space<hbm>> -> memref<632x64xbf16, #tpu.memory_space<hbm>>
      tpu.wait_dma2 semaphore(%run_scoped3A : memref<!tpu.dma_semaphore, #tpu.memory_space<semaphore_mem>>) src(%dma_wait3A_55 : memref<632x64xbf16, #tpu.memory_space<hbm>>) dst(%dma_wait3A_53 : memref<632x64xbf16, #tpu.memory_space<vmem_shared>>)
      tpu.yield
    }) : () -> ()
    %sub3A = arith.constant 2500 : i32
    %sub3A_7 = arith.subi %sub3A, %mul3A_2 : i32
    %min3A = arith.constant 80 : i32
    %min3A_8 = arith.minsi %sub3A_7, %min3A : i32
    %add3A_9 = arith.constant 80 : i32
    %add3A_10 = arith.addi %mul3A_2, %add3A_9 : i32
    %le3A = arith.constant 2500 : i32
    %le3A_11 = arith.cmpi sle, %add3A_10, %le3A : i32
    %convert_element_type3A = arith.extui %le3A_11 : i1 to i32
    %cond3A = arith.constant 0 : i32
    %cond3A_12 = arith.cmpi ne, %convert_element_type3A, %cond3A : i32
    scf.if %cond3A_12 {
      "tpu.region"() ({
        %run_scoped3A = tpu.sem_alloc : memref<!tpu.dma_semaphore, #tpu.memory_space<semaphore_mem>>
        %dma_start3A = arith.constant 0 : i32
        %dma_start3A_50 = arith.constant 0 : i32
        %dma_start3A_51 = tpu.memref_slice %arg3[%mul3A_2, %dma_start3A, %dma_start3A_50] : memref<2500x2x128xi32, #tpu.memory_space<hbm>> -> memref<80x2x128xi32, #tpu.memory_space<hbm>>
        %dma_start3A_52 = arith.constant 0 : i32
        %dma_start3A_53 = arith.constant 0 : i32
        %dma_start3A_54 = tpu.memref_slice %arg3[%mul3A_2, %dma_start3A_52, %dma_start3A_53] : memref<2500x2x128xi32, #tpu.memory_space<hbm>> -> memref<80x2x128xi32, #tpu.memory_space<hbm>>
        tpu.enqueue_dma source(%dma_start3A_54 : memref<80x2x128xi32, #tpu.memory_space<hbm>>) target(%arg7 : memref<80x2x128xi32, #tpu.memory_space<vmem>>) target_semaphore(%run_scoped3A : memref<!tpu.dma_semaphore, #tpu.memory_space<semaphore_mem>>)
        %dma_wait3A = arith.constant 0 : i32
        %dma_wait3A_55 = arith.constant 0 : i32
        %dma_wait3A_56 = tpu.memref_slice %arg3[%mul3A_2, %dma_wait3A, %dma_wait3A_55] : memref<2500x2x128xi32, #tpu.memory_space<hbm>> -> memref<80x2x128xi32, #tpu.memory_space<hbm>>
        %dma_wait3A_57 = arith.constant 0 : i32
        %dma_wait3A_58 = arith.constant 0 : i32
        %dma_wait3A_59 = tpu.memref_slice %arg3[%mul3A_2, %dma_wait3A_57, %dma_wait3A_58] : memref<2500x2x128xi32, #tpu.memory_space<hbm>> -> memref<80x2x128xi32, #tpu.memory_space<hbm>>
        tpu.wait_dma2 semaphore(%run_scoped3A : memref<!tpu.dma_semaphore, #tpu.memory_space<semaphore_mem>>) src(%dma_wait3A_59 : memref<80x2x128xi32, #tpu.memory_space<hbm>>) dst(%arg7 : memref<80x2x128xi32, #tpu.memory_space<vmem>>)
        tpu.yield
      }) : () -> ()
    } else {
    }
    %not3A = arith.constant true
    %not3A_13 = arith.xori %le3A_11, %not3A : i1
    %convert_element_type3A_14 = arith.extui %not3A_13 : i1 to i32
    %cond3A_15 = arith.constant 0 : i32
    %cond3A_16 = arith.cmpi ne, %convert_element_type3A_14, %cond3A_15 : i32
    scf.if %cond3A_16 {
      "tpu.region"() ({
        %run_scoped3A = tpu.sem_alloc : memref<!tpu.dma_semaphore, #tpu.memory_space<semaphore_mem>>
        %dma_start3A = arith.constant 0 : i32
        %dma_start3A_50 = arith.constant 0 : i32
        %dma_start3A_51 = arith.constant 0 : i32
        %dma_start3A_52 = tpu.memref_slice %arg7[%dma_start3A, %dma_start3A_50, %dma_start3A_51] : memref<80x2x128xi32, #tpu.memory_space<vmem>> -> memref<20x2x128xi32, #tpu.memory_space<vmem>>
        %dma_start3A_53 = arith.constant 0 : i32
        %dma_start3A_54 = arith.constant 0 : i32
        %dma_start3A_55 = tpu.memref_slice %arg3[%mul3A_2, %dma_start3A_53, %dma_start3A_54] : memref<2500x2x128xi32, #tpu.memory_space<hbm>> -> memref<20x2x128xi32, #tpu.memory_space<hbm>>
        %dma_start3A_56 = arith.constant 0 : i32
        %dma_start3A_57 = arith.constant 0 : i32
        %dma_start3A_58 = arith.constant 0 : i32
        %dma_start3A_59 = tpu.memref_slice %arg7[%dma_start3A_56, %dma_start3A_57, %dma_start3A_58] : memref<80x2x128xi32, #tpu.memory_space<vmem>> -> memref<20x2x128xi32, #tpu.memory_space<vmem>>
        %dma_start3A_60 = arith.constant 0 : i32
        %dma_start3A_61 = arith.constant 0 : i32
        %dma_start3A_62 = tpu.memref_slice %arg3[%mul3A_2, %dma_start3A_60, %dma_start3A_61] : memref<2500x2x128xi32, #tpu.memory_space<hbm>> -> memref<20x2x128xi32, #tpu.memory_space<hbm>>
        tpu.enqueue_dma source(%dma_start3A_62 : memref<20x2x128xi32, #tpu.memory_space<hbm>>) target(%dma_start3A_59 : memref<20x2x128xi32, #tpu.memory_space<vmem>>) target_semaphore(%run_scoped3A : memref<!tpu.dma_semaphore, #tpu.memory_space<semaphore_mem>>)
        %dma_wait3A = arith.constant 0 : i32
        %dma_wait3A_63 = arith.constant 0 : i32
        %dma_wait3A_64 = arith.constant 0 : i32
        %dma_wait3A_65 = tpu.memref_slice %arg7[%dma_wait3A, %dma_wait3A_63, %dma_wait3A_64] : memref<80x2x128xi32, #tpu.memory_space<vmem>> -> memref<20x2x128xi32, #tpu.memory_space<vmem>>
        %dma_wait3A_66 = arith.constant 0 : i32
        %dma_wait3A_67 = arith.constant 0 : i32
        %dma_wait3A_68 = tpu.memref_slice %arg3[%mul3A_2, %dma_wait3A_66, %dma_wait3A_67] : memref<2500x2x128xi32, #tpu.memory_space<hbm>> -> memref<20x2x128xi32, #tpu.memory_space<hbm>>
        %dma_wait3A_69 = arith.constant 0 : i32
        %dma_wait3A_70 = arith.constant 0 : i32
        %dma_wait3A_71 = arith.constant 0 : i32
        %dma_wait3A_72 = tpu.memref_slice %arg7[%dma_wait3A_69, %dma_wait3A_70, %dma_wait3A_71] : memref<80x2x128xi32, #tpu.memory_space<vmem>> -> memref<20x2x128xi32, #tpu.memory_space<vmem>>
        %dma_wait3A_73 = arith.constant 0 : i32
        %dma_wait3A_74 = arith.constant 0 : i32
        %dma_wait3A_75 = tpu.memref_slice %arg3[%mul3A_2, %dma_wait3A_73, %dma_wait3A_74] : memref<2500x2x128xi32, #tpu.memory_space<hbm>> -> memref<20x2x128xi32, #tpu.memory_space<hbm>>
        tpu.wait_dma2 semaphore(%run_scoped3A : memref<!tpu.dma_semaphore, #tpu.memory_space<semaphore_mem>>) src(%dma_wait3A_75 : memref<20x2x128xi32, #tpu.memory_space<hbm>>) dst(%dma_wait3A_72 : memref<20x2x128xi32, #tpu.memory_space<vmem>>)
        tpu.yield
      }) : () -> ()
    } else {
    }
    %barrier3A = arith.constant 0 : index
    tpu.barrier barrier_id(%barrier3A)
    %gt3A = arith.constant 0 : i32
    %gt3A_17 = arith.cmpi sgt, %min3A_8, %gt3A : i32
    %convert_element_type3A_18 = arith.extui %gt3A_17 : i1 to i32
    %cond3A_19 = arith.constant 0 : i32
    %cond3A_20 = arith.cmpi ne, %convert_element_type3A_18, %cond3A_19 : i32
    scf.if %cond3A_20 {
      %dma_start3A = arith.constant 0 : i32
      %dma_start3A_50 = arith.constant 0 : i32
      %dma_start3A_51 = arith.constant 0 : i32
      %dma_start3A_52 = arith.constant 0 : i32
      %dma_start3A_53 = arith.constant 0 : i32
      %dma_start3A_54 = arith.constant 0 : i32
      %dma_start3A_55 = tpu.memref_slice %arg8[%dma_start3A_51, %dma_start3A_53, %dma_start3A_54] : memref<4x128x64xbf16, #tpu.memory_space<vmem>> -> memref<1x128x64xbf16, #tpu.memory_space<vmem>>
      %dma_start3A_56 = tpu.memref_squeeze %dma_start3A_55 : memref<1x128x64xbf16, #tpu.memory_space<vmem>> -> memref<128x64xbf16, #tpu.memory_space<vmem>>
      %dma_start3A_57 = arith.constant 0 : i32
      %dma_start3A_58 = tpu.memref_slice %arg7[%dma_start3A, %dma_start3A_50, %dma_start3A_57] : memref<80x2x128xi32, #tpu.memory_space<vmem>> -> memref<1x1x128xi32, #tpu.memory_space<vmem>>
      %dma_start3A_59 = tpu.memref_squeeze %dma_start3A_58 : memref<1x1x128xi32, #tpu.memory_space<vmem>> -> memref<128xi32, #tpu.memory_space<vmem>>
      %dma_start3A_60 = arith.constant 0 : i32
      %dma_start3A_61 = arith.constant 0 : i32
      %dma_start3A_62 = tpu.memref_slice %arg2[%dma_start3A_60, %dma_start3A_61] : memref<10000x64xbf16, #tpu.memory_space<hbm>> -> memref<10000x64xbf16, #tpu.memory_space<hbm>>
      %dma_start3A_63 = tpu.memref_slice %arg9[%dma_start3A_52] : memref<4x!tpu.dma_semaphore, #tpu.memory_space<semaphore_mem>> -> memref<1x!tpu.dma_semaphore, #tpu.memory_space<semaphore_mem>>
      %dma_start3A_64 = tpu.memref_squeeze %dma_start3A_63 : memref<1x!tpu.dma_semaphore, #tpu.memory_space<semaphore_mem>> -> memref<!tpu.dma_semaphore, #tpu.memory_space<semaphore_mem>>
      tpu.enqueue_indirect_dma source(%dma_start3A_62 : memref<10000x64xbf16, #tpu.memory_space<hbm>>) target(%dma_start3A_56 : memref<128x64xbf16, #tpu.memory_space<vmem>>) offsets(%dma_start3A_59 : memref<128xi32, #tpu.memory_space<vmem>>) semaphore(%dma_start3A_64 : memref<!tpu.dma_semaphore, #tpu.memory_space<semaphore_mem>>)
    } else {
    }
    %gt3A_21 = arith.constant 1 : i32
    %gt3A_22 = arith.cmpi sgt, %min3A_8, %gt3A_21 : i32
    %convert_element_type3A_23 = arith.extui %gt3A_22 : i1 to i32
    %cond3A_24 = arith.constant 0 : i32
    %cond3A_25 = arith.cmpi ne, %convert_element_type3A_23, %cond3A_24 : i32
    scf.if %cond3A_25 {
      %dma_start3A = arith.constant 1 : i32
      %dma_start3A_50 = arith.constant 0 : i32
      %dma_start3A_51 = arith.constant 1 : i32
      %dma_start3A_52 = arith.constant 1 : i32
      %dma_start3A_53 = arith.constant 0 : i32
      %dma_start3A_54 = arith.constant 0 : i32
      %dma_start3A_55 = tpu.memref_slice %arg8[%dma_start3A_51, %dma_start3A_53, %dma_start3A_54] : memref<4x128x64xbf16, #tpu.memory_space<vmem>> -> memref<1x128x64xbf16, #tpu.memory_space<vmem>>
      %dma_start3A_56 = tpu.memref_squeeze %dma_start3A_55 : memref<1x128x64xbf16, #tpu.memory_space<vmem>> -> memref<128x64xbf16, #tpu.memory_space<vmem>>
      %dma_start3A_57 = arith.constant 0 : i32
      %dma_start3A_58 = tpu.memref_slice %arg7[%dma_start3A, %dma_start3A_50, %dma_start3A_57] : memref<80x2x128xi32, #tpu.memory_space<vmem>> -> memref<1x1x128xi32, #tpu.memory_space<vmem>>
      %dma_start3A_59 = tpu.memref_squeeze %dma_start3A_58 : memref<1x1x128xi32, #tpu.memory_space<vmem>> -> memref<128xi32, #tpu.memory_space<vmem>>
      %dma_start3A_60 = arith.constant 0 : i32
      %dma_start3A_61 = arith.constant 0 : i32
      %dma_start3A_62 = tpu.memref_slice %arg2[%dma_start3A_60, %dma_start3A_61] : memref<10000x64xbf16, #tpu.memory_space<hbm>> -> memref<10000x64xbf16, #tpu.memory_space<hbm>>
      %dma_start3A_63 = tpu.memref_slice %arg9[%dma_start3A_52] : memref<4x!tpu.dma_semaphore, #tpu.memory_space<semaphore_mem>> -> memref<1x!tpu.dma_semaphore, #tpu.memory_space<semaphore_mem>>
      %dma_start3A_64 = tpu.memref_squeeze %dma_start3A_63 : memref<1x!tpu.dma_semaphore, #tpu.memory_space<semaphore_mem>> -> memref<!tpu.dma_semaphore, #tpu.memory_space<semaphore_mem>>
      tpu.enqueue_indirect_dma source(%dma_start3A_62 : memref<10000x64xbf16, #tpu.memory_space<hbm>>) target(%dma_start3A_56 : memref<128x64xbf16, #tpu.memory_space<vmem>>) offsets(%dma_start3A_59 : memref<128xi32, #tpu.memory_space<vmem>>) semaphore(%dma_start3A_64 : memref<!tpu.dma_semaphore, #tpu.memory_space<semaphore_mem>>)
    } else {
    }
    %gt3A_26 = arith.constant 2 : i32
    %gt3A_27 = arith.cmpi sgt, %min3A_8, %gt3A_26 : i32
    %convert_element_type3A_28 = arith.extui %gt3A_27 : i1 to i32
    %cond3A_29 = arith.constant 0 : i32
    %cond3A_30 = arith.cmpi ne, %convert_element_type3A_28, %cond3A_29 : i32
    scf.if %cond3A_30 {
      %dma_start3A = arith.constant 2 : i32
      %dma_start3A_50 = arith.constant 0 : i32
      %dma_start3A_51 = arith.constant 2 : i32
      %dma_start3A_52 = arith.constant 2 : i32
      %dma_start3A_53 = arith.constant 0 : i32
      %dma_start3A_54 = arith.constant 0 : i32
      %dma_start3A_55 = tpu.memref_slice %arg8[%dma_start3A_51, %dma_start3A_53, %dma_start3A_54] : memref<4x128x64xbf16, #tpu.memory_space<vmem>> -> memref<1x128x64xbf16, #tpu.memory_space<vmem>>
      %dma_start3A_56 = tpu.memref_squeeze %dma_start3A_55 : memref<1x128x64xbf16, #tpu.memory_space<vmem>> -> memref<128x64xbf16, #tpu.memory_space<vmem>>
      %dma_start3A_57 = arith.constant 0 : i32
      %dma_start3A_58 = tpu.memref_slice %arg7[%dma_start3A, %dma_start3A_50, %dma_start3A_57] : memref<80x2x128xi32, #tpu.memory_space<vmem>> -> memref<1x1x128xi32, #tpu.memory_space<vmem>>
      %dma_start3A_59 = tpu.memref_squeeze %dma_start3A_58 : memref<1x1x128xi32, #tpu.memory_space<vmem>> -> memref<128xi32, #tpu.memory_space<vmem>>
      %dma_start3A_60 = arith.constant 0 : i32
      %dma_start3A_61 = arith.constant 0 : i32
      %dma_start3A_62 = tpu.memref_slice %arg2[%dma_start3A_60, %dma_start3A_61] : memref<10000x64xbf16, #tpu.memory_space<hbm>> -> memref<10000x64xbf16, #tpu.memory_space<hbm>>
      %dma_start3A_63 = tpu.memref_slice %arg9[%dma_start3A_52] : memref<4x!tpu.dma_semaphore, #tpu.memory_space<semaphore_mem>> -> memref<1x!tpu.dma_semaphore, #tpu.memory_space<semaphore_mem>>
      %dma_start3A_64 = tpu.memref_squeeze %dma_start3A_63 : memref<1x!tpu.dma_semaphore, #tpu.memory_space<semaphore_mem>> -> memref<!tpu.dma_semaphore, #tpu.memory_space<semaphore_mem>>
      tpu.enqueue_indirect_dma source(%dma_start3A_62 : memref<10000x64xbf16, #tpu.memory_space<hbm>>) target(%dma_start3A_56 : memref<128x64xbf16, #tpu.memory_space<vmem>>) offsets(%dma_start3A_59 : memref<128xi32, #tpu.memory_space<vmem>>) semaphore(%dma_start3A_64 : memref<!tpu.dma_semaphore, #tpu.memory_space<semaphore_mem>>)
    } else {
    }
    %while3A = arith.constant 0 : i32
    %while3A_31 = arith.constant 0 : i32
    %while3A_32 = arith.subi %min3A_8, %while3A_31 : i32
    %while3A_33 = arith.addi %while3A_31, %while3A_32 : i32
    %while3A_34 = arith.constant 1 : i32
    %while3A_35 = arith.divsi %while3A_32, %while3A_34 : i32
    %while3A_36 = arith.muli %while3A_35, %while3A_34 : i32
    %while3A_37 = arith.addi %while3A_31, %while3A_36 : i32
    %while3A_38 = arith.constant 1 : i32
    scf.for %while3A_50 = %while3A_31 to %while3A_37 step %while3A_38  : i32 {
      %rem3A = arith.constant 4 : i32
      %rem3A_51 = arith.remsi %while3A_50, %rem3A : i32
      %add3A_52 = arith.constant 4 : i32
      %add3A_53 = arith.addi %while3A_50, %add3A_52 : i32
      %sub3A_54 = arith.constant 1 : i32
      %sub3A_55 = arith.subi %add3A_53, %sub3A_54 : i32
      %rem3A_56 = arith.constant 4 : i32
      %rem3A_57 = arith.remsi %sub3A_55, %rem3A_56 : i32
      %add3A_58 = arith.constant 4 : i32
      %add3A_59 = arith.addi %while3A_50, %add3A_58 : i32
      %sub3A_60 = arith.constant 1 : i32
      %sub3A_61 = arith.subi %add3A_59, %sub3A_60 : i32
      %lt3A = arith.cmpi slt, %sub3A_61, %min3A_8 : i32
      %convert_element_type3A_62 = arith.extui %lt3A : i1 to i32
      %cond3A_63 = arith.constant 0 : i32
      %cond3A_64 = arith.cmpi ne, %convert_element_type3A_62, %cond3A_63 : i32
      scf.if %cond3A_64 {
        %ge3A = arith.constant 1 : i32
        %ge3A_89 = arith.cmpi sge, %while3A_50, %ge3A : i32
        %convert_element_type3A_90 = arith.extui %ge3A_89 : i1 to i32
        %cond3A_91 = arith.constant 0 : i32
        %cond3A_92 = arith.cmpi ne, %convert_element_type3A_90, %cond3A_91 : i32
        scf.if %cond3A_92 {
          %sub3A_110 = arith.constant 1 : i32
          %sub3A_111 = arith.subi %while3A_50, %sub3A_110 : i32
          %dma_wait3A_112 = arith.constant 1 : i32
          %dma_wait3A_113 = arith.constant 0 : i32
          %dma_wait3A_114 = arith.constant 0 : i32
          %dma_wait3A_115 = tpu.memref_slice %arg8[%rem3A_57, %dma_wait3A_113, %dma_wait3A_114] : memref<4x128x64xbf16, #tpu.memory_space<vmem>> -> memref<1x128x64xbf16, #tpu.memory_space<vmem>>
          %dma_wait3A_116 = tpu.memref_squeeze %dma_wait3A_115 : memref<1x128x64xbf16, #tpu.memory_space<vmem>> -> memref<128x64xbf16, #tpu.memory_space<vmem>>
          %dma_wait3A_117 = arith.constant 0 : i32
          %dma_wait3A_118 = tpu.memref_slice %arg7[%sub3A_111, %dma_wait3A_112, %dma_wait3A_117] : memref<80x2x128xi32, #tpu.memory_space<vmem>> -> memref<1x1x128xi32, #tpu.memory_space<vmem>>
          %dma_wait3A_119 = tpu.memref_squeeze %dma_wait3A_118 : memref<1x1x128xi32, #tpu.memory_space<vmem>> -> memref<128xi32, #tpu.memory_space<vmem>>
          %dma_wait3A_120 = arith.constant 0 : i32
          %dma_wait3A_121 = arith.constant 0 : i32
          %dma_wait3A_122 = tpu.memref_slice %arg6[%dma_wait3A_120, %dma_wait3A_121] : memref<10112x64xbf16, #tpu.memory_space<vmem_shared>> -> memref<10112x64xbf16, #tpu.memory_space<vmem_shared>>
          %dma_wait3A_123 = tpu.memref_slice %arg10[%rem3A_57] : memref<4x!tpu.dma_semaphore, #tpu.memory_space<semaphore_mem>> -> memref<1x!tpu.dma_semaphore, #tpu.memory_space<semaphore_mem>>
          %dma_wait3A_124 = tpu.memref_squeeze %dma_wait3A_123 : memref<1x!tpu.dma_semaphore, #tpu.memory_space<semaphore_mem>> -> memref<!tpu.dma_semaphore, #tpu.memory_space<semaphore_mem>>
          tpu.wait_indirect_dma semaphore(%dma_wait3A_124 : memref<!tpu.dma_semaphore, #tpu.memory_space<semaphore_mem>>) src(%dma_wait3A_116 : memref<128x64xbf16, #tpu.memory_space<vmem>>) dst(%dma_wait3A_122 : memref<10112x64xbf16, #tpu.memory_space<vmem_shared>>)
        } else {
        }
        %add3A_93 = arith.constant 4 : i32
        %add3A_94 = arith.addi %while3A_50, %add3A_93 : i32
        %sub3A_95 = arith.constant 1 : i32
        %sub3A_96 = arith.subi %add3A_94, %sub3A_95 : i32
        %dma_start3A_97 = arith.constant 0 : i32
        %dma_start3A_98 = arith.constant 0 : i32
        %dma_start3A_99 = arith.constant 0 : i32
        %dma_start3A_100 = tpu.memref_slice %arg8[%rem3A_57, %dma_start3A_98, %dma_start3A_99] : memref<4x128x64xbf16, #tpu.memory_space<vmem>> -> memref<1x128x64xbf16, #tpu.memory_space<vmem>>
        %dma_start3A_101 = tpu.memref_squeeze %dma_start3A_100 : memref<1x128x64xbf16, #tpu.memory_space<vmem>> -> memref<128x64xbf16, #tpu.memory_space<vmem>>
        %dma_start3A_102 = arith.constant 0 : i32
        %dma_start3A_103 = tpu.memref_slice %arg7[%sub3A_96, %dma_start3A_97, %dma_start3A_102] : memref<80x2x128xi32, #tpu.memory_space<vmem>> -> memref<1x1x128xi32, #tpu.memory_space<vmem>>
        %dma_start3A_104 = tpu.memref_squeeze %dma_start3A_103 : memref<1x1x128xi32, #tpu.memory_space<vmem>> -> memref<128xi32, #tpu.memory_space<vmem>>
        %dma_start3A_105 = arith.constant 0 : i32
        %dma_start3A_106 = arith.constant 0 : i32
        %dma_start3A_107 = tpu.memref_slice %arg2[%dma_start3A_105, %dma_start3A_106] : memref<10000x64xbf16, #tpu.memory_space<hbm>> -> memref<10000x64xbf16, #tpu.memory_space<hbm>>
        %dma_start3A_108 = tpu.memref_slice %arg9[%rem3A_57] : memref<4x!tpu.dma_semaphore, #tpu.memory_space<semaphore_mem>> -> memref<1x!tpu.dma_semaphore, #tpu.memory_space<semaphore_mem>>
        %dma_start3A_109 = tpu.memref_squeeze %dma_start3A_108 : memref<1x!tpu.dma_semaphore, #tpu.memory_space<semaphore_mem>> -> memref<!tpu.dma_semaphore, #tpu.memory_space<semaphore_mem>>
        tpu.enqueue_indirect_dma source(%dma_start3A_107 : memref<10000x64xbf16, #tpu.memory_space<hbm>>) target(%dma_start3A_101 : memref<128x64xbf16, #tpu.memory_space<vmem>>) offsets(%dma_start3A_104 : memref<128xi32, #tpu.memory_space<vmem>>) semaphore(%dma_start3A_109 : memref<!tpu.dma_semaphore, #tpu.memory_space<semaphore_mem>>)
      } else {
      }
      %dma_wait3A = arith.constant 0 : i32
      %dma_wait3A_65 = arith.constant 0 : i32
      %dma_wait3A_66 = arith.constant 0 : i32
      %dma_wait3A_67 = tpu.memref_slice %arg8[%rem3A_51, %dma_wait3A_65, %dma_wait3A_66] : memref<4x128x64xbf16, #tpu.memory_space<vmem>> -> memref<1x128x64xbf16, #tpu.memory_space<vmem>>
      %dma_wait3A_68 = tpu.memref_squeeze %dma_wait3A_67 : memref<1x128x64xbf16, #tpu.memory_space<vmem>> -> memref<128x64xbf16, #tpu.memory_space<vmem>>
      %dma_wait3A_69 = arith.constant 0 : i32
      %dma_wait3A_70 = tpu.memref_slice %arg7[%while3A_50, %dma_wait3A, %dma_wait3A_69] : memref<80x2x128xi32, #tpu.memory_space<vmem>> -> memref<1x1x128xi32, #tpu.memory_space<vmem>>
      %dma_wait3A_71 = tpu.memref_squeeze %dma_wait3A_70 : memref<1x1x128xi32, #tpu.memory_space<vmem>> -> memref<128xi32, #tpu.memory_space<vmem>>
      %dma_wait3A_72 = arith.constant 0 : i32
      %dma_wait3A_73 = arith.constant 0 : i32
      %dma_wait3A_74 = tpu.memref_slice %arg2[%dma_wait3A_72, %dma_wait3A_73] : memref<10000x64xbf16, #tpu.memory_space<hbm>> -> memref<10000x64xbf16, #tpu.memory_space<hbm>>
      %dma_wait3A_75 = tpu.memref_slice %arg9[%rem3A_51] : memref<4x!tpu.dma_semaphore, #tpu.memory_space<semaphore_mem>> -> memref<1x!tpu.dma_semaphore, #tpu.memory_space<semaphore_mem>>
      %dma_wait3A_76 = tpu.memref_squeeze %dma_wait3A_75 : memref<1x!tpu.dma_semaphore, #tpu.memory_space<semaphore_mem>> -> memref<!tpu.dma_semaphore, #tpu.memory_space<semaphore_mem>>
      tpu.wait_indirect_dma semaphore(%dma_wait3A_76 : memref<!tpu.dma_semaphore, #tpu.memory_space<semaphore_mem>>) src(%dma_wait3A_74 : memref<10000x64xbf16, #tpu.memory_space<hbm>>) dst(%dma_wait3A_68 : memref<128x64xbf16, #tpu.memory_space<vmem>>)
      %dma_start3A = arith.constant 1 : i32
      %dma_start3A_77 = arith.constant 0 : i32
      %dma_start3A_78 = arith.constant 0 : i32
      %dma_start3A_79 = tpu.memref_slice %arg8[%rem3A_51, %dma_start3A_77, %dma_start3A_78] : memref<4x128x64xbf16, #tpu.memory_space<vmem>> -> memref<1x128x64xbf16, #tpu.memory_space<vmem>>
      %dma_start3A_80 = tpu.memref_squeeze %dma_start3A_79 : memref<1x128x64xbf16, #tpu.memory_space<vmem>> -> memref<128x64xbf16, #tpu.memory_space<vmem>>
      %dma_start3A_81 = arith.constant 0 : i32
      %dma_start3A_82 = tpu.memref_slice %arg7[%while3A_50, %dma_start3A, %dma_start3A_81] : memref<80x2x128xi32, #tpu.memory_space<vmem>> -> memref<1x1x128xi32, #tpu.memory_space<vmem>>
      %dma_start3A_83 = tpu.memref_squeeze %dma_start3A_82 : memref<1x1x128xi32, #tpu.memory_space<vmem>> -> memref<128xi32, #tpu.memory_space<vmem>>
      %dma_start3A_84 = arith.constant 0 : i32
      %dma_start3A_85 = arith.constant 0 : i32
      %dma_start3A_86 = tpu.memref_slice %arg6[%dma_start3A_84, %dma_start3A_85] : memref<10112x64xbf16, #tpu.memory_space<vmem_shared>> -> memref<10112x64xbf16, #tpu.memory_space<vmem_shared>>
      %dma_start3A_87 = tpu.memref_slice %arg10[%rem3A_51] : memref<4x!tpu.dma_semaphore, #tpu.memory_space<semaphore_mem>> -> memref<1x!tpu.dma_semaphore, #tpu.memory_space<semaphore_mem>>
      %dma_start3A_88 = tpu.memref_squeeze %dma_start3A_87 : memref<1x!tpu.dma_semaphore, #tpu.memory_space<semaphore_mem>> -> memref<!tpu.dma_semaphore, #tpu.memory_space<semaphore_mem>>
      tpu.enqueue_indirect_dma source(%dma_start3A_80 : memref<128x64xbf16, #tpu.memory_space<vmem>>) target(%dma_start3A_86 : memref<10112x64xbf16, #tpu.memory_space<vmem_shared>>) offsets(%dma_start3A_83 : memref<128xi32, #tpu.memory_space<vmem>>) semaphore(%dma_start3A_88 : memref<!tpu.dma_semaphore, #tpu.memory_space<semaphore_mem>>) {add = true}
    }
    %while3A_39 = arith.constant 1 : i32
    scf.for %while3A_50 = %while3A_37 to %while3A_33 step %while3A_39  : i32 {
      %rem3A = arith.constant 4 : i32
      %rem3A_51 = arith.remsi %while3A_50, %rem3A : i32
      %add3A_52 = arith.constant 4 : i32
      %add3A_53 = arith.addi %while3A_50, %add3A_52 : i32
      %sub3A_54 = arith.constant 1 : i32
      %sub3A_55 = arith.subi %add3A_53, %sub3A_54 : i32
      %rem3A_56 = arith.constant 4 : i32
      %rem3A_57 = arith.remsi %sub3A_55, %rem3A_56 : i32
      %add3A_58 = arith.constant 4 : i32
      %add3A_59 = arith.addi %while3A_50, %add3A_58 : i32
      %sub3A_60 = arith.constant 1 : i32
      %sub3A_61 = arith.subi %add3A_59, %sub3A_60 : i32
      %lt3A = arith.cmpi slt, %sub3A_61, %min3A_8 : i32
      %convert_element_type3A_62 = arith.extui %lt3A : i1 to i32
      %cond3A_63 = arith.constant 0 : i32
      %cond3A_64 = arith.cmpi ne, %convert_element_type3A_62, %cond3A_63 : i32
      scf.if %cond3A_64 {
        %ge3A = arith.constant 1 : i32
        %ge3A_89 = arith.cmpi sge, %while3A_50, %ge3A : i32
        %convert_element_type3A_90 = arith.extui %ge3A_89 : i1 to i32
        %cond3A_91 = arith.constant 0 : i32
        %cond3A_92 = arith.cmpi ne, %convert_element_type3A_90, %cond3A_91 : i32
        scf.if %cond3A_92 {
          %sub3A_110 = arith.constant 1 : i32
          %sub3A_111 = arith.subi %while3A_50, %sub3A_110 : i32
          %dma_wait3A_112 = arith.constant 1 : i32
          %dma_wait3A_113 = arith.constant 0 : i32
          %dma_wait3A_114 = arith.constant 0 : i32
          %dma_wait3A_115 = tpu.memref_slice %arg8[%rem3A_57, %dma_wait3A_113, %dma_wait3A_114] : memref<4x128x64xbf16, #tpu.memory_space<vmem>> -> memref<1x128x64xbf16, #tpu.memory_space<vmem>>
          %dma_wait3A_116 = tpu.memref_squeeze %dma_wait3A_115 : memref<1x128x64xbf16, #tpu.memory_space<vmem>> -> memref<128x64xbf16, #tpu.memory_space<vmem>>
          %dma_wait3A_117 = arith.constant 0 : i32
          %dma_wait3A_118 = tpu.memref_slice %arg7[%sub3A_111, %dma_wait3A_112, %dma_wait3A_117] : memref<80x2x128xi32, #tpu.memory_space<vmem>> -> memref<1x1x128xi32, #tpu.memory_space<vmem>>
          %dma_wait3A_119 = tpu.memref_squeeze %dma_wait3A_118 : memref<1x1x128xi32, #tpu.memory_space<vmem>> -> memref<128xi32, #tpu.memory_space<vmem>>
          %dma_wait3A_120 = arith.constant 0 : i32
          %dma_wait3A_121 = arith.constant 0 : i32
          %dma_wait3A_122 = tpu.memref_slice %arg6[%dma_wait3A_120, %dma_wait3A_121] : memref<10112x64xbf16, #tpu.memory_space<vmem_shared>> -> memref<10112x64xbf16, #tpu.memory_space<vmem_shared>>
          %dma_wait3A_123 = tpu.memref_slice %arg10[%rem3A_57] : memref<4x!tpu.dma_semaphore, #tpu.memory_space<semaphore_mem>> -> memref<1x!tpu.dma_semaphore, #tpu.memory_space<semaphore_mem>>
          %dma_wait3A_124 = tpu.memref_squeeze %dma_wait3A_123 : memref<1x!tpu.dma_semaphore, #tpu.memory_space<semaphore_mem>> -> memref<!tpu.dma_semaphore, #tpu.memory_space<semaphore_mem>>
          tpu.wait_indirect_dma semaphore(%dma_wait3A_124 : memref<!tpu.dma_semaphore, #tpu.memory_space<semaphore_mem>>) src(%dma_wait3A_116 : memref<128x64xbf16, #tpu.memory_space<vmem>>) dst(%dma_wait3A_122 : memref<10112x64xbf16, #tpu.memory_space<vmem_shared>>)
        } else {
        }
        %add3A_93 = arith.constant 4 : i32
        %add3A_94 = arith.addi %while3A_50, %add3A_93 : i32
        %sub3A_95 = arith.constant 1 : i32
        %sub3A_96 = arith.subi %add3A_94, %sub3A_95 : i32
        %dma_start3A_97 = arith.constant 0 : i32
        %dma_start3A_98 = arith.constant 0 : i32
        %dma_start3A_99 = arith.constant 0 : i32
        %dma_start3A_100 = tpu.memref_slice %arg8[%rem3A_57, %dma_start3A_98, %dma_start3A_99] : memref<4x128x64xbf16, #tpu.memory_space<vmem>> -> memref<1x128x64xbf16, #tpu.memory_space<vmem>>
        %dma_start3A_101 = tpu.memref_squeeze %dma_start3A_100 : memref<1x128x64xbf16, #tpu.memory_space<vmem>> -> memref<128x64xbf16, #tpu.memory_space<vmem>>
        %dma_start3A_102 = arith.constant 0 : i32
        %dma_start3A_103 = tpu.memref_slice %arg7[%sub3A_96, %dma_start3A_97, %dma_start3A_102] : memref<80x2x128xi32, #tpu.memory_space<vmem>> -> memref<1x1x128xi32, #tpu.memory_space<vmem>>
        %dma_start3A_104 = tpu.memref_squeeze %dma_start3A_103 : memref<1x1x128xi32, #tpu.memory_space<vmem>> -> memref<128xi32, #tpu.memory_space<vmem>>
        %dma_start3A_105 = arith.constant 0 : i32
        %dma_start3A_106 = arith.constant 0 : i32
        %dma_start3A_107 = tpu.memref_slice %arg2[%dma_start3A_105, %dma_start3A_106] : memref<10000x64xbf16, #tpu.memory_space<hbm>> -> memref<10000x64xbf16, #tpu.memory_space<hbm>>
        %dma_start3A_108 = tpu.memref_slice %arg9[%rem3A_57] : memref<4x!tpu.dma_semaphore, #tpu.memory_space<semaphore_mem>> -> memref<1x!tpu.dma_semaphore, #tpu.memory_space<semaphore_mem>>
        %dma_start3A_109 = tpu.memref_squeeze %dma_start3A_108 : memref<1x!tpu.dma_semaphore, #tpu.memory_space<semaphore_mem>> -> memref<!tpu.dma_semaphore, #tpu.memory_space<semaphore_mem>>
        tpu.enqueue_indirect_dma source(%dma_start3A_107 : memref<10000x64xbf16, #tpu.memory_space<hbm>>) target(%dma_start3A_101 : memref<128x64xbf16, #tpu.memory_space<vmem>>) offsets(%dma_start3A_104 : memref<128xi32, #tpu.memory_space<vmem>>) semaphore(%dma_start3A_109 : memref<!tpu.dma_semaphore, #tpu.memory_space<semaphore_mem>>)
      } else {
      }
      %dma_wait3A = arith.constant 0 : i32
      %dma_wait3A_65 = arith.constant 0 : i32
      %dma_wait3A_66 = arith.constant 0 : i32
      %dma_wait3A_67 = tpu.memref_slice %arg8[%rem3A_51, %dma_wait3A_65, %dma_wait3A_66] : memref<4x128x64xbf16, #tpu.memory_space<vmem>> -> memref<1x128x64xbf16, #tpu.memory_space<vmem>>
      %dma_wait3A_68 = tpu.memref_squeeze %dma_wait3A_67 : memref<1x128x64xbf16, #tpu.memory_space<vmem>> -> memref<128x64xbf16, #tpu.memory_space<vmem>>
      %dma_wait3A_69 = arith.constant 0 : i32
      %dma_wait3A_70 = tpu.memref_slice %arg7[%while3A_50, %dma_wait3A, %dma_wait3A_69] : memref<80x2x128xi32, #tpu.memory_space<vmem>> -> memref<1x1x128xi32, #tpu.memory_space<vmem>>
      %dma_wait3A_71 = tpu.memref_squeeze %dma_wait3A_70 : memref<1x1x128xi32, #tpu.memory_space<vmem>> -> memref<128xi32, #tpu.memory_space<vmem>>
      %dma_wait3A_72 = arith.constant 0 : i32
      %dma_wait3A_73 = arith.constant 0 : i32
      %dma_wait3A_74 = tpu.memref_slice %arg2[%dma_wait3A_72, %dma_wait3A_73] : memref<10000x64xbf16, #tpu.memory_space<hbm>> -> memref<10000x64xbf16, #tpu.memory_space<hbm>>
      %dma_wait3A_75 = tpu.memref_slice %arg9[%rem3A_51] : memref<4x!tpu.dma_semaphore, #tpu.memory_space<semaphore_mem>> -> memref<1x!tpu.dma_semaphore, #tpu.memory_space<semaphore_mem>>
      %dma_wait3A_76 = tpu.memref_squeeze %dma_wait3A_75 : memref<1x!tpu.dma_semaphore, #tpu.memory_space<semaphore_mem>> -> memref<!tpu.dma_semaphore, #tpu.memory_space<semaphore_mem>>
      tpu.wait_indirect_dma semaphore(%dma_wait3A_76 : memref<!tpu.dma_semaphore, #tpu.memory_space<semaphore_mem>>) src(%dma_wait3A_74 : memref<10000x64xbf16, #tpu.memory_space<hbm>>) dst(%dma_wait3A_68 : memref<128x64xbf16, #tpu.memory_space<vmem>>)
      %dma_start3A = arith.constant 1 : i32
      %dma_start3A_77 = arith.constant 0 : i32
      %dma_start3A_78 = arith.constant 0 : i32
      %dma_start3A_79 = tpu.memref_slice %arg8[%rem3A_51, %dma_start3A_77, %dma_start3A_78] : memref<4x128x64xbf16, #tpu.memory_space<vmem>> -> memref<1x128x64xbf16, #tpu.memory_space<vmem>>
      %dma_start3A_80 = tpu.memref_squeeze %dma_start3A_79 : memref<1x128x64xbf16, #tpu.memory_space<vmem>> -> memref<128x64xbf16, #tpu.memory_space<vmem>>
      %dma_start3A_81 = arith.constant 0 : i32
      %dma_start3A_82 = tpu.memref_slice %arg7[%while3A_50, %dma_start3A, %dma_start3A_81] : memref<80x2x128xi32, #tpu.memory_space<vmem>> -> memref<1x1x128xi32, #tpu.memory_space<vmem>>
      %dma_start3A_83 = tpu.memref_squeeze %dma_start3A_82 : memref<1x1x128xi32, #tpu.memory_space<vmem>> -> memref<128xi32, #tpu.memory_space<vmem>>
      %dma_start3A_84 = arith.constant 0 : i32
      %dma_start3A_85 = arith.constant 0 : i32
      %dma_start3A_86 = tpu.memref_slice %arg6[%dma_start3A_84, %dma_start3A_85] : memref<10112x64xbf16, #tpu.memory_space<vmem_shared>> -> memref<10112x64xbf16, #tpu.memory_space<vmem_shared>>
      %dma_start3A_87 = tpu.memref_slice %arg10[%rem3A_51] : memref<4x!tpu.dma_semaphore, #tpu.memory_space<semaphore_mem>> -> memref<1x!tpu.dma_semaphore, #tpu.memory_space<semaphore_mem>>
      %dma_start3A_88 = tpu.memref_squeeze %dma_start3A_87 : memref<1x!tpu.dma_semaphore, #tpu.memory_space<semaphore_mem>> -> memref<!tpu.dma_semaphore, #tpu.memory_space<semaphore_mem>>
      tpu.enqueue_indirect_dma source(%dma_start3A_80 : memref<128x64xbf16, #tpu.memory_space<vmem>>) target(%dma_start3A_86 : memref<10112x64xbf16, #tpu.memory_space<vmem_shared>>) offsets(%dma_start3A_83 : memref<128xi32, #tpu.memory_space<vmem>>) semaphore(%dma_start3A_88 : memref<!tpu.dma_semaphore, #tpu.memory_space<semaphore_mem>>) {add = true}
    }
    %scan3A = arith.constant 0 : i32
    %scan3A_40 = arith.constant 0 : i32
    %scan3A_41 = arith.constant 4 : i32
    %scan3A_42 = arith.addi %scan3A_40, %scan3A_41 : i32
    %scan3A_43 = arith.constant 1 : i32
    scf.for %scan3A_50 = %scan3A_40 to %scan3A_42 step %scan3A_43  : i32 {
      %sub3A_51 = arith.constant 4 : i32
      %sub3A_52 = arith.subi %min3A_8, %sub3A_51 : i32
      %add3A_53 = arith.addi %sub3A_52, %scan3A_50 : i32
      %ge3A = arith.constant 0 : i32
      %ge3A_54 = arith.cmpi sge, %add3A_53, %ge3A : i32
      %convert_element_type3A_55 = arith.extui %ge3A_54 : i1 to i32
      %cond3A_56 = arith.constant 0 : i32
      %cond3A_57 = arith.cmpi ne, %convert_element_type3A_55, %cond3A_56 : i32
      scf.if %cond3A_57 {
        %rem3A = arith.constant 4 : i32
        %rem3A_58 = arith.remsi %add3A_53, %rem3A : i32
        %dma_wait3A = arith.constant 1 : i32
        %dma_wait3A_59 = arith.constant 0 : i32
        %dma_wait3A_60 = arith.constant 0 : i32
        %dma_wait3A_61 = tpu.memref_slice %arg8[%rem3A_58, %dma_wait3A_59, %dma_wait3A_60] : memref<4x128x64xbf16, #tpu.memory_space<vmem>> -> memref<1x128x64xbf16, #tpu.memory_space<vmem>>
        %dma_wait3A_62 = tpu.memref_squeeze %dma_wait3A_61 : memref<1x128x64xbf16, #tpu.memory_space<vmem>> -> memref<128x64xbf16, #tpu.memory_space<vmem>>
        %dma_wait3A_63 = arith.constant 0 : i32
        %dma_wait3A_64 = tpu.memref_slice %arg7[%add3A_53, %dma_wait3A, %dma_wait3A_63] : memref<80x2x128xi32, #tpu.memory_space<vmem>> -> memref<1x1x128xi32, #tpu.memory_space<vmem>>
        %dma_wait3A_65 = tpu.memref_squeeze %dma_wait3A_64 : memref<1x1x128xi32, #tpu.memory_space<vmem>> -> memref<128xi32, #tpu.memory_space<vmem>>
        %dma_wait3A_66 = arith.constant 0 : i32
        %dma_wait3A_67 = arith.constant 0 : i32
        %dma_wait3A_68 = tpu.memref_slice %arg6[%dma_wait3A_66, %dma_wait3A_67] : memref<10112x64xbf16, #tpu.memory_space<vmem_shared>> -> memref<10112x64xbf16, #tpu.memory_space<vmem_shared>>
        %dma_wait3A_69 = tpu.memref_slice %arg10[%rem3A_58] : memref<4x!tpu.dma_semaphore, #tpu.memory_space<semaphore_mem>> -> memref<1x!tpu.dma_semaphore, #tpu.memory_space<semaphore_mem>>
        %dma_wait3A_70 = tpu.memref_squeeze %dma_wait3A_69 : memref<1x!tpu.dma_semaphore, #tpu.memory_space<semaphore_mem>> -> memref<!tpu.dma_semaphore, #tpu.memory_space<semaphore_mem>>
        tpu.wait_indirect_dma semaphore(%dma_wait3A_70 : memref<!tpu.dma_semaphore, #tpu.memory_space<semaphore_mem>>) src(%dma_wait3A_62 : memref<128x64xbf16, #tpu.memory_space<vmem>>) dst(%dma_wait3A_68 : memref<10112x64xbf16, #tpu.memory_space<vmem_shared>>)
      } else {
      }
    }
    %scan3A_44 = arith.constant 4 : i32
    %barrier3A_45 = arith.constant 0 : index
    tpu.barrier barrier_id(%barrier3A_45)
    %mul3A_46 = arith.constant 632 : i32
    %mul3A_47 = arith.muli %arg1, %mul3A_46 : i32
    %mul3A_48 = arith.constant 632 : i32
    %mul3A_49 = arith.muli %arg1, %mul3A_48 : i32
    "tpu.region"() ({
      %run_scoped3A = tpu.sem_alloc : memref<!tpu.dma_semaphore, #tpu.memory_space<semaphore_mem>>
      %dma_start3A = arith.constant 0 : i32
      %dma_start3A_50 = tpu.memref_slice %arg5[%arg0, %mul3A_49, %dma_start3A] : memref<2x10112x64xbf16, #tpu.memory_space<hbm>> -> memref<1x632x64xbf16, #tpu.memory_space<hbm>>
      %dma_start3A_51 = tpu.memref_squeeze %dma_start3A_50 : memref<1x632x64xbf16, #tpu.memory_space<hbm>> -> memref<632x64xbf16, #tpu.memory_space<hbm>>
      %dma_start3A_52 = arith.constant 0 : i32
      %dma_start3A_53 = tpu.memref_slice %arg6[%mul3A_47, %dma_start3A_52] : memref<10112x64xbf16, #tpu.memory_space<vmem_shared>> -> memref<632x64xbf16, #tpu.memory_space<vmem_shared>>
      tpu.enqueue_dma source(%dma_start3A_53 : memref<632x64xbf16, #tpu.memory_space<vmem_shared>>) target(%dma_start3A_51 : memref<632x64xbf16, #tpu.memory_space<hbm>>) target_semaphore(%run_scoped3A : memref<!tpu.dma_semaphore, #tpu.memory_space<semaphore_mem>>)
      %dma_wait3A = arith.constant 0 : i32
      %dma_wait3A_54 = tpu.memref_slice %arg5[%arg0, %mul3A_49, %dma_wait3A] : memref<2x10112x64xbf16, #tpu.memory_space<hbm>> -> memref<1x632x64xbf16, #tpu.memory_space<hbm>>
      %dma_wait3A_55 = tpu.memref_squeeze %dma_wait3A_54 : memref<1x632x64xbf16, #tpu.memory_space<hbm>> -> memref<632x64xbf16, #tpu.memory_space<hbm>>
      %dma_wait3A_56 = arith.constant 0 : i32
      %dma_wait3A_57 = tpu.memref_slice %arg6[%mul3A_47, %dma_wait3A_56] : memref<10112x64xbf16, #tpu.memory_space<vmem_shared>> -> memref<632x64xbf16, #tpu.memory_space<vmem_shared>>
      tpu.wait_dma2 semaphore(%run_scoped3A : memref<!tpu.dma_semaphore, #tpu.memory_space<semaphore_mem>>) src(%dma_wait3A_57 : memref<632x64xbf16, #tpu.memory_space<vmem_shared>>) dst(%dma_wait3A_55 : memref<632x64xbf16, #tpu.memory_space<hbm>>)
      tpu.yield
    }) : () -> ()
    return
  }
}

module attributes {stable_mosaic.version = 14 : i64} {
  func.func @_pre0_body(%arg0: i32, %arg1: memref<2000x128xf32, #tpu.memory_space<vmem>>, %arg2: memref<128x64xf32, #tpu.memory_space<vmem>>, %arg3: memref<1x64xf32, #tpu.memory_space<vmem>>, %arg4: memref<2000x64xbf16, #tpu.memory_space<vmem>>) attributes {dimension_semantics = [#tpu.dimension_semantics<arbitrary>], iteration_bounds = array<i64: 5>, scalar_prefetch = 0 : i64, scratch_operands = 0 : i64, tpu.core_type = #tpu.core_type<tc>, window_params = [{transform_indices = @transform_0, window_bounds = array<i64: 2000, 128>}, {pipeline_mode = #tpu.pipeline_mode<synchronous>, transform_indices = @transform_1, window_bounds = array<i64: 128, 64>}, {pipeline_mode = #tpu.pipeline_mode<synchronous>, transform_indices = @transform_2, window_bounds = array<i64: 1, 64>}, {transform_indices = @transform_3, window_bounds = array<i64: 2000, 64>}]} {
    %get3A = arith.constant 0 : index
    %get3A_0 = arith.constant 0 : index
    %get3A_1 = vector.load %arg1[%get3A, %get3A_0] : memref<2000x128xf32, #tpu.memory_space<vmem>>, vector<2000x128xf32>
    %get3A_2 = arith.constant 0 : index
    %get3A_3 = arith.constant 0 : index
    %get3A_4 = vector.load %arg2[%get3A_2, %get3A_3] : memref<128x64xf32, #tpu.memory_space<vmem>>, vector<128x64xf32>
    %dot_general3A = arith.constant dense<0.000000e+00> : vector<2000x64xf32>
    %dot_general3A_5 = tpu.matmul %get3A_1, %get3A_4, %dot_general3A {dimension_numbers = #tpu.dot_dimension_numbers<[1], [0], [0], [1], [0, 0, 1, 1], [], []>, transpose_lhs_hint = false} : vector<2000x128xf32>, vector<128x64xf32>, vector<2000x64xf32> -> vector<2000x64xf32>
    %get3A_6 = arith.constant 0 : index
    %get3A_7 = arith.constant 0 : index
    %get3A_8 = vector.load %arg3[%get3A_6, %get3A_7] : memref<1x64xf32, #tpu.memory_space<vmem>>, vector<1x64xf32>
    %add3A = vector.broadcast %get3A_8 : vector<1x64xf32> to vector<2000x64xf32>
    %add3A_9 = arith.addf %dot_general3A_5, %add3A : vector<2000x64xf32>
    %convert_element_type3A = arith.truncf %add3A_9 : vector<2000x64xf32> to vector<2000x64xbf16>
    %swap3A = arith.constant 0 : index
    %swap3A_10 = arith.constant 0 : index
    %swap3A_11 = vector.load %arg4[%swap3A, %swap3A_10] : memref<2000x64xbf16, #tpu.memory_space<vmem>>, vector<2000x64xbf16>
    tpu.vector_store %arg4[%swap3A, %swap3A_10], %convert_element_type3A {strides = array<i32>} : memref<2000x64xbf16, #tpu.memory_space<vmem>>, vector<2000x64xbf16>,
    return
  }
  func.func @transform_0(%arg0: i32) -> (i32, i32) {
    %c0_i32 = arith.constant 0 : i32
    %c0_i32_0 = arith.constant 0 : i32
    return %arg0, %c0_i32 : i32, i32
  }
  func.func @transform_1(%arg0: i32) -> (i32, i32) {
    %c0_i32 = arith.constant 0 : i32
    %c0_i32_0 = arith.constant 0 : i32
    %c0_i32_1 = arith.constant 0 : i32
    return %c0_i32, %c0_i32_0 : i32, i32
  }
  func.func @transform_2(%arg0: i32) -> (i32, i32) {
    %c0_i32 = arith.constant 0 : i32
    %c0_i32_0 = arith.constant 0 : i32
    %c0_i32_1 = arith.constant 0 : i32
    return %c0_i32, %c0_i32_0 : i32, i32
  }
  func.func @transform_3(%arg0: i32) -> (i32, i32) {
    %c0_i32 = arith.constant 0 : i32
    %c0_i32_0 = arith.constant 0 : i32
    return %arg0, %c0_i32 : i32, i32
  }
}

module attributes {stable_mosaic.version = 14 : i64} {
  func.func @_mid_body(%arg0: i32, %arg1: memref<2000x128xf32, #tpu.memory_space<vmem>>, %arg2: memref<2x2000x64xbf16, #tpu.memory_space<vmem>>, %arg3: memref<2x2000x16xf32, #tpu.memory_space<vmem>>, %arg4: memref<128x128xf32, #tpu.memory_space<vmem>>, %arg5: memref<64x128xf32, #tpu.memory_space<vmem>>, %arg6: memref<16x128xf32, #tpu.memory_space<vmem>>, %arg7: memref<1x128xf32, #tpu.memory_space<vmem>>, %arg8: memref<128x64xf32, #tpu.memory_space<vmem>>, %arg9: memref<1x64xf32, #tpu.memory_space<vmem>>, %arg10: memref<2000x128xf32, #tpu.memory_space<vmem>>, %arg11: memref<2000x64xbf16, #tpu.memory_space<vmem>>) attributes {dimension_semantics = [#tpu.dimension_semantics<arbitrary>], iteration_bounds = array<i64: 5>, scalar_prefetch = 0 : i64, scratch_operands = 0 : i64, tpu.core_type = #tpu.core_type<tc>, window_params = [{transform_indices = @transform_0, window_bounds = array<i64: 2000, 128>}, {transform_indices = @transform_1, window_bounds = array<i64: 2, 2000, 64>}, {transform_indices = @transform_2, window_bounds = array<i64: 2, 2000, 16>}, {pipeline_mode = #tpu.pipeline_mode<synchronous>, transform_indices = @transform_3, window_bounds = array<i64: 128, 128>}, {pipeline_mode = #tpu.pipeline_mode<synchronous>, transform_indices = @transform_4, window_bounds = array<i64: 64, 128>}, {pipeline_mode = #tpu.pipeline_mode<synchronous>, transform_indices = @transform_5, window_bounds = array<i64: 16, 128>}, {pipeline_mode = #tpu.pipeline_mode<synchronous>, transform_indices = @transform_6, window_bounds = array<i64: 1, 128>}, {pipeline_mode = #tpu.pipeline_mode<synchronous>, transform_indices = @transform_7, window_bounds = array<i64: 128, 64>}, {pipeline_mode = #tpu.pipeline_mode<synchronous>, transform_indices = @transform_8, window_bounds = array<i64: 1, 64>}, {transform_indices = @transform_9, window_bounds = array<i64: 2000, 128>}, {transform_indices = @transform_10, window_bounds = array<i64: 2000, 64>}]} {
    %get3A = arith.constant 0 : index
    %get3A_0 = arith.constant 0 : index
    %get3A_1 = arith.constant 0 : index
    %get3A_2 = vector.load %arg2[%get3A, %get3A_0, %get3A_1] : memref<2x2000x64xbf16, #tpu.memory_space<vmem>>, vector<1x2000x64xbf16>
    %get3A_3 = vector.shape_cast %get3A_2 : vector<1x2000x64xbf16> to vector<2000x64xbf16>
    %convert_element_type3A = arith.extf %get3A_3 : vector<2000x64xbf16> to vector<2000x64xf32>
    %get3A_4 = arith.constant 1 : index
    %get3A_5 = arith.constant 0 : index
    %get3A_6 = arith.constant 0 : index
    %get3A_7 = vector.load %arg2[%get3A_4, %get3A_5, %get3A_6] : memref<2x2000x64xbf16, #tpu.memory_space<vmem>>, vector<1x2000x64xbf16>
    %get3A_8 = vector.shape_cast %get3A_7 : vector<1x2000x64xbf16> to vector<2000x64xbf16>
    %convert_element_type3A_9 = arith.extf %get3A_8 : vector<2000x64xbf16> to vector<2000x64xf32>
    %add3A = arith.addf %convert_element_type3A, %convert_element_type3A_9 : vector<2000x64xf32>
    %get3A_10 = arith.constant 0 : index
    %get3A_11 = arith.constant 0 : index
    %get3A_12 = arith.constant 0 : index
    %get3A_13 = vector.load %arg3[%get3A_10, %get3A_11, %get3A_12] : memref<2x2000x16xf32, #tpu.memory_space<vmem>>, vector<1x2000x16xf32>
    %get3A_14 = vector.shape_cast %get3A_13 : vector<1x2000x16xf32> to vector<2000x16xf32>
    %get3A_15 = arith.constant 1 : index
    %get3A_16 = arith.constant 0 : index
    %get3A_17 = arith.constant 0 : index
    %get3A_18 = vector.load %arg3[%get3A_15, %get3A_16, %get3A_17] : memref<2x2000x16xf32, #tpu.memory_space<vmem>>, vector<1x2000x16xf32>
    %get3A_19 = vector.shape_cast %get3A_18 : vector<1x2000x16xf32> to vector<2000x16xf32>
    %add3A_20 = arith.addf %get3A_14, %get3A_19 : vector<2000x16xf32>
    %get3A_21 = arith.constant 0 : index
    %get3A_22 = arith.constant 0 : index
    %get3A_23 = vector.load %arg1[%get3A_21, %get3A_22] : memref<2000x128xf32, #tpu.memory_space<vmem>>, vector<2000x128xf32>
    %get3A_24 = arith.constant 0 : index
    %get3A_25 = arith.constant 0 : index
    %get3A_26 = vector.load %arg4[%get3A_24, %get3A_25] : memref<128x128xf32, #tpu.memory_space<vmem>>, vector<128x128xf32>
    %dot_general3A = arith.constant dense<0.000000e+00> : vector<2000x128xf32>
    %dot_general3A_27 = tpu.matmul %get3A_23, %get3A_26, %dot_general3A {dimension_numbers = #tpu.dot_dimension_numbers<[1], [0], [0], [1], [0, 0, 1, 1], [], []>, transpose_lhs_hint = false} : vector<2000x128xf32>, vector<128x128xf32>, vector<2000x128xf32> -> vector<2000x128xf32>
    %get3A_28 = arith.constant 0 : index
    %get3A_29 = arith.constant 0 : index
    %get3A_30 = vector.load %arg5[%get3A_28, %get3A_29] : memref<64x128xf32, #tpu.memory_space<vmem>>, vector<64x128xf32>
    %dot_general3A_31 = arith.constant dense<0.000000e+00> : vector<2000x128xf32>
    %dot_general3A_32 = tpu.matmul %add3A, %get3A_30, %dot_general3A_31 {dimension_numbers = #tpu.dot_dimension_numbers<[1], [0], [0], [1], [0, 0, 1, 1], [], []>, transpose_lhs_hint = false} : vector<2000x64xf32>, vector<64x128xf32>, vector<2000x128xf32> -> vector<2000x128xf32>
    %add3A_33 = arith.addf %dot_general3A_27, %dot_general3A_32 : vector<2000x128xf32>
    %get3A_34 = arith.constant 0 : index
    %get3A_35 = arith.constant 0 : index
    %get3A_36 = vector.load %arg6[%get3A_34, %get3A_35] : memref<16x128xf32, #tpu.memory_space<vmem>>, vector<16x128xf32>
    %dot_general3A_37 = arith.constant dense<0.000000e+00> : vector<2000x128xf32>
    %dot_general3A_38 = tpu.matmul %add3A_20, %get3A_36, %dot_general3A_37 {dimension_numbers = #tpu.dot_dimension_numbers<[1], [0], [0], [1], [0, 0, 1, 1], [], []>, transpose_lhs_hint = false} : vector<2000x16xf32>, vector<16x128xf32>, vector<2000x128xf32> -> vector<2000x128xf32>
    %add3A_39 = arith.addf %add3A_33, %dot_general3A_38 : vector<2000x128xf32>
    %get3A_40 = arith.constant 0 : index
    %get3A_41 = arith.constant 0 : index
    %get3A_42 = vector.load %arg7[%get3A_40, %get3A_41] : memref<1x128xf32, #tpu.memory_space<vmem>>, vector<1x128xf32>
    %add3A_43 = vector.broadcast %get3A_42 : vector<1x128xf32> to vector<2000x128xf32>
    %add3A_44 = arith.addf %add3A_39, %add3A_43 : vector<2000x128xf32>
    %gt3A = arith.constant 0.000000e+00 : f32
    %gt3A_45 = vector.broadcast %gt3A : f32 to vector<2000x128xf32>
    %gt3A_46 = arith.cmpf ogt, %add3A_44, %gt3A_45 : vector<2000x128xf32>
    %exp3A = math.exp %add3A_44 : vector<2000x128xf32>
    %sub3A = arith.constant 1.000000e+00 : f32
    %sub3A_47 = vector.broadcast %sub3A : f32 to vector<2000x128xf32>
    %sub3A_48 = arith.subf %exp3A, %sub3A_47 : vector<2000x128xf32>
    %mul3A = arith.constant 1.67326319 : f32
    %mul3A_49 = vector.broadcast %mul3A : f32 to vector<2000x128xf32>
    %mul3A_50 = arith.mulf %mul3A_49, %sub3A_48 : vector<2000x128xf32>
    %select_n3A = arith.select %gt3A_46, %add3A_44, %mul3A_50 : vector<2000x128xi1>, vector<2000x128xf32>
    %mul3A_51 = arith.constant 1.05070102 : f32
    %mul3A_52 = vector.broadcast %mul3A_51 : f32 to vector<2000x128xf32>
    %mul3A_53 = arith.mulf %mul3A_52, %select_n3A : vector<2000x128xf32>
    %swap3A = arith.constant 0 : index
    %swap3A_54 = arith.constant 0 : index
    %swap3A_55 = vector.load %arg10[%swap3A, %swap3A_54] : memref<2000x128xf32, #tpu.memory_space<vmem>>, vector<2000x128xf32>
    tpu.vector_store %arg10[%swap3A, %swap3A_54], %mul3A_53 {strides = array<i32>} : memref<2000x128xf32, #tpu.memory_space<vmem>>, vector<2000x128xf32>,
    %get3A_56 = arith.constant 0 : index
    %get3A_57 = arith.constant 0 : index
    %get3A_58 = vector.load %arg8[%get3A_56, %get3A_57] : memref<128x64xf32, #tpu.memory_space<vmem>>, vector<128x64xf32>
    %dot_general3A_59 = arith.constant dense<0.000000e+00> : vector<2000x64xf32>
    %dot_general3A_60 = tpu.matmul %mul3A_53, %get3A_58, %dot_general3A_59 {dimension_numbers = #tpu.dot_dimension_numbers<[1], [0], [0], [1], [0, 0, 1, 1], [], []>, transpose_lhs_hint = false} : vector<2000x128xf32>, vector<128x64xf32>, vector<2000x64xf32> -> vector<2000x64xf32>
    %get3A_61 = arith.constant 0 : index
    %get3A_62 = arith.constant 0 : index
    %get3A_63 = vector.load %arg9[%get3A_61, %get3A_62] : memref<1x64xf32, #tpu.memory_space<vmem>>, vector<1x64xf32>
    %add3A_64 = vector.broadcast %get3A_63 : vector<1x64xf32> to vector<2000x64xf32>
    %add3A_65 = arith.addf %dot_general3A_60, %add3A_64 : vector<2000x64xf32>
    %convert_element_type3A_66 = arith.truncf %add3A_65 : vector<2000x64xf32> to vector<2000x64xbf16>
    %swap3A_67 = arith.constant 0 : index
    %swap3A_68 = arith.constant 0 : index
    %swap3A_69 = vector.load %arg11[%swap3A_67, %swap3A_68] : memref<2000x64xbf16, #tpu.memory_space<vmem>>, vector<2000x64xbf16>
    tpu.vector_store %arg11[%swap3A_67, %swap3A_68], %convert_element_type3A_66 {strides = array<i32>} : memref<2000x64xbf16, #tpu.memory_space<vmem>>, vector<2000x64xbf16>,
    return
  }
  func.func @transform_0(%arg0: i32) -> (i32, i32) {
    %c0_i32 = arith.constant 0 : i32
    %c0_i32_0 = arith.constant 0 : i32
    return %arg0, %c0_i32 : i32, i32
  }
  func.func @transform_1(%arg0: i32) -> (i32, i32, i32) {
    %c0_i32 = arith.constant 0 : i32
    %c0_i32_0 = arith.constant 0 : i32
    %c0_i32_1 = arith.constant 0 : i32
    return %c0_i32, %arg0, %c0_i32_0 : i32, i32, i32
  }
  func.func @transform_2(%arg0: i32) -> (i32, i32, i32) {
    %c0_i32 = arith.constant 0 : i32
    %c0_i32_0 = arith.constant 0 : i32
    %c0_i32_1 = arith.constant 0 : i32
    return %c0_i32, %arg0, %c0_i32_0 : i32, i32, i32
  }
  func.func @transform_3(%arg0: i32) -> (i32, i32) {
    %c0_i32 = arith.constant 0 : i32
    %c0_i32_0 = arith.constant 0 : i32
    %c0_i32_1 = arith.constant 0 : i32
    return %c0_i32, %c0_i32_0 : i32, i32
  }
  func.func @transform_4(%arg0: i32) -> (i32, i32) {
    %c0_i32 = arith.constant 0 : i32
    %c0_i32_0 = arith.constant 0 : i32
    %c0_i32_1 = arith.constant 0 : i32
    return %c0_i32, %c0_i32_0 : i32, i32
  }
  func.func @transform_5(%arg0: i32) -> (i32, i32) {
    %c0_i32 = arith.constant 0 : i32
    %c0_i32_0 = arith.constant 0 : i32
    %c0_i32_1 = arith.constant 0 : i32
    return %c0_i32, %c0_i32_0 : i32, i32
  }
  func.func @transform_6(%arg0: i32) -> (i32, i32) {
    %c0_i32 = arith.constant 0 : i32
    %c0_i32_0 = arith.constant 0 : i32
    %c0_i32_1 = arith.constant 0 : i32
    return %c0_i32, %c0_i32_0 : i32, i32
  }
  func.func @transform_7(%arg0: i32) -> (i32, i32) {
    %c0_i32 = arith.constant 0 : i32
    %c0_i32_0 = arith.constant 0 : i32
    %c0_i32_1 = arith.constant 0 : i32
    return %c0_i32, %c0_i32_0 : i32, i32
  }
  func.func @transform_8(%arg0: i32) -> (i32, i32) {
    %c0_i32 = arith.constant 0 : i32
    %c0_i32_0 = arith.constant 0 : i32
    %c0_i32_1 = arith.constant 0 : i32
    return %c0_i32, %c0_i32_0 : i32, i32
  }
  func.func @transform_9(%arg0: i32) -> (i32, i32) {
    %c0_i32 = arith.constant 0 : i32
    %c0_i32_0 = arith.constant 0 : i32
    return %arg0, %c0_i32 : i32, i32
  }
  func.func @transform_10(%arg0: i32) -> (i32, i32) {
    %c0_i32 = arith.constant 0 : i32
    %c0_i32_0 = arith.constant 0 : i32
    return %arg0, %c0_i32 : i32, i32
  }
}

module attributes {stable_mosaic.version = 14 : i64} {
  func.func @_final_body(%arg0: i32, %arg1: memref<2000x128xf32, #tpu.memory_space<vmem>>, %arg2: memref<2x2000x64xbf16, #tpu.memory_space<vmem>>, %arg3: memref<2x2000x16xf32, #tpu.memory_space<vmem>>, %arg4: memref<2000x128xf32, #tpu.memory_space<vmem>>, %arg5: memref<128x128xf32, #tpu.memory_space<vmem>>, %arg6: memref<64x128xf32, #tpu.memory_space<vmem>>, %arg7: memref<16x128xf32, #tpu.memory_space<vmem>>, %arg8: memref<1x128xf32, #tpu.memory_space<vmem>>, %arg9: memref<128x80xf32, #tpu.memory_space<vmem>>, %arg10: memref<128x80xf32, #tpu.memory_space<vmem>>, %arg11: memref<1x80xf32, #tpu.memory_space<vmem>>, %arg12: memref<1x80xf32, #tpu.memory_space<vmem>>) attributes {dimension_semantics = [#tpu.dimension_semantics<arbitrary>], iteration_bounds = array<i64: 5>, scalar_prefetch = 0 : i64, scratch_operands = 0 : i64, tpu.core_type = #tpu.core_type<tc>, window_params = [{transform_indices = @transform_0, window_bounds = array<i64: 2000, 128>}, {transform_indices = @transform_1, window_bounds = array<i64: 2, 2000, 64>}, {transform_indices = @transform_2, window_bounds = array<i64: 2, 2000, 16>}, {transform_indices = @transform_3, window_bounds = array<i64: 2000, 128>}, {pipeline_mode = #tpu.pipeline_mode<synchronous>, transform_indices = @transform_4, window_bounds = array<i64: 128, 128>}, {pipeline_mode = #tpu.pipeline_mode<synchronous>, transform_indices = @transform_5, window_bounds = array<i64: 64, 128>}, {pipeline_mode = #tpu.pipeline_mode<synchronous>, transform_indices = @transform_6, window_bounds = array<i64: 16, 128>}, {pipeline_mode = #tpu.pipeline_mode<synchronous>, transform_indices = @transform_7, window_bounds = array<i64: 1, 128>}, {pipeline_mode = #tpu.pipeline_mode<synchronous>, transform_indices = @transform_8, window_bounds = array<i64: 128, 80>}, {pipeline_mode = #tpu.pipeline_mode<synchronous>, transform_indices = @transform_9, window_bounds = array<i64: 128, 80>}, {pipeline_mode = #tpu.pipeline_mode<synchronous>, transform_indices = @transform_10, window_bounds = array<i64: 1, 80>}, {pipeline_mode = #tpu.pipeline_mode<synchronous>, transform_indices = @transform_11, window_bounds = array<i64: 1, 80>}]} {
    %get3A = arith.constant 0 : index
    %get3A_0 = arith.constant 0 : index
    %get3A_1 = arith.constant 0 : index
    %get3A_2 = vector.load %arg2[%get3A, %get3A_0, %get3A_1] : memref<2x2000x64xbf16, #tpu.memory_space<vmem>>, vector<1x2000x64xbf16>
    %get3A_3 = vector.shape_cast %get3A_2 : vector<1x2000x64xbf16> to vector<2000x64xbf16>
    %convert_element_type3A = arith.extf %get3A_3 : vector<2000x64xbf16> to vector<2000x64xf32>
    %get3A_4 = arith.constant 1 : index
    %get3A_5 = arith.constant 0 : index
    %get3A_6 = arith.constant 0 : index
    %get3A_7 = vector.load %arg2[%get3A_4, %get3A_5, %get3A_6] : memref<2x2000x64xbf16, #tpu.memory_space<vmem>>, vector<1x2000x64xbf16>
    %get3A_8 = vector.shape_cast %get3A_7 : vector<1x2000x64xbf16> to vector<2000x64xbf16>
    %convert_element_type3A_9 = arith.extf %get3A_8 : vector<2000x64xbf16> to vector<2000x64xf32>
    %add3A = arith.addf %convert_element_type3A, %convert_element_type3A_9 : vector<2000x64xf32>
    %get3A_10 = arith.constant 0 : index
    %get3A_11 = arith.constant 0 : index
    %get3A_12 = arith.constant 0 : index
    %get3A_13 = vector.load %arg3[%get3A_10, %get3A_11, %get3A_12] : memref<2x2000x16xf32, #tpu.memory_space<vmem>>, vector<1x2000x16xf32>
    %get3A_14 = vector.shape_cast %get3A_13 : vector<1x2000x16xf32> to vector<2000x16xf32>
    %get3A_15 = arith.constant 1 : index
    %get3A_16 = arith.constant 0 : index
    %get3A_17 = arith.constant 0 : index
    %get3A_18 = vector.load %arg3[%get3A_15, %get3A_16, %get3A_17] : memref<2x2000x16xf32, #tpu.memory_space<vmem>>, vector<1x2000x16xf32>
    %get3A_19 = vector.shape_cast %get3A_18 : vector<1x2000x16xf32> to vector<2000x16xf32>
    %add3A_20 = arith.addf %get3A_14, %get3A_19 : vector<2000x16xf32>
    %get3A_21 = arith.constant 0 : index
    %get3A_22 = arith.constant 0 : index
    %get3A_23 = vector.load %arg1[%get3A_21, %get3A_22] : memref<2000x128xf32, #tpu.memory_space<vmem>>, vector<2000x128xf32>
    %get3A_24 = arith.constant 0 : index
    %get3A_25 = arith.constant 0 : index
    %get3A_26 = vector.load %arg5[%get3A_24, %get3A_25] : memref<128x128xf32, #tpu.memory_space<vmem>>, vector<128x128xf32>
    %dot_general3A = arith.constant dense<0.000000e+00> : vector<2000x128xf32>
    %dot_general3A_27 = tpu.matmul %get3A_23, %get3A_26, %dot_general3A {dimension_numbers = #tpu.dot_dimension_numbers<[1], [0], [0], [1], [0, 0, 1, 1], [], []>, transpose_lhs_hint = false} : vector<2000x128xf32>, vector<128x128xf32>, vector<2000x128xf32> -> vector<2000x128xf32>
    %get3A_28 = arith.constant 0 : index
    %get3A_29 = arith.constant 0 : index
    %get3A_30 = vector.load %arg6[%get3A_28, %get3A_29] : memref<64x128xf32, #tpu.memory_space<vmem>>, vector<64x128xf32>
    %dot_general3A_31 = arith.constant dense<0.000000e+00> : vector<2000x128xf32>
    %dot_general3A_32 = tpu.matmul %add3A, %get3A_30, %dot_general3A_31 {dimension_numbers = #tpu.dot_dimension_numbers<[1], [0], [0], [1], [0, 0, 1, 1], [], []>, transpose_lhs_hint = false} : vector<2000x64xf32>, vector<64x128xf32>, vector<2000x128xf32> -> vector<2000x128xf32>
    %add3A_33 = arith.addf %dot_general3A_27, %dot_general3A_32 : vector<2000x128xf32>
    %get3A_34 = arith.constant 0 : index
    %get3A_35 = arith.constant 0 : index
    %get3A_36 = vector.load %arg7[%get3A_34, %get3A_35] : memref<16x128xf32, #tpu.memory_space<vmem>>, vector<16x128xf32>
    %dot_general3A_37 = arith.constant dense<0.000000e+00> : vector<2000x128xf32>
    %dot_general3A_38 = tpu.matmul %add3A_20, %get3A_36, %dot_general3A_37 {dimension_numbers = #tpu.dot_dimension_numbers<[1], [0], [0], [1], [0, 0, 1, 1], [], []>, transpose_lhs_hint = false} : vector<2000x16xf32>, vector<16x128xf32>, vector<2000x128xf32> -> vector<2000x128xf32>
    %add3A_39 = arith.addf %add3A_33, %dot_general3A_38 : vector<2000x128xf32>
    %get3A_40 = arith.constant 0 : index
    %get3A_41 = arith.constant 0 : index
    %get3A_42 = vector.load %arg8[%get3A_40, %get3A_41] : memref<1x128xf32, #tpu.memory_space<vmem>>, vector<1x128xf32>
    %add3A_43 = vector.broadcast %get3A_42 : vector<1x128xf32> to vector<2000x128xf32>
    %add3A_44 = arith.addf %add3A_39, %add3A_43 : vector<2000x128xf32>
    %gt3A = arith.constant 0.000000e+00 : f32
    %gt3A_45 = vector.broadcast %gt3A : f32 to vector<2000x128xf32>
    %gt3A_46 = arith.cmpf ogt, %add3A_44, %gt3A_45 : vector<2000x128xf32>
    %exp3A = math.exp %add3A_44 : vector<2000x128xf32>
    %sub3A = arith.constant 1.000000e+00 : f32
    %sub3A_47 = vector.broadcast %sub3A : f32 to vector<2000x128xf32>
    %sub3A_48 = arith.subf %exp3A, %sub3A_47 : vector<2000x128xf32>
    %mul3A = arith.constant 1.67326319 : f32
    %mul3A_49 = vector.broadcast %mul3A : f32 to vector<2000x128xf32>
    %mul3A_50 = arith.mulf %mul3A_49, %sub3A_48 : vector<2000x128xf32>
    %select_n3A = arith.select %gt3A_46, %add3A_44, %mul3A_50 : vector<2000x128xi1>, vector<2000x128xf32>
    %mul3A_51 = arith.constant 1.05070102 : f32
    %mul3A_52 = vector.broadcast %mul3A_51 : f32 to vector<2000x128xf32>
    %mul3A_53 = arith.mulf %mul3A_52, %select_n3A : vector<2000x128xf32>
    %get3A_54 = arith.constant 0 : index
    %get3A_55 = arith.constant 0 : index
    %get3A_56 = vector.load %arg9[%get3A_54, %get3A_55] : memref<128x80xf32, #tpu.memory_space<vmem>>, vector<128x80xf32>
    %dot_general3A_57 = arith.constant dense<0.000000e+00> : vector<2000x80xf32>
    %dot_general3A_58 = tpu.matmul %mul3A_53, %get3A_56, %dot_general3A_57 {dimension_numbers = #tpu.dot_dimension_numbers<[1], [0], [0], [1], [0, 0, 1, 1], [], []>, transpose_lhs_hint = false} : vector<2000x128xf32>, vector<128x80xf32>, vector<2000x80xf32> -> vector<2000x80xf32>
    %get3A_59 = arith.constant 0 : index
    %get3A_60 = arith.constant 0 : index
    %get3A_61 = vector.load %arg4[%get3A_59, %get3A_60] : memref<2000x128xf32, #tpu.memory_space<vmem>>, vector<2000x128xf32>
    %get3A_62 = arith.constant 0 : index
    %get3A_63 = arith.constant 0 : index
    %get3A_64 = vector.load %arg10[%get3A_62, %get3A_63] : memref<128x80xf32, #tpu.memory_space<vmem>>, vector<128x80xf32>
    %dot_general3A_65 = arith.constant dense<0.000000e+00> : vector<2000x80xf32>
    %dot_general3A_66 = tpu.matmul %get3A_61, %get3A_64, %dot_general3A_65 {dimension_numbers = #tpu.dot_dimension_numbers<[1], [0], [0], [1], [0, 0, 1, 1], [], []>, transpose_lhs_hint = false} : vector<2000x128xf32>, vector<128x80xf32>, vector<2000x80xf32> -> vector<2000x80xf32>
    %add3A_67 = arith.addf %dot_general3A_58, %dot_general3A_66 : vector<2000x80xf32>
    %get3A_68 = arith.constant 0 : index
    %get3A_69 = arith.constant 0 : index
    %get3A_70 = vector.load %arg11[%get3A_68, %get3A_69] : memref<1x80xf32, #tpu.memory_space<vmem>>, vector<1x80xf32>
    %add3A_71 = vector.broadcast %get3A_70 : vector<1x80xf32> to vector<2000x80xf32>
    %add3A_72 = arith.addf %add3A_67, %add3A_71 : vector<2000x80xf32>
    %gt3A_73 = arith.constant 0.000000e+00 : f32
    %gt3A_74 = vector.broadcast %gt3A_73 : f32 to vector<2000x80xf32>
    %gt3A_75 = arith.cmpf ogt, %add3A_72, %gt3A_74 : vector<2000x80xf32>
    %exp3A_76 = math.exp %add3A_72 : vector<2000x80xf32>
    %sub3A_77 = arith.constant 1.000000e+00 : f32
    %sub3A_78 = vector.broadcast %sub3A_77 : f32 to vector<2000x80xf32>
    %sub3A_79 = arith.subf %exp3A_76, %sub3A_78 : vector<2000x80xf32>
    %mul3A_80 = arith.constant 1.67326319 : f32
    %mul3A_81 = vector.broadcast %mul3A_80 : f32 to vector<2000x80xf32>
    %mul3A_82 = arith.mulf %mul3A_81, %sub3A_79 : vector<2000x80xf32>
    %select_n3A_83 = arith.select %gt3A_75, %add3A_72, %mul3A_82 : vector<2000x80xi1>, vector<2000x80xf32>
    %mul3A_84 = arith.constant 1.05070102 : f32
    %mul3A_85 = vector.broadcast %mul3A_84 : f32 to vector<2000x80xf32>
    %mul3A_86 = arith.mulf %mul3A_85, %select_n3A_83 : vector<2000x80xf32>
    %eq3A = arith.constant 0 : i32
    %eq3A_87 = arith.cmpi eq, %arg0, %eq3A : i32
    %convert_element_type3A_88 = arith.extui %eq3A_87 : i1 to i32
    %cond3A = arith.constant 0 : i32
    %cond3A_89 = arith.cmpi ne, %convert_element_type3A_88, %cond3A : i32
    scf.if %cond3A_89 {
      %broadcast_in_dim3A_97 = arith.constant 0.000000e+00 : f32
      %broadcast_in_dim3A_98 = vector.broadcast %broadcast_in_dim3A_97 : f32 to vector<1x80xf32>
      %swap3A_99 = arith.constant 0 : index
      %swap3A_100 = arith.constant 0 : index
      %swap3A_101 = vector.load %arg12[%swap3A_99, %swap3A_100] : memref<1x80xf32, #tpu.memory_space<vmem>>, vector<1x80xf32>
      tpu.vector_store %arg12[%swap3A_99, %swap3A_100], %broadcast_in_dim3A_98 {strides = array<i32>} : memref<1x80xf32, #tpu.memory_space<vmem>>, vector<1x80xf32>,
    } else {
    }
    %get3A_90 = arith.constant 0 : index
    %get3A_91 = arith.constant 0 : index
    %get3A_92 = vector.load %arg12[%get3A_90, %get3A_91] : memref<1x80xf32, #tpu.memory_space<vmem>>, vector<1x80xf32>
    %reduce_sum3A = arith.constant dense<0.000000e+00> : vector<80xf32>
    %reduce_sum3A_93 = vector.multi_reduction <add>, %mul3A_86, %reduce_sum3A [0] : vector<2000x80xf32> to vector<80xf32>
    %broadcast_in_dim3A = vector.shape_cast %reduce_sum3A_93 : vector<80xf32> to vector<1x80xf32>
    %add3A_94 = arith.addf %get3A_92, %broadcast_in_dim3A : vector<1x80xf32>
    %swap3A = arith.constant 0 : index
    %swap3A_95 = arith.constant 0 : index
    %swap3A_96 = vector.load %arg12[%swap3A, %swap3A_95] : memref<1x80xf32, #tpu.memory_space<vmem>>, vector<1x80xf32>
    tpu.vector_store %arg12[%swap3A, %swap3A_95], %add3A_94 {strides = array<i32>} : memref<1x80xf32, #tpu.memory_space<vmem>>, vector<1x80xf32>,
    return
  }
  func.func @transform_0(%arg0: i32) -> (i32, i32) {
    %c0_i32 = arith.constant 0 : i32
    %c0_i32_0 = arith.constant 0 : i32
    return %arg0, %c0_i32 : i32, i32
  }
  func.func @transform_1(%arg0: i32) -> (i32, i32, i32) {
    %c0_i32 = arith.constant 0 : i32
    %c0_i32_0 = arith.constant 0 : i32
    %c0_i32_1 = arith.constant 0 : i32
    return %c0_i32, %arg0, %c0_i32_0 : i32, i32, i32
  }
  func.func @transform_2(%arg0: i32) -> (i32, i32, i32) {
    %c0_i32 = arith.constant 0 : i32
    %c0_i32_0 = arith.constant 0 : i32
    %c0_i32_1 = arith.constant 0 : i32
    return %c0_i32, %arg0, %c0_i32_0 : i32, i32, i32
  }
  func.func @transform_3(%arg0: i32) -> (i32, i32) {
    %c0_i32 = arith.constant 0 : i32
    %c0_i32_0 = arith.constant 0 : i32
    return %arg0, %c0_i32 : i32, i32
  }
  func.func @transform_4(%arg0: i32) -> (i32, i32) {
    %c0_i32 = arith.constant 0 : i32
    %c0_i32_0 = arith.constant 0 : i32
    %c0_i32_1 = arith.constant 0 : i32
    return %c0_i32, %c0_i32_0 : i32, i32
  }
  func.func @transform_5(%arg0: i32) -> (i32, i32) {
    %c0_i32 = arith.constant 0 : i32
    %c0_i32_0 = arith.constant 0 : i32
    %c0_i32_1 = arith.constant 0 : i32
    return %c0_i32, %c0_i32_0 : i32, i32
  }
  func.func @transform_6(%arg0: i32) -> (i32, i32) {
    %c0_i32 = arith.constant 0 : i32
    %c0_i32_0 = arith.constant 0 : i32
    %c0_i32_1 = arith.constant 0 : i32
    return %c0_i32, %c0_i32_0 : i32, i32
  }
  func.func @transform_7(%arg0: i32) -> (i32, i32) {
    %c0_i32 = arith.constant 0 : i32
    %c0_i32_0 = arith.constant 0 : i32
    %c0_i32_1 = arith.constant 0 : i32
    return %c0_i32, %c0_i32_0 : i32, i32
  }
  func.func @transform_8(%arg0: i32) -> (i32, i32) {
    %c0_i32 = arith.constant 0 : i32
    %c0_i32_0 = arith.constant 0 : i32
    %c0_i32_1 = arith.constant 0 : i32
    return %c0_i32, %c0_i32_0 : i32, i32
  }
  func.func @transform_9(%arg0: i32) -> (i32, i32) {
    %c0_i32 = arith.constant 0 : i32
    %c0_i32_0 = arith.constant 0 : i32
    %c0_i32_1 = arith.constant 0 : i32
    return %c0_i32, %c0_i32_0 : i32, i32
  }
  func.func @transform_10(%arg0: i32) -> (i32, i32) {
    %c0_i32 = arith.constant 0 : i32
    %c0_i32_0 = arith.constant 0 : i32
    %c0_i32_1 = arith.constant 0 : i32
    return %c0_i32, %c0_i32_0 : i32, i32
  }
  func.func @transform_11(%arg0: i32) -> (i32, i32) {
    %c0_i32 = arith.constant 0 : i32
    %c0_i32_0 = arith.constant 0 : i32
    %c0_i32_1 = arith.constant 0 : i32
    return %c0_i32, %c0_i32_0 : i32, i32
  }
}

</mosaic_0001>

<sc_bundles>
// kernel: kernel.10.cloned.1.call-start
scs
__scs_entry_jumppad:
0x0: {  	(pc) =	sbr.rel $0x88, $3  }
0x1: {  	(tag) =	ssettag $0x0;
	lr =	simm.s32 $0x1  }
0x2: {  	[smem:$0x3F94] =	sst lr;
	_ =	strace $0xD0000000  }
0x3: {  	_ = 	snop  }
0x4: {  	_ = 	snop  }
0x5: {  	_ = 	snop  }
0x6: {  	_ = 	snop  }
0x7: {  	_ = 	snop  }
__scs_overlays_trampoline_lowered:
0x8: {  	[smem:$0x3FA3] =	sst s0  }
0x9: {  	[smem:$0x3FA4] =	sst s1  }
0xa: {  	[smem:$0x3FA5] =	sst s2  }
0xb: {  	[smem:$0x3FA6] =	sst s3  }
0xc: {  	[smem:$0x3FA7] =	sst s4  }
0xd: {  	[smem:$0x3FA8] =	sst s5  }
0xe: {  	[smem:$0x3FA9] =	sst s6  }
0xf: {  	[smem:$0x3FAA] =	sst s7  }
0x10: {  	[smem:$0x3FAB] =	sst s8  }
0x11: {  	[smem:$0x3FAC] =	sst s9;
	s0 =	simm.s32 @!p0 $0x0  }
0x12: {  	s1 =	sld [smem:$0x3F92];
	s0 =	simm.s32 @p0 $0x1  }
0x13: {  	[smem:$0x3FAD] =	sst s0;
	s0 =	simm.s32 @!p1 $0x0  }
0x14: {  	s2 =	sld [smem:$0x3F91];
	s0 =	simm.s32 @p1 $0x1  }
0x15: {  	[smem:$0x3FAE] =	sst s0;
	s0 =	simm.s32 @!p2 $0x0  }
0x16: {  	s3 =	sld [smem:$0x3FDB];
	s0 =	simm.s32 @p2 $0x1  }
0x17: {  	s4 =	simm.s32 $0x1BF5;
	[smem:$0x3FB0] =	sst s0  }
0x18: {  	s0 =	sld [smem:$0x3F93];
	_ =	swait.ge [sflag:s4], $0x0  }
0x19: {  	s7 =	sld [smem:$0x3F94]  }
0x1a: {  	s8 =	sadd.s32 $0xFFFFE003, lr  }
0x1b: {  	s9 =	sadd.s32 $0xFFFFFEF7, lr;
	s5 =	simm.s32 $0xFFFFFFFF;
	p2 =	slt.u32 s8, $0xFFFFF086  }
0x1c: {  	p1 =	slt.u32 s9, $0xF7A;
	s5 =	simm.s32 @!p2 $0x0  }
0x1d: {  	s5 =	simm.s32 @p1 $0x1;
	p0 =	seq.s32 s7, s2  }
0x1e: {  	s7 =	smul.u32 @!p0 $0xF7A, s2;
	p2 =	seq.s32 @!p0 s5, $0x0  }
0x1f: {  	s9 =	smul.u32 $0xF7A, s1;
	s8 =	simm.s32 @!p0 $0x1BF5;
	p2 =	por !p2, p0  }
0x20: {  	[sflag:s8] =	ssyncset.s32 @!p0 $0xFFFFF086;
	s6 =	sadd.s32 @!p0 s3, s7;
	s7 =	simm.s32 @!p0 $0x108  }
0x21: {  	s3 =	sadd.s32 s3, s9;
	s6 =	sadd.s32 @!p0 $0x88, s6;
	s7 =	simm.s32 @p2 $0x1082  }
0x22: {  	[simem:s7], [sflag:s8] =	dma.local @!p0 [hbm:s6], $0xF7A  }
0x23: {  	s9 =	sor.u32 $0xD0000000, s2;
	s6 =	simm.s32 $0x108;
	_ =	swait.ge @!p0 [sflag:s8], $0x0  }
0x24: {  	s3 =	sadd.s32 $0x88, s3;
	s6 =	simm.s32 @!p1 $0x1082;
	[sflag:s4] =	ssyncset.s32 $0xFFFFF086  }
0x25: {  	[simem:s6], [sflag:s4] =	dma.local [hbm:s3], $0xF7A  }
0x26: {  	[smem:$0x3F94] =	sst s1;
	(tag) =	ssettag s2;
	_ =	strace s9  }
0x27: {  	s1 =	sld [smem:$0x3FA4]  }
0x28: {  	s2 =	sld [smem:$0x3FA5]  }
0x29: {  	s4 =	sld [smem:$0x3FA7]  }
0x2a: {  	p0 =	seq.s32 s5, $0x0;
	s5 =	sld [smem:$0x3FA8]  }
0x2b: {  	s6 =	sld [smem:$0x3FA9]  }
0x2c: {  	s7 =	sld [smem:$0x3FAA]  }
0x2d: {  	s3 =	simm.s32 $0x108;
	s8 =	sld [smem:$0x3FAB]  }
0x2e: {  	s3 =	simm.s32 @!p0 $0x1082;
	s9 =	sld [smem:$0x3FAC]  }
0x2f: {  	lr =	sadd.s32 s0, s3;
	s0 =	sld [smem:$0x3FA3]  }
0x30: {  	s3 =	sld [smem:$0x3FA6]  }
0x31: {  	[smem:$0x3FAF] =	sst s10  }
0x32: {  	s10 =	sld [smem:$0x3FAD];
	_ =	sdelay $0x3  }
0x33: {  	p0 =	seq.s32 s10, $0x1;
	s10 =	sld [smem:$0x3FAF];
	_ =	sdelay $0x3  }
0x34: {  	[smem:$0x3FAF] =	sst s10  }
0x35: {  	s10 =	sld [smem:$0x3FAE];
	_ =	sdelay $0x3  }
0x36: {  	p1 =	seq.s32 s10, $0x1;
	s10 =	sld [smem:$0x3FAF];
	_ =	sdelay $0x3  }
0x37: {  	[smem:$0x3FAF] =	sst s10  }
0x38: {  	s10 =	sld [smem:$0x3FB0]  }
0x39: {  	_ = 	snop;
	(pc) =	sbr.ind lr, $3  }
0x3a: {  	_ = 	snop  }
0x3b: {  	_ = 	snop  }
0x3c: {  	p2 =	seq.s32 s10, $0x1;
	s10 =	sld [smem:$0x3FAF]  }
0x3d: {  	_ =	shalt  }
0x3e: {  	_ =	shalt  }
0x3f: {  	_ =	shalt  }
0x40: {  	_ =	shalt  }
0x41: {  	_ =	shalt  }
0x42: {  	_ =	shalt  }
0x43: {  	_ =	shalt  }
0x44: {  	_ =	shalt  }
0x45: {  	_ =	shalt  }
0x46: {  	_ =	shalt  }
0x47: {  	_ =	shalt  }
0x48: {  	_ =	shalt  }
0x49: {  	_ =	shalt  }
0x4a: {  	_ =	shalt  }
0x4b: {  	_ =	shalt  }
0x4c: {  	_ =	shalt  }
0x4d: {  	_ =	shalt  }
0x4e: {  	_ =	shalt  }
0x4f: {  	_ =	shalt  }
0x50: {  	_ =	shalt  }
0x51: {  	_ =	shalt  }
0x52: {  	_ =	shalt  }
0x53: {  	_ =	shalt  }
0x54: {  	_ =	shalt  }
0x55: {  	_ =	shalt  }
0x56: {  	_ =	shalt  }
0x57: {  	_ =	shalt  }
0x58: {  	_ =	shalt  }
0x59: {  	_ =	shalt  }
0x5a: {  	_ =	shalt  }
0x5b: {  	_ =	shalt  }
0x5c: {  	_ =	shalt  }
0x5d: {  	_ =	shalt  }
0x5e: {  	_ =	shalt  }
0x5f: {  	_ =	shalt  }
0x60: {  	_ =	shalt  }
0x61: {  	_ =	shalt  }
0x62: {  	_ =	shalt  }
0x63: {  	_ =	shalt  }
0x64: {  	_ =	shalt  }
0x65: {  	_ =	shalt  }
0x66: {  	_ =	shalt  }
0x67: {  	_ =	shalt  }
0x68: {  	_ =	shalt  }
0x69: {  	_ =	shalt  }
0x6a: {  	_ =	shalt  }
0x6b: {  	_ =	shalt  }
0x6c: {  	_ =	shalt  }
0x6d: {  	_ =	shalt  }
0x6e: {  	_ =	shalt  }
0x6f: {  	_ =	shalt  }
0x70: {  	_ =	shalt  }
0x71: {  	_ =	shalt  }
0x72: {  	_ =	shalt  }
0x73: {  	_ =	shalt  }
0x74: {  	_ =	shalt  }
0x75: {  	_ =	shalt  }
0x76: {  	_ =	shalt  }
0x77: {  	_ =	shalt  }
0x78: {  	_ =	shalt  }
0x79: {  	_ =	shalt  }
0x7a: {  	_ =	shalt  }
0x7b: {  	_ =	shalt  }
0x7c: {  	_ =	shalt  }
0x7d: {  	_ =	shalt  }
0x7e: {  	_ =	shalt  }
0x7f: {  	_ =	shalt  }
0x80: {  	_ =	shalt  }
0x81: {  	_ =	shalt  }
0x82: {  	_ =	shalt  }
0x83: {  	_ =	shalt  }
0x84: {  	_ =	shalt  }
0x85: {  	_ =	shalt  }
0x86: {  	_ =	shalt  }
0x87: {  	_ =	shalt  }
.Lfunc_end0:
.L_simem_size_0:
called_computation_lowered:
.L_overlay_start_0:
0x88: {  	s2 =	sld [smem:$0x3FD9]  }
0x89: {  	s3 =	sld [smem:$0x3FFE];
	_ =	sdelay $0x1  }
0x8a: {  	s1 =	srdreg.scid  }
0x8b: {  	s0 =	sand.u32 $0x1, s1  }
0x8c: {  	s17 =	sshll.u32 s0, $0xA;
	s2 =	sadd.s32 s3, s2  }
0x8d: {  	s2 =	sadd.s32 s2, s17  }
0x8e: {  	[smem:$0x3FBB] =	sst s2  }
0x8f: {  	_ = 	snop  }
0x90: {  	s2 =	sld [smem:$0x3FC8];
	(tm) =	ssettm $0x1  }
0x91: {  	s18 =	sld [smem:$0x3FFB];
	_ =	sdelay $0x3  }
0x92: {  	_ =	strace s18  }
0x93: {  	s3 =	sld [smem:$0x3FFC];
	_ =	sdelay $0x3  }
0x94: {  	_ =	strace s3  }
0x95: {  	s3 =	sld [smem:$0x3FFD];
	_ =	sdelay $0x3  }
0x96: {  	_ =	strace s3  }
0x97: {  	_ =	strace $0x8FFFFFFF  }
0x98: {  	s19 =	sld [smem:$0x3FDB];
	_ =	sdelay $0x1  }
0x99: {  	s4 =	simm.s32 $_scs_section_size  }
0x9a: {  	s5 =	simm.s32 $_size__tile_overlayer_lowered;
	s6 =	simm.s32 $_tile_overlayer_lowered  }
0x9b: {  	s22 =	simm.s32 $0x1BFF;
	s21 =	sshll.u32 s6, $0x1;
	s3 =	sadd.s32 s4, s19  }
0x9c: {  	s7 =	simm.s32 $0x0;
	s20 =	sshll.u32 s5, $0x1;
	s5 =	sadd.s32 s21, s3  }
0x9d: {  	[timem:s7], [sflag:s22] =	dma.local [hbm:s5], s20  }
0x9e: {  	_ =	swait.ge [sflag:s22], s20  }
0x9f: {  	s4 =	ssub.s32 $0x0, s20;
	[sflag:s22] =	ssyncset.done $0x0  }
0xa0: {  	[sflag:s22] =	ssyncadd.s32 s4;
	_ =	sdelay $0x1  }
0xa1: {  	s23 =	simm.s32 $0x1B8B  }
0xa2: {  	_ =	swait.ge [sflag:s23], $0x1  }
0xa3: {  	[sflag:s23] =	ssyncset.done $0x0  }
0xa4: {  	s25 =	simm.s32 $0x1B8E;
	s24 =	sld [smem:$0x3FFE];
	[sflag:s23] =	ssyncadd.s32 $0xFFFFFFFF  }
0xa5: {  	s26 =	simm.s32 $execute0_lowered;
	[smem:$0x3FD2] =	sst s25  }
0xa6: {  	s5 =	sshll.u32 s26, $0x1;
	_ =	strace $0x80000046;
	[dreg:$0x1] =	wrdreg $0xFFFFFFFF  }
0xa7: {  	s28 =	simm.s32 $_size_execute0_lowered;
	s3 =	sadd.s32 s3, s5;
	[dreg:$0x0] =	wrdreg $0x0  }
0xa8: {  	s5 =	sshll.u32 s28, $0x1;
	[dreg:$0x2] =	wrdreg s3  }
0xa9: {  	[dreg:$0x3] =	wrdreg s5  }
0xaa: {  	[dreg:$0x4] =	wrdreg $0xC0  }
0xab: {  	_ =	task [dreg:s7], $0x5FFFF  }
0xac: {  	[dreg:$0x1] =	wrdreg $0xFFFFFFFF  }
0xad: {  	[dreg:$0x0] =	wrdreg $0x60  }
0xae: {  	[dreg:$0x2] =	wrdreg s24  }
0xaf: {  	[dreg:$0x3] =	wrdreg s2  }
0xb0: {  	[dreg:$0x4] =	wrdreg $0x0  }
0xb1: {  	[dreg:$0x5] =	wrdreg $0x9  }
0xb2: {  	_ =	task.clear_ibuf [dreg:s7], $0x6FFFF;
	_ =	strace $0x90000046  }
0xb3: {  	s29 =	simm.s32 $0x9;
	_ =	strace $0x80000048  }
0xb4: {  	_ =	swait.ge [sflag:s29], $0x1  }
0xb5: {  	[sflag:s29] =	ssyncadd.s32 $0xFFFFFFFF  }
0xb6: {  	_ =	strace $0x90000048  }
0xb7: {  	_ =	sfence  }
0xb8: {  	s30 =	sld [smem:$0x0];
	_ =	sdelay $0x2  }
0xb9: {  	s31 =	sshll.u32 s1, $0xD;
	s1 =	sshrl.u32 s1, $0x2  }
0xba: {  	s3 =	sand.u32 $0x4000, s31;
	s1 =	sadd.s32 s1, s30  }
0xbb: {  	s0 =	sor.u32 s3, s0;
	s1 =	sshll.u32 s1, $0x11  }
0xbc: {  	s0 =	sor.u32 s1, s0  }
0xbd: {  	s0 =	sadd.s32 $0x8F2B, s0  }
0xbe: {  	[sflag:s0] =	ssyncadd.remote.s32 $0x1  }
0xbf: {  	_ =	sfence.sel $0xFFFF  }
0xc0: {  	[dreg:$0x0] =	wrdreg $0xFFFFFFFF;
	(pc) =	sbr.abs _section_cstart, $3  }
0xc1: {  	[dreg:$0x1] =	wrdreg $0xFFFFFFFF  }
0xc2: {  	_ =	task.clear_ibuf [dreg:s7], $0x2FFFF;
	_ =	strace $0x9FFFFFFF  }
0xc3: {  	(tm) =	ssettm $0x7FFFFFFF  }
tec
execute0_lowered:
.L_overlay_start_1:
0x0: {  	(tag) =	ssettag $0x1  }
0x1: {  	s5 =	rddreg [dreg:$0x0]  }
0x2: {  	s8 =	rddreg [dreg:$0x1]  }
0x3: {  	s2 =	rddreg [dreg:$0x2];
	s3 =	simm.s32 $0x0  }
0x4: {  	s0 =	stileid.u32;
	s4 =	srdreg.scid;
	s16 =	simm.s32 $0x5000  }
0x5: {  	s17 =	simm.s32 $0xAF00;
	s18 =	simm.s32 $0x5100;
	s19 =	simm.s32 $0xBF00  }
0x6: {  	s20 =	simm.s32 $0x5200;
	s21 =	simm.s32 $0xCF00;
	s22 =	simm.s32 $0x1  }
0x7: {  	s23 =	simm.s32 $0x4F80;
	s24 =	simm.s32 $0x5;
	s25 =	simm.s32 $0x6  }
0x8: {  	s26 =	simm.s32 $0x7;
	s28 =	simm.s32 $0x8;
	[smem:$0x7FF] =	sst s3  }
0x9: {  	s6 =	smul.u32 $0x9E00, s0;
	s7 =	sand.u32 $0x1, s4;
	s4 =	sadd.s32 $0x5200, s5  }
0xa: {  	s31 =	sshll.u32 s0, $0x6;
	_ =	strace $0x80000047;
	s9 =	smul.u32 $0x9E000, s7  }
0xb: {  	s11 =	sshll.u32 s7, $0x4;
	s7 =	ssub.s32 $0x2, s7;
	s10 =	sshrl.u32 s6, $0x4  }
0xc: {  	s11 =	sor.u32 s0, s11;
	s30 =	sshrl.u32 s7, $0x1;
	s10 =	sadd.s32 s10, s5  }
0xd: {  	s9 =	sadd.s32 s6, s9;
	s12 =	smul.u32 $0xFFFFFFB0, s11;
	s6 =	sshrl.u32 s6, $0x1  }
0xe: {  	s13 =	ssub.s32 s7, s30;
	s15 =	smul.u32 $0xA00, s11;
	s9 =	sshrl.u32 s9, $0x4  }
0xf: {  	s14 =	sadd.s32 s6, s2;
	s6 =	sor.u32 $0x1C09, s31;
	s9 =	sadd.s32 s9, s5  }
0x10: {  	p0 =	slt.s32 s12, $0xFFFFF68C;
	s5 =	sadd.s32 $0xF000, s10;
	s8 =	sadd.s32 s8, s15  }
0x11: {  	s10 =	smax.u32 s13, $0x1;
	s13 =	simm.s32 $0x80;
	s15 =	simm.s32 $0x9F00  }
0x12: {  	s12 =	simm.s32 @!p0 $0xFFFFF68C;
	s9 =	sadd.s32 $0x18E00, s9;
	p0 =	seq.s32 s11, $0x1F  }
0x13: {  	s11 =	sshrl.u32 s14, $0x3;
	s7 =	sadd.s32 $0x9C4, s12;
	s12 =	simm.s32 $0x9  }
.LBB2_1:
0x14: {  	[spmem:s11], [sflag:s6] =	dma.local [hbm:s5], $0x9E0  }
0x15: {  	_ =	swait.ge [sflag:s12], $0x9E0  }
0x16: {  	[sflag:s12] =	ssyncset.done $0x0  }
0x17: {  	s29 =	simm.s32 @p0 $0x0;
	s30 =	simm.s32 @p0 $0x4F00;
	[sflag:s12] =	ssyncadd.s32 $0xFFFFF620  }
0x18: {  	[tilespmem:s30], [sflag:$0x9] =	stream.linear.gather @p0 [hbm4b:s8+s29], $0x1400, $0x38;
	[tilespmem:$0xDF00] =	vst v63  }
0x19: {  	s29 =	simm.s32 @p0 $0x9  }
0x1a: {  	_ =	swait.ge @p0 [sflag:s29], $0x1400  }
0x1b: {  	[sflag:s29] =	ssyncset.done @p0 $0x0  }
0x1c: {  	s30 =	simm.s32 @!p0 $0x4F00;
	[sflag:s29] =	ssyncadd.s32 @p0 $0xFFFFEC00;
	s29 =	simm.s32 @!p0 $0x0  }
0x1d: {  	[tilespmem:s30], [sflag:$0x9] =	stream.linear.gather @!p0 [hbm4b:s8+s29], $0x5000, $0x38;
	[tilespmem:$0xDF00] =	vst v63  }
0x1e: {  	s29 =	simm.s32 @!p0 $0x9  }
0x1f: {  	_ =	swait.ge @!p0 [sflag:s29], $0x5000  }
0x20: {  	[sflag:s29] =	ssyncset.done @!p0 $0x0  }
0x21: {  	[sflag:s29] =	ssyncadd.s32 @!p0 $0xFFFFB000  }
0x22: {  	s0 =	simm.s32 $0x4F00;
	[bflag:$0x0] =	sbarrier.arrive $0xFFFF  }
0x23: {  	[tilespmem:s15], [sflag:$0x1] =	stream.indirect.gather [hbm4b:s4+s13], $0x20, s0, s13, $0xb8;
	[tilespmem:$0xDF00] =	vst v63  }
0x24: {  	_ = 	snop  }
0x25: {  	[tilespmem:s17], [sflag:$0x2] =	stream.indirect.gather [hbm4b:s4+s13], $0x20, s16, s13, $0xb8;
	[tilespmem:$0xDF00] =	vst v63  }
0x26: {  	_ = 	snop  }
0x27: {  	[tilespmem:s19], [sflag:$0x3] =	stream.indirect.gather [hbm4b:s4+s13], $0x20, s18, s13, $0xb8;
	[tilespmem:$0xDF00] =	vst v63  }
0x28: {  	_ = 	snop  }
0x29: {  	[tilespmem:s21], [sflag:$0x4] =	stream.indirect.gather [hbm4b:s4+s13], $0x20, s20, s13, $0xb8;
	[tilespmem:$0xDF00] =	vst v63  }
0x2a: {  	_ =	swait.ge [sflag:s22], $0x1000  }
0x2b: {  	[sflag:s22] =	ssyncset.done $0x0  }
0x2c: {  	s30 =	simm.s32 $0x4;
	s29 =	simm.s32 $0x5300;
	[sflag:s22] =	ssyncadd.s32 $0xFFFFF000  }
0x2d: {  	[spmem:s2] =	stream.indirect.scatter.add.bf16 [tilespmem:s15], [sflag:$0x5], $0x20, s23, s13, $0xb8;
	[tilespmem:$0xDF00] =	vst v63  }
.LBB2_2:
0x2e: {  	p1 =	sge.u32 s30, s7  }
0x2f: {  	s31 =	sand.u32 @!p1 $0x3, s30  }
0x30: {  	s0 =	sadd.s32 @!p1 $0x5, s31  }
0x31: {  	_ =	swait.ge @!p1 [sflag:s0], $0x1000  }
0x32: {  	s1 =	sadd.s32 $0xFFFFFFFD, s30;
	[sflag:s0] =	ssyncset.done @!p1 $0x0  }
0x33: {  	s1 =	sand.u32 $0x3, s1;
	[sflag:s0] =	ssyncadd.s32 @!p1 $0xFFFFF000;
	s0 =	sshll.u32 @!p1 s31, $0xC  }
0x34: {  	s14 =	simm.s32 @!p1 $0x80;
	s31 =	sadd.s32 @!p1 $0x1, s31;
	s0 =	sadd.s32 @!p1 $0x9F00, s0  }
0x35: {  	[tilespmem:s0], [sflag:s31] =	stream.indirect.gather @!p1 [hbm4b:s4+s14], $0x20, s29, s14, $0xb8;
	[tilespmem:$0xDF00] =	vst v63  }
0x36: {  	s0 =	sadd.s32 $0x1, s1  }
0x37: {  	_ =	swait.ge [sflag:s0], $0x1000  }
0x38: {  	s31 =	sshll.u32 s1, $0xC;
	s1 =	sadd.s32 $0x5, s1;
	[sflag:s0] =	ssyncset.done $0x0  }
0x39: {  	s14 =	sadd.s32 $0x9F00, s31;
	s31 =	sadd.s32 $0xFFFFFD80, s29;
	[sflag:s0] =	ssyncadd.s32 $0xFFFFF000  }
0x3a: {  	[spmem:s2] =	stream.indirect.scatter.add.bf16 [tilespmem:s14], [sflag:s1], $0x20, s31, s13, $0xb8;
	[tilespmem:$0xDF00] =	vst v63  }
0x3b: {  	s31 =	sadd.s32 $0xFFFFFFFE, s30  }
0x3c: {  	p1 =	slt.u32 s31, s7  }
.Ltmp0:
0x3d: {  	_ = 	snop;
	(pc) =	sbr.rel @p1 .LBB2_2-.Ltmp0, $2  }
0x3e: {  	_ =	sdelay $0x2  }
0x3f: {  	s29 =	sadd.s32 $0x100, s29;
	s30 =	sadd.s32 $0x1, s30  }
0x40: {  	_ =	swait.ge [sflag:s24], $0x1000  }
0x41: {  	[sflag:s24] =	ssyncset.done $0x0  }
0x42: {  	[sflag:s24] =	ssyncadd.s32 $0xFFFFF000  }
0x43: {  	_ =	swait.ge [sflag:s25], $0x1000  }
0x44: {  	[sflag:s25] =	ssyncset.done $0x0  }
0x45: {  	[sflag:s25] =	ssyncadd.s32 $0xFFFFF000  }
0x46: {  	_ =	swait.ge [sflag:s26], $0x1000  }
0x47: {  	[sflag:s26] =	ssyncset.done $0x0  }
0x48: {  	[sflag:s26] =	ssyncadd.s32 $0xFFFFF000  }
0x49: {  	_ =	swait.ge [sflag:s28], $0x1000  }
0x4a: {  	s3 =	sadd.s32 $0x1, s3;
	[sflag:s28] =	ssyncset.done $0x0  }
0x4b: {  	p1 =	seq.s32 s3, s10;
	[sflag:s28] =	ssyncadd.s32 $0xFFFFF000  }
.Ltmp1:
0x4c: {  	[bflag:$0x0] =	sbarrier.arrive $0xFFFF;
	(pc) =	sbr.rel @!p1 .LBB2_1-.Ltmp1, $4  }
0x4d: {  	[hbm:s9], [sflag:s6] =	dma.local [spmem:s11], $0x9E0  }
0x4e: {  	_ =	swait.ge [sflag:s12], $0x9E0  }
0x4f: {  	[sflag:s12] =	ssyncset.done $0x0  }
0x50: {  	[sflag:s12] =	ssyncadd.s32 $0xFFFFF620  }
0x51: {  	_ =	sfence.sel $0x180000  }
0x52: {  	[bflag:$0x0] =	sbarrier.arrive $0xFFFF  }
0x53: {  	_ =	strace $0x90000047  }
0x54: {  	s0 =	stileid.u32;
	[bflag:$0x2] =	sbarrier.arrive $0xFFFF  }
0x55: {  	p0 =	sne.s32 s0, $0x0;
	s0 =	rddreg [dreg:$0x3]  }
0x56: {  	s0 =	sadd.s32 @!p0 $0x100000, s0  }
0x57: {  	[sflag:s0] =	ssyncadd.tile.s32 @!p0 $0x1;
	_ =	shalt  }
.Lfunc_end2:
_tile_overlayer_lowered:
.L_overlay_start_2:
0x58: {  	(tag) =	ssettag $0x2  }
0x59: {  	s0 =	rddreg [dreg:$0x0];
	s2 =	stileid.u32  }
0x5a: {  	s1 =	rddreg [dreg:$0x1];
	p0 =	sne.s32 s2, $0x0  }
0x5b: {  	s3 =	rddreg [dreg:$0x2];
	[bflag:$0x3] =	sbarrier.arrive $0xFFFF;
	s2 =	simm.s32 @!p0 $0x1C09  }
0x5c: {  	[timem:s3], [sflag:s2] =	dma.local @!p0 [hbm:s0], s1  }
0x5d: {  	s0 =	simm.s32 @!p0 $0x9  }
0x5e: {  	_ =	swait.ge @!p0 [sflag:s0], s1  }
0x5f: {  	s1 =	ssub.s32 @!p0 $0x0, s1;
	[sflag:s0] =	ssyncset.done @!p0 $0x0  }
0x60: {  	[sflag:s0] =	ssyncadd.s32 @!p0 s1  }
0x61: {  	[bflag:$0x3] =	sbarrier.arrive $0xFFFF  }
0x62: {  	_ =	shalt  }

// kernel: kernel.13.cloned.1.call-start
scs
__scs_entry_jumppad:
0x0: {  	(pc) =	sbr.rel $0x88, $3  }
0x1: {  	(tag) =	ssettag $0x0;
	lr =	simm.s32 $0x1  }
0x2: {  	[smem:$0x3F94] =	sst lr;
	_ =	strace $0xD0000000  }
0x3: {  	_ = 	snop  }
0x4: {  	_ = 	snop  }
0x5: {  	_ = 	snop  }
0x6: {  	_ = 	snop  }
0x7: {  	_ = 	snop  }
__scs_overlays_trampoline_lowered:
0x8: {  	[smem:$0x3FA3] =	sst s0  }
0x9: {  	[smem:$0x3FA4] =	sst s1  }
0xa: {  	[smem:$0x3FA5] =	sst s2  }
0xb: {  	[smem:$0x3FA6] =	sst s3  }
0xc: {  	[smem:$0x3FA7] =	sst s4  }
0xd: {  	[smem:$0x3FA8] =	sst s5  }
0xe: {  	[smem:$0x3FA9] =	sst s6  }
0xf: {  	[smem:$0x3FAA] =	sst s7  }
0x10: {  	[smem:$0x3FAB] =	sst s8  }
0x11: {  	[smem:$0x3FAC] =	sst s9;
	s0 =	simm.s32 @!p0 $0x0  }
0x12: {  	s1 =	sld [smem:$0x3F92];
	s0 =	simm.s32 @p0 $0x1  }
0x13: {  	[smem:$0x3FAD] =	sst s0;
	s0 =	simm.s32 @!p1 $0x0  }
0x14: {  	s2 =	sld [smem:$0x3F91];
	s0 =	simm.s32 @p1 $0x1  }
0x15: {  	[smem:$0x3FAE] =	sst s0;
	s0 =	simm.s32 @!p2 $0x0  }
0x16: {  	s3 =	sld [smem:$0x3FDB];
	s0 =	simm.s32 @p2 $0x1  }
0x17: {  	s4 =	simm.s32 $0x1BF5;
	[smem:$0x3FB0] =	sst s0  }
0x18: {  	s0 =	sld [smem:$0x3F93];
	_ =	swait.ge [sflag:s4], $0x0  }
0x19: {  	s7 =	sld [smem:$0x3F94]  }
0x1a: {  	s8 =	sadd.s32 $0xFFFFE003, lr  }
0x1b: {  	s9 =	sadd.s32 $0xFFFFFEF7, lr;
	s5 =	simm.s32 $0xFFFFFFFF;
	p2 =	slt.u32 s8, $0xFFFFF086  }
0x1c: {  	p1 =	slt.u32 s9, $0xF7A;
	s5 =	simm.s32 @!p2 $0x0  }
0x1d: {  	s5 =	simm.s32 @p1 $0x1;
	p0 =	seq.s32 s7, s2  }
0x1e: {  	s7 =	smul.u32 @!p0 $0xF7A, s2;
	p2 =	seq.s32 @!p0 s5, $0x0  }
0x1f: {  	s9 =	smul.u32 $0xF7A, s1;
	s8 =	simm.s32 @!p0 $0x1BF5;
	p2 =	por !p2, p0  }
0x20: {  	[sflag:s8] =	ssyncset.s32 @!p0 $0xFFFFF086;
	s6 =	sadd.s32 @!p0 s3, s7;
	s7 =	simm.s32 @!p0 $0x108  }
0x21: {  	s3 =	sadd.s32 s3, s9;
	s6 =	sadd.s32 @!p0 $0x88, s6;
	s7 =	simm.s32 @p2 $0x1082  }
0x22: {  	[simem:s7], [sflag:s8] =	dma.local @!p0 [hbm:s6], $0xF7A  }
0x23: {  	s9 =	sor.u32 $0xD0000000, s2;
	s6 =	simm.s32 $0x108;
	_ =	swait.ge @!p0 [sflag:s8], $0x0  }
0x24: {  	s3 =	sadd.s32 $0x88, s3;
	s6 =	simm.s32 @!p1 $0x1082;
	[sflag:s4] =	ssyncset.s32 $0xFFFFF086  }
0x25: {  	[simem:s6], [sflag:s4] =	dma.local [hbm:s3], $0xF7A  }
0x26: {  	[smem:$0x3F94] =	sst s1;
	(tag) =	ssettag s2;
	_ =	strace s9  }
0x27: {  	s1 =	sld [smem:$0x3FA4]  }
0x28: {  	s2 =	sld [smem:$0x3FA5]  }
0x29: {  	s4 =	sld [smem:$0x3FA7]  }
0x2a: {  	p0 =	seq.s32 s5, $0x0;
	s5 =	sld [smem:$0x3FA8]  }
0x2b: {  	s6 =	sld [smem:$0x3FA9]  }
0x2c: {  	s7 =	sld [smem:$0x3FAA]  }
0x2d: {  	s3 =	simm.s32 $0x108;
	s8 =	sld [smem:$0x3FAB]  }
0x2e: {  	s3 =	simm.s32 @!p0 $0x1082;
	s9 =	sld [smem:$0x3FAC]  }
0x2f: {  	lr =	sadd.s32 s0, s3;
	s0 =	sld [smem:$0x3FA3]  }
0x30: {  	s3 =	sld [smem:$0x3FA6]  }
0x31: {  	[smem:$0x3FAF] =	sst s10  }
0x32: {  	s10 =	sld [smem:$0x3FAD];
	_ =	sdelay $0x3  }
0x33: {  	p0 =	seq.s32 s10, $0x1;
	s10 =	sld [smem:$0x3FAF];
	_ =	sdelay $0x3  }
0x34: {  	[smem:$0x3FAF] =	sst s10  }
0x35: {  	s10 =	sld [smem:$0x3FAE];
	_ =	sdelay $0x3  }
0x36: {  	p1 =	seq.s32 s10, $0x1;
	s10 =	sld [smem:$0x3FAF];
	_ =	sdelay $0x3  }
0x37: {  	[smem:$0x3FAF] =	sst s10  }
0x38: {  	s10 =	sld [smem:$0x3FB0]  }
0x39: {  	_ = 	snop;
	(pc) =	sbr.ind lr, $3  }
0x3a: {  	_ = 	snop  }
0x3b: {  	_ = 	snop  }
0x3c: {  	p2 =	seq.s32 s10, $0x1;
	s10 =	sld [smem:$0x3FAF]  }
0x3d: {  	_ =	shalt  }
0x3e: {  	_ =	shalt  }
0x3f: {  	_ =	shalt  }
0x40: {  	_ =	shalt  }
0x41: {  	_ =	shalt  }
0x42: {  	_ =	shalt  }
0x43: {  	_ =	shalt  }
0x44: {  	_ =	shalt  }
0x45: {  	_ =	shalt  }
0x46: {  	_ =	shalt  }
0x47: {  	_ =	shalt  }
0x48: {  	_ =	shalt  }
0x49: {  	_ =	shalt  }
0x4a: {  	_ =	shalt  }
0x4b: {  	_ =	shalt  }
0x4c: {  	_ =	shalt  }
0x4d: {  	_ =	shalt  }
0x4e: {  	_ =	shalt  }
0x4f: {  	_ =	shalt  }
0x50: {  	_ =	shalt  }
0x51: {  	_ =	shalt  }
0x52: {  	_ =	shalt  }
0x53: {  	_ =	shalt  }
0x54: {  	_ =	shalt  }
0x55: {  	_ =	shalt  }
0x56: {  	_ =	shalt  }
0x57: {  	_ =	shalt  }
0x58: {  	_ =	shalt  }
0x59: {  	_ =	shalt  }
0x5a: {  	_ =	shalt  }
0x5b: {  	_ =	shalt  }
0x5c: {  	_ =	shalt  }
0x5d: {  	_ =	shalt  }
0x5e: {  	_ =	shalt  }
0x5f: {  	_ =	shalt  }
0x60: {  	_ =	shalt  }
0x61: {  	_ =	shalt  }
0x62: {  	_ =	shalt  }
0x63: {  	_ =	shalt  }
0x64: {  	_ =	shalt  }
0x65: {  	_ =	shalt  }
0x66: {  	_ =	shalt  }
0x67: {  	_ =	shalt  }
0x68: {  	_ =	shalt  }
0x69: {  	_ =	shalt  }
0x6a: {  	_ =	shalt  }
0x6b: {  	_ =	shalt  }
0x6c: {  	_ =	shalt  }
0x6d: {  	_ =	shalt  }
0x6e: {  	_ =	shalt  }
0x6f: {  	_ =	shalt  }
0x70: {  	_ =	shalt  }
0x71: {  	_ =	shalt  }
0x72: {  	_ =	shalt  }
0x73: {  	_ =	shalt  }
0x74: {  	_ =	shalt  }
0x75: {  	_ =	shalt  }
0x76: {  	_ =	shalt  }
0x77: {  	_ =	shalt  }
0x78: {  	_ =	shalt  }
0x79: {  	_ =	shalt  }
0x7a: {  	_ =	shalt  }
0x7b: {  	_ =	shalt  }
0x7c: {  	_ =	shalt  }
0x7d: {  	_ =	shalt  }
0x7e: {  	_ =	shalt  }
0x7f: {  	_ =	shalt  }
0x80: {  	_ =	shalt  }
0x81: {  	_ =	shalt  }
0x82: {  	_ =	shalt  }
0x83: {  	_ =	shalt  }
0x84: {  	_ =	shalt  }
0x85: {  	_ =	shalt  }
0x86: {  	_ =	shalt  }
0x87: {  	_ =	shalt  }
.Lfunc_end0:
.L_simem_size_0:
called_computation.1_lowered:
.L_overlay_start_0:
0x88: {  	s2 =	sld [smem:$0x3FD9]  }
0x89: {  	s3 =	sld [smem:$0x3FFE];
	_ =	sdelay $0x1  }
0x8a: {  	s1 =	srdreg.scid  }
0x8b: {  	s0 =	sand.u32 $0x1, s1  }
0x8c: {  	s17 =	sshll.u32 s0, $0xA;
	s2 =	sadd.s32 s3, s2  }
0x8d: {  	s2 =	sadd.s32 s2, s17  }
0x8e: {  	[smem:$0x3FBB] =	sst s2  }
0x8f: {  	_ = 	snop  }
0x90: {  	s18 =	sld [smem:$0x3FC8];
	(tm) =	ssettm $0x1  }
0x91: {  	s19 =	sld [smem:$0x3FFB];
	_ =	sdelay $0x3  }
0x92: {  	_ =	strace s19  }
0x93: {  	s2 =	sld [smem:$0x3FFC];
	_ =	sdelay $0x3  }
0x94: {  	_ =	strace s2  }
0x95: {  	s2 =	sld [smem:$0x3FFD];
	_ =	sdelay $0x3  }
0x96: {  	_ =	strace s2  }
0x97: {  	_ =	strace $0x8FFFFFFF  }
0x98: {  	s20 =	sld [smem:$0x3FDB];
	_ =	sdelay $0x1  }
0x99: {  	s4 =	simm.s32 $_scs_section_size  }
0x9a: {  	s5 =	simm.s32 $_size__tile_overlayer_lowered;
	s6 =	simm.s32 $_tile_overlayer_lowered  }
0x9b: {  	s7 =	simm.s32 $0x1BFF;
	s21 =	sshll.u32 s6, $0x1;
	s4 =	sadd.s32 s4, s20  }
0x9c: {  	s22 =	simm.s32 $0x0;
	s5 =	sshll.u32 s5, $0x1;
	s6 =	sadd.s32 s21, s4  }
0x9d: {  	[timem:s22], [sflag:s7] =	dma.local [hbm:s6], s5  }
0x9e: {  	_ =	swait.ge [sflag:s7], s5  }
0x9f: {  	s5 =	ssub.s32 $0x0, s5;
	[sflag:s7] =	ssyncset.done $0x0  }
0xa0: {  	[sflag:s7] =	ssyncadd.s32 s5;
	_ =	sdelay $0x1  }
0xa1: {  	s23 =	simm.s32 $0x1B8B  }
0xa2: {  	_ =	swait.ge [sflag:s23], $0x1  }
0xa3: {  	[sflag:s23] =	ssyncset.done $0x0  }
0xa4: {  	[sflag:s23] =	ssyncadd.s32 $0xFFFFFFFF  }
0xa5: {  	s5 =	sld [smem:$0x0]  }
0xa6: {  	s6 =	sand.u32 $0xFFFFFFFE, s1  }
0xa7: {  	p0 =	sne.s32 s1, s6  }
0xa8: {  	s6 =	sshll.u32 @p0 s6, $0xE  }
0xa9: {  	s6 =	sadd.s32 @p0 $0x11B8D, s6;
	s7 =	sshll.u32 @p0 s5, $0x11  }
0xaa: {  	s6 =	sor.u32 @p0 s7, s6  }
0xab: {  	[sflag:s6] =	ssyncadd.remote.s32 @p0 $0x1;
	_ =	sdelay $0x1  }
0xac: {  	s6 =	simm.s32 @p0 $0x1B8D  }
0xad: {  	_ =	swait.eq @p0 [sflag:s6], $0x1  }
0xae: {  	[sflag:s6] =	ssyncadd.s32 @p0 $0xFFFFFFFF  }
0xaf: {  	s7 =	sshll.u32 @!p0 s1, $0xE  }
0xb0: {  	s7 =	sor.u32 @!p0 $0x4000, s7;
	s6 =	simm.s32 @!p0 $0x1B8D  }
0xb1: {  	s5 =	sshll.u32 @!p0 s5, $0x11;
	s7 =	sadd.s32 @!p0 $0x11B8D, s7;
	_ =	swait.eq @!p0 [sflag:s6], $0x1  }
0xb2: {  	s5 =	sor.u32 @!p0 s5, s7;
	[sflag:s6] =	ssyncadd.s32 @!p0 $0xFFFFFFFF  }
0xb3: {  	s25 =	simm.s32 $0x1B8E;
	s24 =	sld [smem:$0x3FFE];
	[sflag:s5] =	ssyncadd.remote.s32 @!p0 $0x1  }
0xb4: {  	s26 =	simm.s32 $execute0_lowered;
	[smem:$0x3FD2] =	sst s25  }
0xb5: {  	s6 =	sshll.u32 s26, $0x1;
	_ =	strace $0x80000049;
	[dreg:$0x1] =	wrdreg $0xFFFFFFFF  }
0xb6: {  	s28 =	simm.s32 $_size_execute0_lowered;
	s4 =	sadd.s32 s4, s6;
	[dreg:$0x0] =	wrdreg $0x0  }
0xb7: {  	s6 =	sshll.u32 s28, $0x1;
	[dreg:$0x2] =	wrdreg s4  }
0xb8: {  	[dreg:$0x3] =	wrdreg s6  }
0xb9: {  	[dreg:$0x4] =	wrdreg $0xC0  }
0xba: {  	_ =	task [dreg:s22], $0x5FFFF  }
0xbb: {  	[dreg:$0x1] =	wrdreg $0xFFFFFFFF  }
0xbc: {  	[dreg:$0x0] =	wrdreg $0x60  }
0xbd: {  	[dreg:$0x2] =	wrdreg s18  }
0xbe: {  	[dreg:$0x3] =	wrdreg s24  }
0xbf: {  	[dreg:$0x4] =	wrdreg $0x0  }
0xc0: {  	[dreg:$0x5] =	wrdreg $0xA  }
0xc1: {  	_ =	task.clear_ibuf [dreg:s22], $0x6FFFF;
	_ =	strace $0x90000049  }
0xc2: {  	s29 =	simm.s32 $0xA;
	_ =	strace $0x8000004B  }
0xc3: {  	_ =	swait.ge [sflag:s29], $0x1  }
0xc4: {  	[sflag:s29] =	ssyncadd.s32 $0xFFFFFFFF  }
0xc5: {  	_ =	strace $0x9000004B  }
0xc6: {  	_ =	sfence  }
0xc7: {  	s30 =	sld [smem:$0x0];
	_ =	sdelay $0x2  }
0xc8: {  	s31 =	sshll.u32 s1, $0xD;
	s1 =	sshrl.u32 s1, $0x2  }
0xc9: {  	s4 =	sand.u32 $0x4000, s31;
	s1 =	sadd.s32 s1, s30  }
0xca: {  	s0 =	sor.u32 s4, s0;
	s1 =	sshll.u32 s1, $0x11  }
0xcb: {  	s0 =	sor.u32 s1, s0  }
0xcc: {  	s0 =	sadd.s32 $0x8F2B, s0  }
0xcd: {  	[sflag:s0] =	ssyncadd.remote.s32 $0x1  }
0xce: {  	_ =	sfence.sel $0xFFFF  }
0xcf: {  	[dreg:$0x0] =	wrdreg $0xFFFFFFFF;
	(pc) =	sbr.abs _section_cstart, $3  }
0xd0: {  	[dreg:$0x1] =	wrdreg $0xFFFFFFFF  }
0xd1: {  	_ =	task.clear_ibuf [dreg:s22], $0x2FFFF;
	_ =	strace $0x9FFFFFFF  }
0xd2: {  	(tm) =	ssettm $0x7FFFFFFF  }
0xd3: {  	_ =	shalt  }
tec
execute0_lowered:
.L_overlay_start_1:
0x0: {  	(tag) =	ssettag $0x1  }
0x1: {  	s8 =	rddreg [dreg:$0x0]  }
0x2: {  	s5 =	rddreg [dreg:$0x1]  }
0x3: {  	s2 =	rddreg [dreg:$0x2];
	s0 =	stileid.u32  }
0x4: {  	s3 =	simm.s32 $0x0;
	s4 =	srdreg.scid;
	s6 =	smul.u32 $0x2780, s0  }
0x5: {  	s20 =	simm.s32 $0x2800;
	s21 =	simm.s32 $0x3;
	s25 =	smul.u32 $0xFFFFFFB0, s0  }
0x6: {  	s22 =	simm.s32 $0x4;
	s7 =	sand.u32 $0x1, s4;
	s19 =	smul.u32 $0x50, s0  }
0x7: {  	s23 =	simm.s32 $0x0;
	[smem:$0x7FF] =	sst s3;
	s10 =	smul.u32 $0x27800, s7  }
0x8: {  	s26 =	sshll.u32 s0, $0x6;
	_ =	strace $0x8000004A;
	s18 =	smul.u32 $0xFFFFFB00, s7  }
0x9: {  	s4 =	sshll.u32 s7, $0x4;
	s12 =	ssub.s32 $0x2, s7;
	s29 =	smul.u32 $0x500, s7  }
0xa: {  	s9 =	sshrl.u32 s6, $0x3;
	s15 =	sor.u32 s0, s4;
	s4 =	sadd.s32 $0x50EA00, s5  }
0xb: {  	s14 =	sshrl.u32 s12, $0x1;
	s17 =	sadd.s32 s6, s2;
	s11 =	smul.u32 $0x50, s15  }
0xc: {  	s9 =	sadd.s32 s9, s5;
	s10 =	sadd.s32 s6, s10;
	s13 =	smul.u32 $0xA00, s15  }
0xd: {  	s16 =	smul.u32 $0x5000, s15;
	s12 =	ssub.s32 s12, s14;
	s6 =	sor.u32 $0x1C05, s26  }
0xe: {  	s30 =	sadd.s32 s18, s25;
	s31 =	sadd.s32 s19, s29;
	p0 =	seq.s32 s15, $0x1F  }
0xf: {  	s15 =	sshrl.u32 s17, $0x3;
	s17 =	simm.s32 $0x7780;
	s19 =	simm.s32 $0x80  }
0x10: {  	s10 =	sshrl.u32 s10, $0x3;
	s12 =	smax.u32 s12, $0x1;
	s14 =	sshll.u32 s31, $0x8  }
0x11: {  	s10 =	sadd.s32 s10, s5;
	s5 =	sadd.s32 $0x2CA00, s9;
	s28 =	ssub.s32 $0x9C4, s11  }
0x12: {  	s8 =	sadd.s32 s8, s13;
	s9 =	sadd.s32 s4, s16;
	s13 =	sadd.s32 $0x9C4, s30  }
0x13: {  	s14 =	sor.u32 $0x200, s14;
	s16 =	simm.s32 $0x5;
	s7 =	smin.u32 s28, $0x50  }
0x14: {  	s10 =	sadd.s32 $0x31A00, s10;
	s11 =	smin.u32 s13, $0x50;
	s13 =	sadd.s32 $0x100, s9  }
.LBB2_1:
0x15: {  	[spmem:s15], [sflag:s6] =	dma.local [hbm:s5], $0x4F0  }
0x16: {  	_ =	swait.ge [sflag:s16], $0x4F0  }
0x17: {  	[sflag:s16] =	ssyncset.done $0x0  }
0x18: {  	s24 =	simm.s32 @p0 $0x0;
	s25 =	simm.s32 @p0 $0x2780;
	[sflag:s16] =	ssyncadd.s32 $0xFFFFFB10  }
0x19: {  	[tilespmem:s25], [sflag:$0x5] =	stream.linear.gather @p0 [hbm4b:s8+s24], $0x1400, $0x38;
	[tilespmem:$0x8780] =	vst v63  }
0x1a: {  	s24 =	simm.s32 @p0 $0x5  }
0x1b: {  	_ =	swait.ge @p0 [sflag:s24], $0x1400  }
0x1c: {  	[sflag:s24] =	ssyncset.done @p0 $0x0  }
0x1d: {  	s25 =	simm.s32 @!p0 $0x2780;
	[sflag:s24] =	ssyncadd.s32 @p0 $0xFFFFEC00;
	s24 =	simm.s32 @!p0 $0x0  }
0x1e: {  	[tilespmem:s25], [sflag:$0x5] =	stream.linear.gather @!p0 [hbm4b:s8+s24], $0x5000, $0x38;
	[tilespmem:$0x8780] =	vst v63  }
0x1f: {  	s24 =	simm.s32 @!p0 $0x5  }
0x20: {  	_ =	swait.ge @!p0 [sflag:s24], $0x5000  }
0x21: {  	[sflag:s24] =	ssyncset.done @!p0 $0x0  }
0x22: {  	[sflag:s24] =	ssyncadd.s32 @!p0 $0xFFFFB000  }
0x23: {  	[bflag:$0x0] =	sbarrier.arrive $0xFFFF  }
0x24: {  	[tilespmem:s17], [sflag:$0x1] =	stream.linear.gather [hbm4b:s9+s3], $0x800, $0x38;
	[tilespmem:$0x8780] =	vst v63  }
0x25: {  	s0 =	simm.s32 $0x7F80;
	s26 =	simm.s32 $0x1  }
0x26: {  	[tilespmem:s0], [sflag:$0x2] =	stream.linear.gather [hbm4b:s13+s3], $0x800, $0x38;
	[tilespmem:$0x8780] =	vst v63  }
0x27: {  	p1 =	sle.u32 s7, $0x2;
	s24 =	simm.s32 $0x2;
	_ =	swait.ge [sflag:s26], $0x800  }
0x28: {  	s25 =	sand.u32 @!p1 $0x1, s24;
	[sflag:s26] =	ssyncset.done $0x0  }
0x29: {  	s29 =	sand.u32 @!p1 $0x1FFFFF00, s14;
	s28 =	sadd.s32 @!p1 $0x3, s25;
	[sflag:s26] =	ssyncadd.s32 $0xFFFFF800  }
0x2a: {  	[spmem:s2] =	stream.indirect.scatter.add.f32 [tilespmem:s17], [sflag:$0x3], $0x10, s20, s19, $0xb8;
	[tilespmem:$0x8780] =	vst v63  }
0x2b: {  	s29 =	sadd.s32 @!p1 s4, s29;
	_ =	swait.ge @!p1 [sflag:s28], $0x800  }
0x2c: {  	s30 =	sshll.u32 @!p1 s25, $0xB;
	s25 =	sadd.s32 @!p1 $0x1, s25;
	[sflag:s28] =	ssyncset.done @!p1 $0x0  }
0x2d: {  	s30 =	sor.u32 @!p1 $0x7780, s30;
	[sflag:s28] =	ssyncadd.s32 @!p1 $0xFFFFF800;
	s28 =	simm.s32 @!p1 $0x0  }
0x2e: {  	[tilespmem:s30], [sflag:s25] =	stream.linear.gather @!p1 [hbm4b:s29+s28], $0x800, $0x38;
	[tilespmem:$0x8780] =	vst v63  }
0x2f: {  	p1 =	sne.s32 s11, $0x2  }
.Ltmp0:
0x30: {  	_ = 	snop;
	(pc) =	sbr.rel @!p1 .LBB2_3-.Ltmp0, $2  }
0x31: {  	_ =	sdelay $0x2  }
0x32: {  	s25 =	simm.s32 $0x2900;
	s28 =	sand.u32 $0x1, s26;
	s26 =	smov.u32 s14  }
.LBB2_2:
0x33: {  	s29 =	sadd.s32 $0x1, s28  }
0x34: {  	s26 =	sadd.s32 $0x100, s26;
	s30 =	smov.u32 s24;
	s24 =	sadd.s32 $0x1, s24  }
0x35: {  	s31 =	sadd.s32 $0x3, s28;
	s28 =	sshll.u32 s28, $0xB;
	_ =	swait.ge [sflag:s29], $0x800  }
0x36: {  	p1 =	sge.u32 s24, s7;
	s28 =	sor.u32 $0x7780, s28;
	[sflag:s29] =	ssyncset.done $0x0  }
0x37: {  	s0 =	sand.u32 @!p1 $0x1, s24;
	s1 =	sand.u32 @!p1 $0x1FFFFF00, s26;
	[sflag:s29] =	ssyncadd.s32 $0xFFFFF800  }
0x38: {  	p2 =	sne.s32 s11, s24;
	s29 =	sadd.s32 @!p1 $0x3, s0;
	s18 =	sshll.u32 @!p1 s0, $0xB  }
0x39: {  	[spmem:s2] =	stream.indirect.scatter.add.f32 [tilespmem:s28], [sflag:s31], $0x10, s25, s19, $0xb8;
	[tilespmem:$0x8780] =	vst v63  }
.Ltmp1:
0x3a: {  	s18 =	sor.u32 @!p1 $0x7780, s18;
	_ =	swait.ge @!p1 [sflag:s29], $0x800;
	(pc) =	sbr.rel @p2 .LBB2_2-.Ltmp1, $4  }
0x3b: {  	s0 =	sadd.s32 @!p1 $0x1, s0;
	s1 =	sadd.s32 @!p1 s4, s1;
	[sflag:s29] =	ssyncset.done @!p1 $0x0  }
0x3c: {  	s28 =	simm.s32 @!p1 $0x0;
	[sflag:s29] =	ssyncadd.s32 @!p1 $0xFFFFF800  }
0x3d: {  	[tilespmem:s18], [sflag:s0] =	stream.linear.gather @!p1 [hbm4b:s1+s28], $0x800, $0x38;
	[tilespmem:$0x8780] =	vst v63  }
0x3e: {  	s25 =	sadd.s32 $0x100, s25;
	s28 =	sand.u32 $0x1, s30  }
.LBB2_3:
0x3f: {  	s0 =	sadd.s32 $0x1, s28  }
0x40: {  	_ =	swait.ge [sflag:s0], $0x800  }
0x41: {  	s1 =	sshll.u32 s28, $0xB;
	[sflag:s0] =	ssyncset.done $0x0  }
0x42: {  	s18 =	sadd.s32 $0x3, s28;
	s31 =	sor.u32 $0x7780, s1;
	[sflag:s0] =	ssyncadd.s32 $0xFFFFF800  }
0x43: {  	[spmem:s2] =	stream.indirect.scatter.add.f32 [tilespmem:s31], [sflag:s18], $0x10, s25, s19, $0xb8;
	[tilespmem:$0x8780] =	vst v63  }
0x44: {  	_ =	swait.ge [sflag:s21], $0x800  }
0x45: {  	[sflag:s21] =	ssyncset.done $0x0  }
0x46: {  	[sflag:s21] =	ssyncadd.s32 $0xFFFFF800  }
0x47: {  	_ =	swait.ge [sflag:s22], $0x800  }
0x48: {  	s23 =	sadd.s32 $0x1, s23;
	[sflag:s22] =	ssyncset.done $0x0  }
0x49: {  	p1 =	sne.s32 s23, s12;
	[sflag:s22] =	ssyncadd.s32 $0xFFFFF800  }
.Ltmp2:
0x4a: {  	[bflag:$0x0] =	sbarrier.arrive $0xFFFF;
	(pc) =	sbr.rel @p1 .LBB2_1-.Ltmp2, $4  }
0x4b: {  	[hbm:s10], [sflag:s6] =	dma.local [spmem:s15], $0x4F0  }
0x4c: {  	_ =	swait.ge [sflag:s16], $0x4F0  }
0x4d: {  	[sflag:s16] =	ssyncset.done $0x0  }
0x4e: {  	[sflag:s16] =	ssyncadd.s32 $0xFFFFFB10  }
0x4f: {  	_ =	sfence.sel $0x180000  }
0x50: {  	[bflag:$0x0] =	sbarrier.arrive $0xFFFF  }
0x51: {  	_ =	strace $0x9000004A  }
0x52: {  	s0 =	stileid.u32;
	[bflag:$0x2] =	sbarrier.arrive $0xFFFF  }
0x53: {  	p0 =	sne.s32 s0, $0x0;
	s0 =	rddreg [dreg:$0x3]  }
0x54: {  	s0 =	sadd.s32 @!p0 $0x100000, s0  }
0x55: {  	[sflag:s0] =	ssyncadd.tile.s32 @!p0 $0x1;
	_ =	shalt  }
.Lfunc_end2:
_tile_overlayer_lowered:
.L_overlay_start_2:
0x56: {  	(tag) =	ssettag $0x2  }
0x57: {  	s0 =	rddreg [dreg:$0x0];
	s2 =	stileid.u32  }
0x58: {  	s1 =	rddreg [dreg:$0x1];
	p0 =	sne.s32 s2, $0x0  }
0x59: {  	s3 =	rddreg [dreg:$0x2];
	[bflag:$0x3] =	sbarrier.arrive $0xFFFF;
	s2 =	simm.s32 @!p0 $0x1C05  }
0x5a: {  	[timem:s3], [sflag:s2] =	dma.local @!p0 [hbm:s0], s1  }
0x5b: {  	s0 =	simm.s32 @!p0 $0x5  }
0x5c: {  	_ =	swait.ge @!p0 [sflag:s0], s1  }
0x5d: {  	s1 =	ssub.s32 @!p0 $0x0, s1;
	[sflag:s0] =	ssyncset.done @!p0 $0x0  }
0x5e: {  	[sflag:s0] =	ssyncadd.s32 @!p0 s1  }
0x5f: {  	[bflag:$0x3] =	sbarrier.arrive $0xFFFF  }
0x60: {  	_ =	shalt  }

// kernel: kernel.16.cloned.1.call-start
scs
__scs_entry_jumppad:
0x0: {  	(pc) =	sbr.rel $0x88, $3  }
0x1: {  	(tag) =	ssettag $0x0;
	lr =	simm.s32 $0x1  }
0x2: {  	[smem:$0x3F94] =	sst lr;
	_ =	strace $0xD0000000  }
0x3: {  	_ = 	snop  }
0x4: {  	_ = 	snop  }
0x5: {  	_ = 	snop  }
0x6: {  	_ = 	snop  }
0x7: {  	_ = 	snop  }
__scs_overlays_trampoline_lowered:
0x8: {  	[smem:$0x3FA3] =	sst s0  }
0x9: {  	[smem:$0x3FA4] =	sst s1  }
0xa: {  	[smem:$0x3FA5] =	sst s2  }
0xb: {  	[smem:$0x3FA6] =	sst s3  }
0xc: {  	[smem:$0x3FA7] =	sst s4  }
0xd: {  	[smem:$0x3FA8] =	sst s5  }
0xe: {  	[smem:$0x3FA9] =	sst s6  }
0xf: {  	[smem:$0x3FAA] =	sst s7  }
0x10: {  	[smem:$0x3FAB] =	sst s8  }
0x11: {  	[smem:$0x3FAC] =	sst s9;
	s0 =	simm.s32 @!p0 $0x0  }
0x12: {  	s1 =	sld [smem:$0x3F92];
	s0 =	simm.s32 @p0 $0x1  }
0x13: {  	[smem:$0x3FAD] =	sst s0;
	s0 =	simm.s32 @!p1 $0x0  }
0x14: {  	s2 =	sld [smem:$0x3F91];
	s0 =	simm.s32 @p1 $0x1  }
0x15: {  	[smem:$0x3FAE] =	sst s0;
	s0 =	simm.s32 @!p2 $0x0  }
0x16: {  	s3 =	sld [smem:$0x3FDB];
	s0 =	simm.s32 @p2 $0x1  }
0x17: {  	s4 =	simm.s32 $0x1BF5;
	[smem:$0x3FB0] =	sst s0  }
0x18: {  	s0 =	sld [smem:$0x3F93];
	_ =	swait.ge [sflag:s4], $0x0  }
0x19: {  	s7 =	sld [smem:$0x3F94]  }
0x1a: {  	s8 =	sadd.s32 $0xFFFFE003, lr  }
0x1b: {  	s9 =	sadd.s32 $0xFFFFFEF7, lr;
	s5 =	simm.s32 $0xFFFFFFFF;
	p2 =	slt.u32 s8, $0xFFFFF086  }
0x1c: {  	p1 =	slt.u32 s9, $0xF7A;
	s5 =	simm.s32 @!p2 $0x0  }
0x1d: {  	s5 =	simm.s32 @p1 $0x1;
	p0 =	seq.s32 s7, s2  }
0x1e: {  	s7 =	smul.u32 @!p0 $0xF7A, s2;
	p2 =	seq.s32 @!p0 s5, $0x0  }
0x1f: {  	s9 =	smul.u32 $0xF7A, s1;
	s8 =	simm.s32 @!p0 $0x1BF5;
	p2 =	por !p2, p0  }
0x20: {  	[sflag:s8] =	ssyncset.s32 @!p0 $0xFFFFF086;
	s6 =	sadd.s32 @!p0 s3, s7;
	s7 =	simm.s32 @!p0 $0x108  }
0x21: {  	s3 =	sadd.s32 s3, s9;
	s6 =	sadd.s32 @!p0 $0x88, s6;
	s7 =	simm.s32 @p2 $0x1082  }
0x22: {  	[simem:s7], [sflag:s8] =	dma.local @!p0 [hbm:s6], $0xF7A  }
0x23: {  	s9 =	sor.u32 $0xD0000000, s2;
	s6 =	simm.s32 $0x108;
	_ =	swait.ge @!p0 [sflag:s8], $0x0  }
0x24: {  	s3 =	sadd.s32 $0x88, s3;
	s6 =	simm.s32 @!p1 $0x1082;
	[sflag:s4] =	ssyncset.s32 $0xFFFFF086  }
0x25: {  	[simem:s6], [sflag:s4] =	dma.local [hbm:s3], $0xF7A  }
0x26: {  	[smem:$0x3F94] =	sst s1;
	(tag) =	ssettag s2;
	_ =	strace s9  }
0x27: {  	s1 =	sld [smem:$0x3FA4]  }
0x28: {  	s2 =	sld [smem:$0x3FA5]  }
0x29: {  	s4 =	sld [smem:$0x3FA7]  }
0x2a: {  	p0 =	seq.s32 s5, $0x0;
	s5 =	sld [smem:$0x3FA8]  }
0x2b: {  	s6 =	sld [smem:$0x3FA9]  }
0x2c: {  	s7 =	sld [smem:$0x3FAA]  }
0x2d: {  	s3 =	simm.s32 $0x108;
	s8 =	sld [smem:$0x3FAB]  }
0x2e: {  	s3 =	simm.s32 @!p0 $0x1082;
	s9 =	sld [smem:$0x3FAC]  }
0x2f: {  	lr =	sadd.s32 s0, s3;
	s0 =	sld [smem:$0x3FA3]  }
0x30: {  	s3 =	sld [smem:$0x3FA6]  }
0x31: {  	[smem:$0x3FAF] =	sst s10  }
0x32: {  	s10 =	sld [smem:$0x3FAD];
	_ =	sdelay $0x3  }
0x33: {  	p0 =	seq.s32 s10, $0x1;
	s10 =	sld [smem:$0x3FAF];
	_ =	sdelay $0x3  }
0x34: {  	[smem:$0x3FAF] =	sst s10  }
0x35: {  	s10 =	sld [smem:$0x3FAE];
	_ =	sdelay $0x3  }
0x36: {  	p1 =	seq.s32 s10, $0x1;
	s10 =	sld [smem:$0x3FAF];
	_ =	sdelay $0x3  }
0x37: {  	[smem:$0x3FAF] =	sst s10  }
0x38: {  	s10 =	sld [smem:$0x3FB0]  }
0x39: {  	_ = 	snop;
	(pc) =	sbr.ind lr, $3  }
0x3a: {  	_ = 	snop  }
0x3b: {  	_ = 	snop  }
0x3c: {  	p2 =	seq.s32 s10, $0x1;
	s10 =	sld [smem:$0x3FAF]  }
0x3d: {  	_ =	shalt  }
0x3e: {  	_ =	shalt  }
0x3f: {  	_ =	shalt  }
0x40: {  	_ =	shalt  }
0x41: {  	_ =	shalt  }
0x42: {  	_ =	shalt  }
0x43: {  	_ =	shalt  }
0x44: {  	_ =	shalt  }
0x45: {  	_ =	shalt  }
0x46: {  	_ =	shalt  }
0x47: {  	_ =	shalt  }
0x48: {  	_ =	shalt  }
0x49: {  	_ =	shalt  }
0x4a: {  	_ =	shalt  }
0x4b: {  	_ =	shalt  }
0x4c: {  	_ =	shalt  }
0x4d: {  	_ =	shalt  }
0x4e: {  	_ =	shalt  }
0x4f: {  	_ =	shalt  }
0x50: {  	_ =	shalt  }
0x51: {  	_ =	shalt  }
0x52: {  	_ =	shalt  }
0x53: {  	_ =	shalt  }
0x54: {  	_ =	shalt  }
0x55: {  	_ =	shalt  }
0x56: {  	_ =	shalt  }
0x57: {  	_ =	shalt  }
0x58: {  	_ =	shalt  }
0x59: {  	_ =	shalt  }
0x5a: {  	_ =	shalt  }
0x5b: {  	_ =	shalt  }
0x5c: {  	_ =	shalt  }
0x5d: {  	_ =	shalt  }
0x5e: {  	_ =	shalt  }
0x5f: {  	_ =	shalt  }
0x60: {  	_ =	shalt  }
0x61: {  	_ =	shalt  }
0x62: {  	_ =	shalt  }
0x63: {  	_ =	shalt  }
0x64: {  	_ =	shalt  }
0x65: {  	_ =	shalt  }
0x66: {  	_ =	shalt  }
0x67: {  	_ =	shalt  }
0x68: {  	_ =	shalt  }
0x69: {  	_ =	shalt  }
0x6a: {  	_ =	shalt  }
0x6b: {  	_ =	shalt  }
0x6c: {  	_ =	shalt  }
0x6d: {  	_ =	shalt  }
0x6e: {  	_ =	shalt  }
0x6f: {  	_ =	shalt  }
0x70: {  	_ =	shalt  }
0x71: {  	_ =	shalt  }
0x72: {  	_ =	shalt  }
0x73: {  	_ =	shalt  }
0x74: {  	_ =	shalt  }
0x75: {  	_ =	shalt  }
0x76: {  	_ =	shalt  }
0x77: {  	_ =	shalt  }
0x78: {  	_ =	shalt  }
0x79: {  	_ =	shalt  }
0x7a: {  	_ =	shalt  }
0x7b: {  	_ =	shalt  }
0x7c: {  	_ =	shalt  }
0x7d: {  	_ =	shalt  }
0x7e: {  	_ =	shalt  }
0x7f: {  	_ =	shalt  }
0x80: {  	_ =	shalt  }
0x81: {  	_ =	shalt  }
0x82: {  	_ =	shalt  }
0x83: {  	_ =	shalt  }
0x84: {  	_ =	shalt  }
0x85: {  	_ =	shalt  }
0x86: {  	_ =	shalt  }
0x87: {  	_ =	shalt  }
.Lfunc_end0:
.L_simem_size_0:
called_computation.2_lowered:
.L_overlay_start_0:
0x88: {  	s2 =	sld [smem:$0x3FD9]  }
0x89: {  	s3 =	sld [smem:$0x3FFE];
	_ =	sdelay $0x1  }
0x8a: {  	s1 =	srdreg.scid  }
0x8b: {  	s0 =	sand.u32 $0x1, s1  }
0x8c: {  	s17 =	sshll.u32 s0, $0xA;
	s2 =	sadd.s32 s3, s2  }
0x8d: {  	s2 =	sadd.s32 s2, s17  }
0x8e: {  	[smem:$0x3FBB] =	sst s2  }
0x8f: {  	_ = 	snop  }
0x90: {  	s2 =	sld [smem:$0x3FC8];
	(tm) =	ssettm $0x1  }
0x91: {  	s18 =	sld [smem:$0x3FFB];
	_ =	sdelay $0x3  }
0x92: {  	_ =	strace s18  }
0x93: {  	s3 =	sld [smem:$0x3FFC];
	_ =	sdelay $0x3  }
0x94: {  	_ =	strace s3  }
0x95: {  	s3 =	sld [smem:$0x3FFD];
	_ =	sdelay $0x3  }
0x96: {  	_ =	strace s3  }
0x97: {  	_ =	strace $0x8FFFFFFF  }
0x98: {  	s19 =	sld [smem:$0x3FDB];
	_ =	sdelay $0x1  }
0x99: {  	s4 =	simm.s32 $_scs_section_size  }
0x9a: {  	s5 =	simm.s32 $_size__tile_overlayer_lowered;
	s6 =	simm.s32 $_tile_overlayer_lowered  }
0x9b: {  	s22 =	simm.s32 $0x1BFF;
	s21 =	sshll.u32 s6, $0x1;
	s3 =	sadd.s32 s4, s19  }
0x9c: {  	s7 =	simm.s32 $0x0;
	s20 =	sshll.u32 s5, $0x1;
	s5 =	sadd.s32 s21, s3  }
0x9d: {  	[timem:s7], [sflag:s22] =	dma.local [hbm:s5], s20  }
0x9e: {  	_ =	swait.ge [sflag:s22], s20  }
0x9f: {  	s4 =	ssub.s32 $0x0, s20;
	[sflag:s22] =	ssyncset.done $0x0  }
0xa0: {  	[sflag:s22] =	ssyncadd.s32 s4;
	_ =	sdelay $0x1  }
0xa1: {  	s23 =	simm.s32 $0x1B8B  }
0xa2: {  	_ =	swait.ge [sflag:s23], $0x1  }
0xa3: {  	[sflag:s23] =	ssyncset.done $0x0  }
0xa4: {  	s25 =	simm.s32 $0x1B8E;
	s24 =	sld [smem:$0x3FFE];
	[sflag:s23] =	ssyncadd.s32 $0xFFFFFFFF  }
0xa5: {  	s26 =	simm.s32 $execute0_lowered;
	[smem:$0x3FD2] =	sst s25  }
0xa6: {  	s5 =	sshll.u32 s26, $0x1;
	_ =	strace $0x8000004C;
	[dreg:$0x1] =	wrdreg $0xFFFFFFFF  }
0xa7: {  	s28 =	simm.s32 $_size_execute0_lowered;
	s3 =	sadd.s32 s3, s5;
	[dreg:$0x0] =	wrdreg $0x0  }
0xa8: {  	s5 =	sshll.u32 s28, $0x1;
	[dreg:$0x2] =	wrdreg s3  }
0xa9: {  	[dreg:$0x3] =	wrdreg s5  }
0xaa: {  	[dreg:$0x4] =	wrdreg $0xC0  }
0xab: {  	_ =	task [dreg:s7], $0x5FFFF  }
0xac: {  	[dreg:$0x1] =	wrdreg $0xFFFFFFFF  }
0xad: {  	[dreg:$0x0] =	wrdreg $0x60  }
0xae: {  	[dreg:$0x2] =	wrdreg s24  }
0xaf: {  	[dreg:$0x3] =	wrdreg s2  }
0xb0: {  	[dreg:$0x4] =	wrdreg $0x0  }
0xb1: {  	[dreg:$0x5] =	wrdreg $0x9  }
0xb2: {  	_ =	task.clear_ibuf [dreg:s7], $0x6FFFF;
	_ =	strace $0x9000004C  }
0xb3: {  	s29 =	simm.s32 $0x9;
	_ =	strace $0x8000004E  }
0xb4: {  	_ =	swait.ge [sflag:s29], $0x1  }
0xb5: {  	[sflag:s29] =	ssyncadd.s32 $0xFFFFFFFF  }
0xb6: {  	_ =	strace $0x9000004E  }
0xb7: {  	_ =	sfence  }
0xb8: {  	s30 =	sld [smem:$0x0];
	_ =	sdelay $0x2  }
0xb9: {  	s31 =	sshll.u32 s1, $0xD;
	s1 =	sshrl.u32 s1, $0x2  }
0xba: {  	s3 =	sand.u32 $0x4000, s31;
	s1 =	sadd.s32 s1, s30  }
0xbb: {  	s0 =	sor.u32 s3, s0;
	s1 =	sshll.u32 s1, $0x11  }
0xbc: {  	s0 =	sor.u32 s1, s0  }
0xbd: {  	s0 =	sadd.s32 $0x8F2B, s0  }
0xbe: {  	[sflag:s0] =	ssyncadd.remote.s32 $0x1  }
0xbf: {  	_ =	sfence.sel $0xFFFF  }
0xc0: {  	[dreg:$0x0] =	wrdreg $0xFFFFFFFF;
	(pc) =	sbr.abs _section_cstart, $3  }
0xc1: {  	[dreg:$0x1] =	wrdreg $0xFFFFFFFF  }
0xc2: {  	_ =	task.clear_ibuf [dreg:s7], $0x2FFFF;
	_ =	strace $0x9FFFFFFF  }
0xc3: {  	(tm) =	ssettm $0x7FFFFFFF  }
tec
execute0_lowered:
.L_overlay_start_1:
0x0: {  	(tag) =	ssettag $0x1  }
0x1: {  	s5 =	rddreg [dreg:$0x0]  }
0x2: {  	s8 =	rddreg [dreg:$0x1]  }
0x3: {  	s2 =	rddreg [dreg:$0x2];
	s3 =	simm.s32 $0x0  }
0x4: {  	s0 =	stileid.u32;
	s4 =	srdreg.scid;
	s16 =	simm.s32 $0x5000  }
0x5: {  	s17 =	simm.s32 $0xAF00;
	s18 =	simm.s32 $0x5100;
	s19 =	simm.s32 $0xBF00  }
0x6: {  	s20 =	simm.s32 $0x5200;
	s21 =	simm.s32 $0xCF00;
	s22 =	simm.s32 $0x1  }
0x7: {  	s23 =	simm.s32 $0x4F80;
	s24 =	simm.s32 $0x5;
	s25 =	simm.s32 $0x6  }
0x8: {  	s26 =	simm.s32 $0x7;
	s28 =	simm.s32 $0x8;
	[smem:$0x7FF] =	sst s3  }
0x9: {  	s6 =	smul.u32 $0x9E00, s0;
	s7 =	sand.u32 $0x1, s4;
	s4 =	sadd.s32 $0x5200, s5  }
0xa: {  	s31 =	sshll.u32 s0, $0x6;
	_ =	strace $0x8000004D;
	s9 =	smul.u32 $0x9E000, s7  }
0xb: {  	s11 =	sshll.u32 s7, $0x4;
	s7 =	ssub.s32 $0x2, s7;
	s10 =	sshrl.u32 s6, $0x4  }
0xc: {  	s11 =	sor.u32 s0, s11;
	s30 =	sshrl.u32 s7, $0x1;
	s10 =	sadd.s32 s10, s5  }
0xd: {  	s9 =	sadd.s32 s6, s9;
	s12 =	smul.u32 $0xFFFFFFB0, s11;
	s6 =	sshrl.u32 s6, $0x1  }
0xe: {  	s13 =	ssub.s32 s7, s30;
	s15 =	smul.u32 $0xA00, s11;
	s9 =	sshrl.u32 s9, $0x4  }
0xf: {  	s14 =	sadd.s32 s6, s2;
	s6 =	sor.u32 $0x1C09, s31;
	s9 =	sadd.s32 s9, s5  }
0x10: {  	p0 =	slt.s32 s12, $0xFFFFF68C;
	s5 =	sadd.s32 $0xF000, s10;
	s8 =	sadd.s32 s8, s15  }
0x11: {  	s10 =	smax.u32 s13, $0x1;
	s13 =	simm.s32 $0x80;
	s15 =	simm.s32 $0x9F00  }
0x12: {  	s12 =	simm.s32 @!p0 $0xFFFFF68C;
	s9 =	sadd.s32 $0x18E00, s9;
	p0 =	seq.s32 s11, $0x1F  }
0x13: {  	s11 =	sshrl.u32 s14, $0x3;
	s7 =	sadd.s32 $0x9C4, s12;
	s12 =	simm.s32 $0x9  }
.LBB2_1:
0x14: {  	[spmem:s11], [sflag:s6] =	dma.local [hbm:s5], $0x9E0  }
0x15: {  	_ =	swait.ge [sflag:s12], $0x9E0  }
0x16: {  	[sflag:s12] =	ssyncset.done $0x0  }
0x17: {  	s29 =	simm.s32 @p0 $0x0;
	s30 =	simm.s32 @p0 $0x4F00;
	[sflag:s12] =	ssyncadd.s32 $0xFFFFF620  }
0x18: {  	[tilespmem:s30], [sflag:$0x9] =	stream.linear.gather @p0 [hbm4b:s8+s29], $0x1400, $0x38;
	[tilespmem:$0xDF00] =	vst v63  }
0x19: {  	s29 =	simm.s32 @p0 $0x9  }
0x1a: {  	_ =	swait.ge @p0 [sflag:s29], $0x1400  }
0x1b: {  	[sflag:s29] =	ssyncset.done @p0 $0x0  }
0x1c: {  	s30 =	simm.s32 @!p0 $0x4F00;
	[sflag:s29] =	ssyncadd.s32 @p0 $0xFFFFEC00;
	s29 =	simm.s32 @!p0 $0x0  }
0x1d: {  	[tilespmem:s30], [sflag:$0x9] =	stream.linear.gather @!p0 [hbm4b:s8+s29], $0x5000, $0x38;
	[tilespmem:$0xDF00] =	vst v63  }
0x1e: {  	s29 =	simm.s32 @!p0 $0x9  }
0x1f: {  	_ =	swait.ge @!p0 [sflag:s29], $0x5000  }
0x20: {  	[sflag:s29] =	ssyncset.done @!p0 $0x0  }
0x21: {  	[sflag:s29] =	ssyncadd.s32 @!p0 $0xFFFFB000  }
0x22: {  	s0 =	simm.s32 $0x4F00;
	[bflag:$0x0] =	sbarrier.arrive $0xFFFF  }
0x23: {  	[tilespmem:s15], [sflag:$0x1] =	stream.indirect.gather [hbm4b:s4+s13], $0x20, s0, s13, $0xb8;
	[tilespmem:$0xDF00] =	vst v63  }
0x24: {  	_ = 	snop  }
0x25: {  	[tilespmem:s17], [sflag:$0x2] =	stream.indirect.gather [hbm4b:s4+s13], $0x20, s16, s13, $0xb8;
	[tilespmem:$0xDF00] =	vst v63  }
0x26: {  	_ = 	snop  }
0x27: {  	[tilespmem:s19], [sflag:$0x3] =	stream.indirect.gather [hbm4b:s4+s13], $0x20, s18, s13, $0xb8;
	[tilespmem:$0xDF00] =	vst v63  }
0x28: {  	_ = 	snop  }
0x29: {  	[tilespmem:s21], [sflag:$0x4] =	stream.indirect.gather [hbm4b:s4+s13], $0x20, s20, s13, $0xb8;
	[tilespmem:$0xDF00] =	vst v63  }
0x2a: {  	_ =	swait.ge [sflag:s22], $0x1000  }
0x2b: {  	[sflag:s22] =	ssyncset.done $0x0  }
0x2c: {  	s30 =	simm.s32 $0x4;
	s29 =	simm.s32 $0x5300;
	[sflag:s22] =	ssyncadd.s32 $0xFFFFF000  }
0x2d: {  	[spmem:s2] =	stream.indirect.scatter.add.bf16 [tilespmem:s15], [sflag:$0x5], $0x20, s23, s13, $0xb8;
	[tilespmem:$0xDF00] =	vst v63  }
.LBB2_2:
0x2e: {  	p1 =	sge.u32 s30, s7  }
0x2f: {  	s31 =	sand.u32 @!p1 $0x3, s30  }
0x30: {  	s0 =	sadd.s32 @!p1 $0x5, s31  }
0x31: {  	_ =	swait.ge @!p1 [sflag:s0], $0x1000  }
0x32: {  	s1 =	sadd.s32 $0xFFFFFFFD, s30;
	[sflag:s0] =	ssyncset.done @!p1 $0x0  }
0x33: {  	s1 =	sand.u32 $0x3, s1;
	[sflag:s0] =	ssyncadd.s32 @!p1 $0xFFFFF000;
	s0 =	sshll.u32 @!p1 s31, $0xC  }
0x34: {  	s14 =	simm.s32 @!p1 $0x80;
	s31 =	sadd.s32 @!p1 $0x1, s31;
	s0 =	sadd.s32 @!p1 $0x9F00, s0  }
0x35: {  	[tilespmem:s0], [sflag:s31] =	stream.indirect.gather @!p1 [hbm4b:s4+s14], $0x20, s29, s14, $0xb8;
	[tilespmem:$0xDF00] =	vst v63  }
0x36: {  	s0 =	sadd.s32 $0x1, s1  }
0x37: {  	_ =	swait.ge [sflag:s0], $0x1000  }
0x38: {  	s31 =	sshll.u32 s1, $0xC;
	s1 =	sadd.s32 $0x5, s1;
	[sflag:s0] =	ssyncset.done $0x0  }
0x39: {  	s14 =	sadd.s32 $0x9F00, s31;
	s31 =	sadd.s32 $0xFFFFFD80, s29;
	[sflag:s0] =	ssyncadd.s32 $0xFFFFF000  }
0x3a: {  	[spmem:s2] =	stream.indirect.scatter.add.bf16 [tilespmem:s14], [sflag:s1], $0x20, s31, s13, $0xb8;
	[tilespmem:$0xDF00] =	vst v63  }
0x3b: {  	s31 =	sadd.s32 $0xFFFFFFFE, s30  }
0x3c: {  	p1 =	slt.u32 s31, s7  }
.Ltmp0:
0x3d: {  	_ = 	snop;
	(pc) =	sbr.rel @p1 .LBB2_2-.Ltmp0, $2  }
0x3e: {  	_ =	sdelay $0x2  }
0x3f: {  	s29 =	sadd.s32 $0x100, s29;
	s30 =	sadd.s32 $0x1, s30  }
0x40: {  	_ =	swait.ge [sflag:s24], $0x1000  }
0x41: {  	[sflag:s24] =	ssyncset.done $0x0  }
0x42: {  	[sflag:s24] =	ssyncadd.s32 $0xFFFFF000  }
0x43: {  	_ =	swait.ge [sflag:s25], $0x1000  }
0x44: {  	[sflag:s25] =	ssyncset.done $0x0  }
0x45: {  	[sflag:s25] =	ssyncadd.s32 $0xFFFFF000  }
0x46: {  	_ =	swait.ge [sflag:s26], $0x1000  }
0x47: {  	[sflag:s26] =	ssyncset.done $0x0  }
0x48: {  	[sflag:s26] =	ssyncadd.s32 $0xFFFFF000  }
0x49: {  	_ =	swait.ge [sflag:s28], $0x1000  }
0x4a: {  	s3 =	sadd.s32 $0x1, s3;
	[sflag:s28] =	ssyncset.done $0x0  }
0x4b: {  	p1 =	seq.s32 s3, s10;
	[sflag:s28] =	ssyncadd.s32 $0xFFFFF000  }
.Ltmp1:
0x4c: {  	[bflag:$0x0] =	sbarrier.arrive $0xFFFF;
	(pc) =	sbr.rel @!p1 .LBB2_1-.Ltmp1, $4  }
0x4d: {  	[hbm:s9], [sflag:s6] =	dma.local [spmem:s11], $0x9E0  }
0x4e: {  	_ =	swait.ge [sflag:s12], $0x9E0  }
0x4f: {  	[sflag:s12] =	ssyncset.done $0x0  }
0x50: {  	[sflag:s12] =	ssyncadd.s32 $0xFFFFF620  }
0x51: {  	_ =	sfence.sel $0x180000  }
0x52: {  	[bflag:$0x0] =	sbarrier.arrive $0xFFFF  }
0x53: {  	_ =	strace $0x9000004D  }
0x54: {  	s0 =	stileid.u32;
	[bflag:$0x2] =	sbarrier.arrive $0xFFFF  }
0x55: {  	p0 =	sne.s32 s0, $0x0;
	s0 =	rddreg [dreg:$0x3]  }
0x56: {  	s0 =	sadd.s32 @!p0 $0x100000, s0  }
0x57: {  	[sflag:s0] =	ssyncadd.tile.s32 @!p0 $0x1;
	_ =	shalt  }
.Lfunc_end2:
_tile_overlayer_lowered:
.L_overlay_start_2:
0x58: {  	(tag) =	ssettag $0x2  }
0x59: {  	s0 =	rddreg [dreg:$0x0];
	s2 =	stileid.u32  }
0x5a: {  	s1 =	rddreg [dreg:$0x1];
	p0 =	sne.s32 s2, $0x0  }
0x5b: {  	s3 =	rddreg [dreg:$0x2];
	[bflag:$0x3] =	sbarrier.arrive $0xFFFF;
	s2 =	simm.s32 @!p0 $0x1C09  }
0x5c: {  	[timem:s3], [sflag:s2] =	dma.local @!p0 [hbm:s0], s1  }
0x5d: {  	s0 =	simm.s32 @!p0 $0x9  }
0x5e: {  	_ =	swait.ge @!p0 [sflag:s0], s1  }
0x5f: {  	s1 =	ssub.s32 @!p0 $0x0, s1;
	[sflag:s0] =	ssyncset.done @!p0 $0x0  }
0x60: {  	[sflag:s0] =	ssyncadd.s32 @!p0 s1  }
0x61: {  	[bflag:$0x3] =	sbarrier.arrive $0xFFFF  }
0x62: {  	_ =	shalt  }

// kernel: kernel.19.cloned.1.call-start
scs
__scs_entry_jumppad:
0x0: {  	(pc) =	sbr.rel $0x88, $3  }
0x1: {  	(tag) =	ssettag $0x0;
	lr =	simm.s32 $0x1  }
0x2: {  	[smem:$0x3F94] =	sst lr;
	_ =	strace $0xD0000000  }
0x3: {  	_ = 	snop  }
0x4: {  	_ = 	snop  }
0x5: {  	_ = 	snop  }
0x6: {  	_ = 	snop  }
0x7: {  	_ = 	snop  }
__scs_overlays_trampoline_lowered:
0x8: {  	[smem:$0x3FA3] =	sst s0  }
0x9: {  	[smem:$0x3FA4] =	sst s1  }
0xa: {  	[smem:$0x3FA5] =	sst s2  }
0xb: {  	[smem:$0x3FA6] =	sst s3  }
0xc: {  	[smem:$0x3FA7] =	sst s4  }
0xd: {  	[smem:$0x3FA8] =	sst s5  }
0xe: {  	[smem:$0x3FA9] =	sst s6  }
0xf: {  	[smem:$0x3FAA] =	sst s7  }
0x10: {  	[smem:$0x3FAB] =	sst s8  }
0x11: {  	[smem:$0x3FAC] =	sst s9;
	s0 =	simm.s32 @!p0 $0x0  }
0x12: {  	s1 =	sld [smem:$0x3F92];
	s0 =	simm.s32 @p0 $0x1  }
0x13: {  	[smem:$0x3FAD] =	sst s0;
	s0 =	simm.s32 @!p1 $0x0  }
0x14: {  	s2 =	sld [smem:$0x3F91];
	s0 =	simm.s32 @p1 $0x1  }
0x15: {  	[smem:$0x3FAE] =	sst s0;
	s0 =	simm.s32 @!p2 $0x0  }
0x16: {  	s3 =	sld [smem:$0x3FDB];
	s0 =	simm.s32 @p2 $0x1  }
0x17: {  	s4 =	simm.s32 $0x1BF5;
	[smem:$0x3FB0] =	sst s0  }
0x18: {  	s0 =	sld [smem:$0x3F93];
	_ =	swait.ge [sflag:s4], $0x0  }
0x19: {  	s7 =	sld [smem:$0x3F94]  }
0x1a: {  	s8 =	sadd.s32 $0xFFFFE003, lr  }
0x1b: {  	s9 =	sadd.s32 $0xFFFFFEF7, lr;
	s5 =	simm.s32 $0xFFFFFFFF;
	p2 =	slt.u32 s8, $0xFFFFF086  }
0x1c: {  	p1 =	slt.u32 s9, $0xF7A;
	s5 =	simm.s32 @!p2 $0x0  }
0x1d: {  	s5 =	simm.s32 @p1 $0x1;
	p0 =	seq.s32 s7, s2  }
0x1e: {  	s7 =	smul.u32 @!p0 $0xF7A, s2;
	p2 =	seq.s32 @!p0 s5, $0x0  }
0x1f: {  	s9 =	smul.u32 $0xF7A, s1;
	s8 =	simm.s32 @!p0 $0x1BF5;
	p2 =	por !p2, p0  }
0x20: {  	[sflag:s8] =	ssyncset.s32 @!p0 $0xFFFFF086;
	s6 =	sadd.s32 @!p0 s3, s7;
	s7 =	simm.s32 @!p0 $0x108  }
0x21: {  	s3 =	sadd.s32 s3, s9;
	s6 =	sadd.s32 @!p0 $0x88, s6;
	s7 =	simm.s32 @p2 $0x1082  }
0x22: {  	[simem:s7], [sflag:s8] =	dma.local @!p0 [hbm:s6], $0xF7A  }
0x23: {  	s9 =	sor.u32 $0xD0000000, s2;
	s6 =	simm.s32 $0x108;
	_ =	swait.ge @!p0 [sflag:s8], $0x0  }
0x24: {  	s3 =	sadd.s32 $0x88, s3;
	s6 =	simm.s32 @!p1 $0x1082;
	[sflag:s4] =	ssyncset.s32 $0xFFFFF086  }
0x25: {  	[simem:s6], [sflag:s4] =	dma.local [hbm:s3], $0xF7A  }
0x26: {  	[smem:$0x3F94] =	sst s1;
	(tag) =	ssettag s2;
	_ =	strace s9  }
0x27: {  	s1 =	sld [smem:$0x3FA4]  }
0x28: {  	s2 =	sld [smem:$0x3FA5]  }
0x29: {  	s4 =	sld [smem:$0x3FA7]  }
0x2a: {  	p0 =	seq.s32 s5, $0x0;
	s5 =	sld [smem:$0x3FA8]  }
0x2b: {  	s6 =	sld [smem:$0x3FA9]  }
0x2c: {  	s7 =	sld [smem:$0x3FAA]  }
0x2d: {  	s3 =	simm.s32 $0x108;
	s8 =	sld [smem:$0x3FAB]  }
0x2e: {  	s3 =	simm.s32 @!p0 $0x1082;
	s9 =	sld [smem:$0x3FAC]  }
0x2f: {  	lr =	sadd.s32 s0, s3;
	s0 =	sld [smem:$0x3FA3]  }
0x30: {  	s3 =	sld [smem:$0x3FA6]  }
0x31: {  	[smem:$0x3FAF] =	sst s10  }
0x32: {  	s10 =	sld [smem:$0x3FAD];
	_ =	sdelay $0x3  }
0x33: {  	p0 =	seq.s32 s10, $0x1;
	s10 =	sld [smem:$0x3FAF];
	_ =	sdelay $0x3  }
0x34: {  	[smem:$0x3FAF] =	sst s10  }
0x35: {  	s10 =	sld [smem:$0x3FAE];
	_ =	sdelay $0x3  }
0x36: {  	p1 =	seq.s32 s10, $0x1;
	s10 =	sld [smem:$0x3FAF];
	_ =	sdelay $0x3  }
0x37: {  	[smem:$0x3FAF] =	sst s10  }
0x38: {  	s10 =	sld [smem:$0x3FB0]  }
0x39: {  	_ = 	snop;
	(pc) =	sbr.ind lr, $3  }
0x3a: {  	_ = 	snop  }
0x3b: {  	_ = 	snop  }
0x3c: {  	p2 =	seq.s32 s10, $0x1;
	s10 =	sld [smem:$0x3FAF]  }
0x3d: {  	_ =	shalt  }
0x3e: {  	_ =	shalt  }
0x3f: {  	_ =	shalt  }
0x40: {  	_ =	shalt  }
0x41: {  	_ =	shalt  }
0x42: {  	_ =	shalt  }
0x43: {  	_ =	shalt  }
0x44: {  	_ =	shalt  }
0x45: {  	_ =	shalt  }
0x46: {  	_ =	shalt  }
0x47: {  	_ =	shalt  }
0x48: {  	_ =	shalt  }
0x49: {  	_ =	shalt  }
0x4a: {  	_ =	shalt  }
0x4b: {  	_ =	shalt  }
0x4c: {  	_ =	shalt  }
0x4d: {  	_ =	shalt  }
0x4e: {  	_ =	shalt  }
0x4f: {  	_ =	shalt  }
0x50: {  	_ =	shalt  }
0x51: {  	_ =	shalt  }
0x52: {  	_ =	shalt  }
0x53: {  	_ =	shalt  }
0x54: {  	_ =	shalt  }
0x55: {  	_ =	shalt  }
0x56: {  	_ =	shalt  }
0x57: {  	_ =	shalt  }
0x58: {  	_ =	shalt  }
0x59: {  	_ =	shalt  }
0x5a: {  	_ =	shalt  }
0x5b: {  	_ =	shalt  }
0x5c: {  	_ =	shalt  }
0x5d: {  	_ =	shalt  }
0x5e: {  	_ =	shalt  }
0x5f: {  	_ =	shalt  }
0x60: {  	_ =	shalt  }
0x61: {  	_ =	shalt  }
0x62: {  	_ =	shalt  }
0x63: {  	_ =	shalt  }
0x64: {  	_ =	shalt  }
0x65: {  	_ =	shalt  }
0x66: {  	_ =	shalt  }
0x67: {  	_ =	shalt  }
0x68: {  	_ =	shalt  }
0x69: {  	_ =	shalt  }
0x6a: {  	_ =	shalt  }
0x6b: {  	_ =	shalt  }
0x6c: {  	_ =	shalt  }
0x6d: {  	_ =	shalt  }
0x6e: {  	_ =	shalt  }
0x6f: {  	_ =	shalt  }
0x70: {  	_ =	shalt  }
0x71: {  	_ =	shalt  }
0x72: {  	_ =	shalt  }
0x73: {  	_ =	shalt  }
0x74: {  	_ =	shalt  }
0x75: {  	_ =	shalt  }
0x76: {  	_ =	shalt  }
0x77: {  	_ =	shalt  }
0x78: {  	_ =	shalt  }
0x79: {  	_ =	shalt  }
0x7a: {  	_ =	shalt  }
0x7b: {  	_ =	shalt  }
0x7c: {  	_ =	shalt  }
0x7d: {  	_ =	shalt  }
0x7e: {  	_ =	shalt  }
0x7f: {  	_ =	shalt  }
0x80: {  	_ =	shalt  }
0x81: {  	_ =	shalt  }
0x82: {  	_ =	shalt  }
0x83: {  	_ =	shalt  }
0x84: {  	_ =	shalt  }
0x85: {  	_ =	shalt  }
0x86: {  	_ =	shalt  }
0x87: {  	_ =	shalt  }
.Lfunc_end0:
.L_simem_size_0:
called_computation.3_lowered:
.L_overlay_start_0:
0x88: {  	s2 =	sld [smem:$0x3FD9]  }
0x89: {  	s3 =	sld [smem:$0x3FFE];
	_ =	sdelay $0x1  }
0x8a: {  	s1 =	srdreg.scid  }
0x8b: {  	s0 =	sand.u32 $0x1, s1  }
0x8c: {  	s17 =	sshll.u32 s0, $0xA;
	s2 =	sadd.s32 s3, s2  }
0x8d: {  	s2 =	sadd.s32 s2, s17  }
0x8e: {  	[smem:$0x3FBB] =	sst s2  }
0x8f: {  	_ = 	snop  }
0x90: {  	s2 =	sld [smem:$0x3FC8];
	(tm) =	ssettm $0x1  }
0x91: {  	s18 =	sld [smem:$0x3FFB];
	_ =	sdelay $0x3  }
0x92: {  	_ =	strace s18  }
0x93: {  	s3 =	sld [smem:$0x3FFC];
	_ =	sdelay $0x3  }
0x94: {  	_ =	strace s3  }
0x95: {  	s3 =	sld [smem:$0x3FFD];
	_ =	sdelay $0x3  }
0x96: {  	_ =	strace s3  }
0x97: {  	_ =	strace $0x8FFFFFFF  }
0x98: {  	s19 =	sld [smem:$0x3FDB];
	_ =	sdelay $0x1  }
0x99: {  	s4 =	simm.s32 $_scs_section_size  }
0x9a: {  	s5 =	simm.s32 $_size__tile_overlayer_lowered;
	s6 =	simm.s32 $_tile_overlayer_lowered  }
0x9b: {  	s22 =	simm.s32 $0x1BFF;
	s21 =	sshll.u32 s6, $0x1;
	s3 =	sadd.s32 s4, s19  }
0x9c: {  	s7 =	simm.s32 $0x0;
	s20 =	sshll.u32 s5, $0x1;
	s5 =	sadd.s32 s21, s3  }
0x9d: {  	[timem:s7], [sflag:s22] =	dma.local [hbm:s5], s20  }
0x9e: {  	_ =	swait.ge [sflag:s22], s20  }
0x9f: {  	s4 =	ssub.s32 $0x0, s20;
	[sflag:s22] =	ssyncset.done $0x0  }
0xa0: {  	[sflag:s22] =	ssyncadd.s32 s4;
	_ =	sdelay $0x1  }
0xa1: {  	s23 =	simm.s32 $0x1B8B  }
0xa2: {  	_ =	swait.ge [sflag:s23], $0x1  }
0xa3: {  	[sflag:s23] =	ssyncset.done $0x0  }
0xa4: {  	s25 =	simm.s32 $0x1B8E;
	s24 =	sld [smem:$0x3FFE];
	[sflag:s23] =	ssyncadd.s32 $0xFFFFFFFF  }
0xa5: {  	s26 =	simm.s32 $execute0_lowered;
	[smem:$0x3FD2] =	sst s25  }
0xa6: {  	s5 =	sshll.u32 s26, $0x1;
	_ =	strace $0x8000004F;
	[dreg:$0x1] =	wrdreg $0xFFFFFFFF  }
0xa7: {  	s28 =	simm.s32 $_size_execute0_lowered;
	s3 =	sadd.s32 s3, s5;
	[dreg:$0x0] =	wrdreg $0x0  }
0xa8: {  	s5 =	sshll.u32 s28, $0x1;
	[dreg:$0x2] =	wrdreg s3  }
0xa9: {  	[dreg:$0x3] =	wrdreg s5  }
0xaa: {  	[dreg:$0x4] =	wrdreg $0xC0  }
0xab: {  	_ =	task [dreg:s7], $0x5FFFF  }
0xac: {  	[dreg:$0x1] =	wrdreg $0xFFFFFFFF  }
0xad: {  	[dreg:$0x0] =	wrdreg $0x60  }
0xae: {  	[dreg:$0x2] =	wrdreg s24  }
0xaf: {  	[dreg:$0x3] =	wrdreg s2  }
0xb0: {  	[dreg:$0x4] =	wrdreg $0x0  }
0xb1: {  	[dreg:$0x5] =	wrdreg $0x9  }
0xb2: {  	_ =	task.clear_ibuf [dreg:s7], $0x6FFFF;
	_ =	strace $0x9000004F  }
0xb3: {  	s29 =	simm.s32 $0x9;
	_ =	strace $0x80000051  }
0xb4: {  	_ =	swait.ge [sflag:s29], $0x1  }
0xb5: {  	[sflag:s29] =	ssyncadd.s32 $0xFFFFFFFF  }
0xb6: {  	_ =	strace $0x90000051  }
0xb7: {  	_ =	sfence  }
0xb8: {  	s30 =	sld [smem:$0x0];
	_ =	sdelay $0x2  }
0xb9: {  	s31 =	sshll.u32 s1, $0xD;
	s1 =	sshrl.u32 s1, $0x2  }
0xba: {  	s3 =	sand.u32 $0x4000, s31;
	s1 =	sadd.s32 s1, s30  }
0xbb: {  	s0 =	sor.u32 s3, s0;
	s1 =	sshll.u32 s1, $0x11  }
0xbc: {  	s0 =	sor.u32 s1, s0  }
0xbd: {  	s0 =	sadd.s32 $0x8F2B, s0  }
0xbe: {  	[sflag:s0] =	ssyncadd.remote.s32 $0x1  }
0xbf: {  	_ =	sfence.sel $0xFFFF  }
0xc0: {  	[dreg:$0x0] =	wrdreg $0xFFFFFFFF;
	(pc) =	sbr.abs _section_cstart, $3  }
0xc1: {  	[dreg:$0x1] =	wrdreg $0xFFFFFFFF  }
0xc2: {  	_ =	task.clear_ibuf [dreg:s7], $0x2FFFF;
	_ =	strace $0x9FFFFFFF  }
0xc3: {  	(tm) =	ssettm $0x7FFFFFFF  }
tec
execute0_lowered:
.L_overlay_start_1:
0x0: {  	(tag) =	ssettag $0x1  }
0x1: {  	s5 =	rddreg [dreg:$0x0]  }
0x2: {  	s8 =	rddreg [dreg:$0x1]  }
0x3: {  	s2 =	rddreg [dreg:$0x2];
	s3 =	simm.s32 $0x0  }
0x4: {  	s0 =	stileid.u32;
	s4 =	srdreg.scid;
	s16 =	simm.s32 $0x5000  }
0x5: {  	s17 =	simm.s32 $0xAF00;
	s18 =	simm.s32 $0x5100;
	s19 =	simm.s32 $0xBF00  }
0x6: {  	s20 =	simm.s32 $0x5200;
	s21 =	simm.s32 $0xCF00;
	s22 =	simm.s32 $0x1  }
0x7: {  	s23 =	simm.s32 $0x4F80;
	s24 =	simm.s32 $0x5;
	s25 =	simm.s32 $0x6  }
0x8: {  	s26 =	simm.s32 $0x7;
	s28 =	simm.s32 $0x8;
	[smem:$0x7FF] =	sst s3  }
0x9: {  	s6 =	smul.u32 $0x9E00, s0;
	s7 =	sand.u32 $0x1, s4;
	s4 =	sadd.s32 $0x4A00, s5  }
0xa: {  	s31 =	sshll.u32 s0, $0x6;
	_ =	strace $0x80000050;
	s9 =	smul.u32 $0x9E000, s7  }
0xb: {  	s11 =	sshll.u32 s7, $0x4;
	s7 =	ssub.s32 $0x2, s7;
	s10 =	sshrl.u32 s6, $0x4  }
0xc: {  	s11 =	sor.u32 s0, s11;
	s30 =	sshrl.u32 s7, $0x1;
	s10 =	sadd.s32 s10, s5  }
0xd: {  	s9 =	sadd.s32 s6, s9;
	s12 =	smul.u32 $0xFFFFFFB0, s11;
	s6 =	sshrl.u32 s6, $0x1  }
0xe: {  	s13 =	ssub.s32 s7, s30;
	s15 =	smul.u32 $0xA00, s11;
	s9 =	sshrl.u32 s9, $0x4  }
0xf: {  	s14 =	sadd.s32 s6, s2;
	s6 =	sor.u32 $0x1C09, s31;
	s9 =	sadd.s32 s9, s5  }
0x10: {  	p0 =	slt.s32 s12, $0xFFFFF68C;
	s5 =	sadd.s32 $0xF000, s10;
	s8 =	sadd.s32 s8, s15  }
0x11: {  	s10 =	smax.u32 s13, $0x1;
	s13 =	simm.s32 $0x80;
	s15 =	simm.s32 $0x9F00  }
0x12: {  	s12 =	simm.s32 @!p0 $0xFFFFF68C;
	s9 =	sadd.s32 $0x18E00, s9;
	p0 =	seq.s32 s11, $0x1F  }
0x13: {  	s11 =	sshrl.u32 s14, $0x3;
	s7 =	sadd.s32 $0x9C4, s12;
	s12 =	simm.s32 $0x9  }
.LBB2_1:
0x14: {  	[spmem:s11], [sflag:s6] =	dma.local [hbm:s5], $0x9E0  }
0x15: {  	_ =	swait.ge [sflag:s12], $0x9E0  }
0x16: {  	[sflag:s12] =	ssyncset.done $0x0  }
0x17: {  	s29 =	simm.s32 @p0 $0x0;
	s30 =	simm.s32 @p0 $0x4F00;
	[sflag:s12] =	ssyncadd.s32 $0xFFFFF620  }
0x18: {  	[tilespmem:s30], [sflag:$0x9] =	stream.linear.gather @p0 [hbm4b:s8+s29], $0x1400, $0x38;
	[tilespmem:$0xDF00] =	vst v63  }
0x19: {  	s29 =	simm.s32 @p0 $0x9  }
0x1a: {  	_ =	swait.ge @p0 [sflag:s29], $0x1400  }
0x1b: {  	[sflag:s29] =	ssyncset.done @p0 $0x0  }
0x1c: {  	s30 =	simm.s32 @!p0 $0x4F00;
	[sflag:s29] =	ssyncadd.s32 @p0 $0xFFFFEC00;
	s29 =	simm.s32 @!p0 $0x0  }
0x1d: {  	[tilespmem:s30], [sflag:$0x9] =	stream.linear.gather @!p0 [hbm4b:s8+s29], $0x5000, $0x38;
	[tilespmem:$0xDF00] =	vst v63  }
0x1e: {  	s29 =	simm.s32 @!p0 $0x9  }
0x1f: {  	_ =	swait.ge @!p0 [sflag:s29], $0x5000  }
0x20: {  	[sflag:s29] =	ssyncset.done @!p0 $0x0  }
0x21: {  	[sflag:s29] =	ssyncadd.s32 @!p0 $0xFFFFB000  }
0x22: {  	s0 =	simm.s32 $0x4F00;
	[bflag:$0x0] =	sbarrier.arrive $0xFFFF  }
0x23: {  	[tilespmem:s15], [sflag:$0x1] =	stream.indirect.gather [hbm4b:s4+s13], $0x20, s0, s13, $0xb8;
	[tilespmem:$0xDF00] =	vst v63  }
0x24: {  	_ = 	snop  }
0x25: {  	[tilespmem:s17], [sflag:$0x2] =	stream.indirect.gather [hbm4b:s4+s13], $0x20, s16, s13, $0xb8;
	[tilespmem:$0xDF00] =	vst v63  }
0x26: {  	_ = 	snop  }
0x27: {  	[tilespmem:s19], [sflag:$0x3] =	stream.indirect.gather [hbm4b:s4+s13], $0x20, s18, s13, $0xb8;
	[tilespmem:$0xDF00] =	vst v63  }
0x28: {  	_ = 	snop  }
0x29: {  	[tilespmem:s21], [sflag:$0x4] =	stream.indirect.gather [hbm4b:s4+s13], $0x20, s20, s13, $0xb8;
	[tilespmem:$0xDF00] =	vst v63  }
0x2a: {  	_ =	swait.ge [sflag:s22], $0x1000  }
0x2b: {  	[sflag:s22] =	ssyncset.done $0x0  }
0x2c: {  	s30 =	simm.s32 $0x4;
	s29 =	simm.s32 $0x5300;
	[sflag:s22] =	ssyncadd.s32 $0xFFFFF000  }
0x2d: {  	[spmem:s2] =	stream.indirect.scatter.add.bf16 [tilespmem:s15], [sflag:$0x5], $0x20, s23, s13, $0xb8;
	[tilespmem:$0xDF00] =	vst v63  }
.LBB2_2:
0x2e: {  	p1 =	sge.u32 s30, s7  }
0x2f: {  	s31 =	sand.u32 @!p1 $0x3, s30  }
0x30: {  	s0 =	sadd.s32 @!p1 $0x5, s31  }
0x31: {  	_ =	swait.ge @!p1 [sflag:s0], $0x1000  }
0x32: {  	s1 =	sadd.s32 $0xFFFFFFFD, s30;
	[sflag:s0] =	ssyncset.done @!p1 $0x0  }
0x33: {  	s1 =	sand.u32 $0x3, s1;
	[sflag:s0] =	ssyncadd.s32 @!p1 $0xFFFFF000;
	s0 =	sshll.u32 @!p1 s31, $0xC  }
0x34: {  	s14 =	simm.s32 @!p1 $0x80;
	s31 =	sadd.s32 @!p1 $0x1, s31;
	s0 =	sadd.s32 @!p1 $0x9F00, s0  }
0x35: {  	[tilespmem:s0], [sflag:s31] =	stream.indirect.gather @!p1 [hbm4b:s4+s14], $0x20, s29, s14, $0xb8;
	[tilespmem:$0xDF00] =	vst v63  }
0x36: {  	s0 =	sadd.s32 $0x1, s1  }
0x37: {  	_ =	swait.ge [sflag:s0], $0x1000  }
0x38: {  	s31 =	sshll.u32 s1, $0xC;
	s1 =	sadd.s32 $0x5, s1;
	[sflag:s0] =	ssyncset.done $0x0  }
0x39: {  	s14 =	sadd.s32 $0x9F00, s31;
	s31 =	sadd.s32 $0xFFFFFD80, s29;
	[sflag:s0] =	ssyncadd.s32 $0xFFFFF000  }
0x3a: {  	[spmem:s2] =	stream.indirect.scatter.add.bf16 [tilespmem:s14], [sflag:s1], $0x20, s31, s13, $0xb8;
	[tilespmem:$0xDF00] =	vst v63  }
0x3b: {  	s31 =	sadd.s32 $0xFFFFFFFE, s30  }
0x3c: {  	p1 =	slt.u32 s31, s7  }
.Ltmp0:
0x3d: {  	_ = 	snop;
	(pc) =	sbr.rel @p1 .LBB2_2-.Ltmp0, $2  }
0x3e: {  	_ =	sdelay $0x2  }
0x3f: {  	s29 =	sadd.s32 $0x100, s29;
	s30 =	sadd.s32 $0x1, s30  }
0x40: {  	_ =	swait.ge [sflag:s24], $0x1000  }
0x41: {  	[sflag:s24] =	ssyncset.done $0x0  }
0x42: {  	[sflag:s24] =	ssyncadd.s32 $0xFFFFF000  }
0x43: {  	_ =	swait.ge [sflag:s25], $0x1000  }
0x44: {  	[sflag:s25] =	ssyncset.done $0x0  }
0x45: {  	[sflag:s25] =	ssyncadd.s32 $0xFFFFF000  }
0x46: {  	_ =	swait.ge [sflag:s26], $0x1000  }
0x47: {  	[sflag:s26] =	ssyncset.done $0x0  }
0x48: {  	[sflag:s26] =	ssyncadd.s32 $0xFFFFF000  }
0x49: {  	_ =	swait.ge [sflag:s28], $0x1000  }
0x4a: {  	s3 =	sadd.s32 $0x1, s3;
	[sflag:s28] =	ssyncset.done $0x0  }
0x4b: {  	p1 =	seq.s32 s3, s10;
	[sflag:s28] =	ssyncadd.s32 $0xFFFFF000  }
.Ltmp1:
0x4c: {  	[bflag:$0x0] =	sbarrier.arrive $0xFFFF;
	(pc) =	sbr.rel @!p1 .LBB2_1-.Ltmp1, $4  }
0x4d: {  	[hbm:s9], [sflag:s6] =	dma.local [spmem:s11], $0x9E0  }
0x4e: {  	_ =	swait.ge [sflag:s12], $0x9E0  }
0x4f: {  	[sflag:s12] =	ssyncset.done $0x0  }
0x50: {  	[sflag:s12] =	ssyncadd.s32 $0xFFFFF620  }
0x51: {  	_ =	sfence.sel $0x180000  }
0x52: {  	[bflag:$0x0] =	sbarrier.arrive $0xFFFF  }
0x53: {  	_ =	strace $0x90000050  }
0x54: {  	s0 =	stileid.u32;
	[bflag:$0x2] =	sbarrier.arrive $0xFFFF  }
0x55: {  	p0 =	sne.s32 s0, $0x0;
	s0 =	rddreg [dreg:$0x3]  }
0x56: {  	s0 =	sadd.s32 @!p0 $0x100000, s0  }
0x57: {  	[sflag:s0] =	ssyncadd.tile.s32 @!p0 $0x1;
	_ =	shalt  }
.Lfunc_end2:
_tile_overlayer_lowered:
.L_overlay_start_2:
0x58: {  	(tag) =	ssettag $0x2  }
0x59: {  	s0 =	rddreg [dreg:$0x0];
	s2 =	stileid.u32  }
0x5a: {  	s1 =	rddreg [dreg:$0x1];
	p0 =	sne.s32 s2, $0x0  }
0x5b: {  	s3 =	rddreg [dreg:$0x2];
	[bflag:$0x3] =	sbarrier.arrive $0xFFFF;
	s2 =	simm.s32 @!p0 $0x1C09  }
0x5c: {  	[timem:s3], [sflag:s2] =	dma.local @!p0 [hbm:s0], s1  }
0x5d: {  	s0 =	simm.s32 @!p0 $0x9  }
0x5e: {  	_ =	swait.ge @!p0 [sflag:s0], s1  }
0x5f: {  	s1 =	ssub.s32 @!p0 $0x0, s1;
	[sflag:s0] =	ssyncset.done @!p0 $0x0  }
0x60: {  	[sflag:s0] =	ssyncadd.s32 @!p0 s1  }
0x61: {  	[bflag:$0x3] =	sbarrier.arrive $0xFFFF  }
0x62: {  	_ =	shalt  }

</sc_bundles>
